<compile_context>
chip_gen: v7x
topology: tpu7x:2x2x1
jax: 0.10.2.dev20260603
libtpu: 0.0.44.dev20260713+nightly
codegen_flags: <defaults>
</compile_context>

<pallas_src>
import jax
import jax.numpy as jnp
from jax import lax
from jax.experimental import pallas as pl
from jax.experimental.pallas import tpu as pltpu

DIM = 512
NUM_HEADS = 128
TOP_K = 32
BLOCK = 256
NUM_BLOCKS = 64
STATE = 16384
HIDDEN = int(DIM * 8 / 3)
EPS = 1.1920929e-07

ATT_T = 128


def _rms(x, w):
    return x * lax.rsqrt(jnp.mean(x * x, axis=-1, keepdims=True) + EPS) * w



def _bf(x):
    return x.astype(jnp.bfloat16).astype(jnp.float32)


def _bdot(a, b):
    return jnp.dot(a.astype(jnp.bfloat16), b.astype(jnp.bfloat16),
                   preferred_element_type=jnp.float32)


def _attn_ffn_body(x_ref, q_ref, tk_ref, bk_ref, tv_ref, bv_ref,
                   wo_ref, n2_ref, wg_ref, wu_ref, wd_ref, o_ref):
    q = q_ref[...]
    qpos = q > 0.0
    tk = tk_ref[...]
    bk = bk_ref[...]
    q3 = q[:, None, :]
    qpos3 = qpos[:, None, :]
    ksel = jnp.where(qpos3, tk[None], bk[None])
    s3 = q3 * ksel
    sm = q * jnp.where(qpos, tk[TOP_K - 1][None, :], bk[0][None, :])
    p3 = jnp.exp(s3 - sm[:, None, :])
    ssum = p3.sum(axis=1, keepdims=True)
    a3 = _bf(p3 / ssum)
    tv = _bf(tv_ref[...])
    bv = _bf(bv_ref[...])
    outs = []
    for dd in range(4):
        vsel = jnp.where(qpos3, tv[None, :, dd, :], bv[None, :, dd, :])
        outs.append((a3 * vsel).sum(axis=1))
    attn = jnp.stack(outs, axis=-1).reshape(q.shape[0], DIM)
    x = x_ref[...] + _bdot(attn, wo_ref[...])
    xn = _rms(x, n2_ref[...])
    g = _bdot(xn, wg_ref[...])
    u = _bdot(xn, wu_ref[...])
    h = g * jax.nn.sigmoid(g) * u
    o_ref[...] = x + _bdot(h, wd_ref[...])


def _attn_ffn(x, q, tk, bk, tv, bv, woT, n2, wgT, wuT, wdT):
    T = ATT_T
    grid = (STATE // T,)
    full = lambda s: pl.BlockSpec(s, lambda i: (0,) * len(s))
    return pl.pallas_call(
        _attn_ffn_body,
        grid=grid,
        in_specs=[
            pl.BlockSpec((T, DIM), lambda i: (i, 0)),
            pl.BlockSpec((T, NUM_HEADS), lambda i: (i, 0)),
            full((TOP_K, NUM_HEADS)),
            full((TOP_K, NUM_HEADS)),
            full((TOP_K, 4, NUM_HEADS)),
            full((TOP_K, 4, NUM_HEADS)),
            full((DIM, DIM)),
            full((DIM,)),
            full((DIM, HIDDEN)),
            full((DIM, HIDDEN)),
            full((HIDDEN, DIM)),
        ],
        out_specs=pl.BlockSpec((T, DIM), lambda i: (i, 0)),
        out_shape=jax.ShapeDtypeStruct((STATE, DIM), jnp.float32),
    )(x, q, tk, bk, tv, bv, woT, n2, wgT, wuT, wdT)



def _final_body(x_ref, n_ref, w_ref, o_ref):
    xn = _rms(x_ref[...], n_ref[...])
    o_ref[...] = _bdot(xn, w_ref[...])


def _final(x, fn, woutT):
    T = ATT_T
    full = lambda s: pl.BlockSpec(s, lambda i: (0,) * len(s))
    return pl.pallas_call(
        _final_body,
        grid=(STATE // T,),
        in_specs=[
            pl.BlockSpec((T, DIM), lambda i: (i, 0)),
            full((DIM,)),
            full((DIM, 256)),
        ],
        out_specs=pl.BlockSpec((T, 256), lambda i: (i, 0)),
        out_shape=jax.ShapeDtypeStruct((STATE, 256), jnp.float32),
    )(x, fn, woutT)


def _layer(x, n1, wq, wk, wv, woT, n2, wgT, wuT, wdT):
    xn = _rms(x, n1)
    q_all = jnp.einsum('bsd,hd->bhs', xn, wq)
    keys = jnp.einsum('bsd,hd->bhs', xn, wk)
    b, S, d = x.shape
    dv = d // NUM_HEADS
    v = (xn @ wv.T).reshape(b, S, NUM_HEADS, dv).transpose(0, 2, 1, 3)
    k_idx = jnp.argsort(keys, axis=-1)
    topi = k_idx[:, :, -TOP_K:]
    boti = k_idx[:, :, :TOP_K]
    top_keys = jnp.take_along_axis(keys, topi, axis=-1)
    bot_keys = jnp.take_along_axis(keys, boti, axis=-1)
    top_vals = jnp.take_along_axis(v, topi[..., None], axis=2)
    bot_vals = jnp.take_along_axis(v, boti[..., None], axis=2)
    tk = top_keys[0].T
    bk = bot_keys[0].T
    tv = top_vals[0].transpose(1, 2, 0)
    bv = bot_vals[0].transpose(1, 2, 0)
    return _attn_ffn(x[0], q_all[0].T, tk, bk, tv, bv,
                     woT, n2, wgT, wuT, wdT)[None]


def kernel(state_bytes, sparse, byte_embed, block_pos, local_pos, l0_n1, l0_wq, l0_wk, l0_wv, l0_wo, l0_n2, l0_wg, l0_wu, l0_wd, l1_n1, l1_wq, l1_wk, l1_wv, l1_wo, l1_n2, l1_wg, l1_wu, l1_wd, final_norm, w_out):
    x = byte_embed[state_bytes]
    bp = jnp.repeat(block_pos, BLOCK, axis=0)[None]
    lp = jnp.tile(local_pos, (NUM_BLOCKS, 1))[None]
    x = x + bp + lp
    x = _layer(x, l0_n1, l0_wq, l0_wk, l0_wv, l0_wo.T, l0_n2,
               l0_wg.T, l0_wu.T, l0_wd.T)
    x = _layer(x, l1_n1, l1_wq, l1_wk, l1_wv, l1_wo.T, l1_n2,
               l1_wg.T, l1_wu.T, l1_wd.T)
    out = _final(x[0], final_norm, w_out.T)
    return out.reshape(1, STATE, 256)

# --- scband reference (transcript-rebuilt; emitter-appended) ---
"""Pipeline reference for scband-c4-transformer-62380105007440 (READ-ONLY COPY).

The authoritative reference and input builder live on the scoring server;
editing this copy changes nothing except your own understanding.
"""

import jax, jax.numpy as jnp
import numpy as np

DIM = 512
NUM_HEADS = 128
TOP_K = 32
CHUNK = 8192
BLOCK = 256
NUM_BLOCKS = 64
STATE = 16384
HIDDEN = int(DIM * 8 / 3)
EPS = 1.1920929e-07


def rmsnorm(x, w):
    return x * jax.lax.rsqrt(jnp.mean(x * x, axis=-1, keepdims=True) + EPS) * w


def topk_sorted_attention(x, wq, wk, wv, wo):
    b, S, d = x.shape
    dv = d // NUM_HEADS
    q_all = jnp.einsum('bsd,hd->bhs', x, wq)
    keys = jnp.einsum('bsd,hd->bhs', x, wk)
    v = (x @ wv.T).reshape(b, S, NUM_HEADS, dv).transpose(0, 2, 1, 3)
    k_idx = jnp.argsort(keys, axis=-1)
    k_sorted = jnp.take_along_axis(keys, k_idx, axis=-1)
    v_sorted = jnp.take_along_axis(v, k_idx[..., None], axis=2)
    top_keys = k_sorted[:, :, -TOP_K:]
    bot_keys = k_sorted[:, :, :TOP_K]
    top_vals = v_sorted[:, :, -TOP_K:, :]
    bot_vals = v_sorted[:, :, :TOP_K, :]
    outs = []
    for i in range(0, S, CHUNK):
        qc = q_all[:, :, i:i + CHUNK]
        attn_top = jax.nn.softmax(qc[..., None] * top_keys[:, :, None, :], axis=-1)
        attn_bot = jax.nn.softmax(qc[..., None] * bot_keys[:, :, None, :], axis=-1)
        out_top = jnp.einsum('bhck,bhkd->bhcd', attn_top, top_vals)
        out_bot = jnp.einsum('bhck,bhkd->bhcd', attn_bot, bot_vals)
        qp = (qc > 0).astype(x.dtype)[..., None]
        outs.append(qp * out_top + (1.0 - qp) * out_bot)
    out = jnp.concatenate(outs, axis=2).transpose(0, 2, 1, 3).reshape(b, S, d)
    return out @ wo.T


def swiglu(x, wg, wu, wd):
    return (jax.nn.silu(x @ wg.T) * (x @ wu.T)) @ wd.T


def transformer_block(x, n1, wq, wk, wv, wo, n2, wg, wu, wd):
    x = x + topk_sorted_attention(rmsnorm(x, n1), wq, wk, wv, wo)
    x = x + swiglu(rmsnorm(x, n2), wg, wu, wd)
    return x


def forward(state_bytes, byte_embed, block_pos, local_pos, layers, final_norm, w_out):
    x = byte_embed[state_bytes]
    bp = jnp.repeat(block_pos, BLOCK, axis=0)[None]
    lp = jnp.tile(local_pos, (NUM_BLOCKS, 1))[None]
    x = x + bp + lp
    for p in layers:
        x = transformer_block(x, *p)
    x = rmsnorm(x, final_norm)
    return x @ w_out.T


def setup_inputs(seed: int = 0) -> dict:
    key = jax.random.key(seed)
    ks = jax.random.split(key, 24)

    def w(k, shape):
        return jax.random.normal(k, shape, dtype=jnp.float32) * 0.02

    inp = {}
    inp['state_bytes'] = jax.random.randint(ks[0], (1, STATE), 0, 256)
    inp['sparse'] = 0
    inp['byte_embed'] = w(ks[1], (256, DIM))
    inp['block_pos'] = w(ks[2], (NUM_BLOCKS, DIM))
    inp['local_pos'] = w(ks[3], (BLOCK, DIM))
    i = 4
    for l in range(2):
        inp['l%d_n1' % l] = jnp.ones((DIM,), jnp.float32)
        inp['l%d_wq' % l] = w(ks[i], (NUM_HEADS, DIM)); i += 1
        inp['l%d_wk' % l] = w(ks[i], (NUM_HEADS, DIM)); i += 1
        inp['l%d_wv' % l] = w(ks[i], (DIM, DIM)); i += 1
        inp['l%d_wo' % l] = w(ks[i], (DIM, DIM)); i += 1
        inp['l%d_n2' % l] = jnp.ones((DIM,), jnp.float32)
        inp['l%d_wg' % l] = w(ks[i], (HIDDEN, DIM)); i += 1
        inp['l%d_wu' % l] = w(ks[i], (HIDDEN, DIM)); i += 1
        inp['l%d_wd' % l] = w(ks[i], (DIM, HIDDEN)); i += 1
    inp['final_norm'] = jnp.ones((DIM,), jnp.float32)
    inp['w_out'] = w(ks[i], (256, DIM))
    return inp


def reference(state_bytes, sparse, byte_embed, block_pos, local_pos, l0_n1, l0_wq, l0_wk, l0_wv, l0_wo, l0_n2, l0_wg, l0_wu, l0_wd, l1_n1, l1_wq, l1_wk, l1_wv, l1_wo, l1_n2, l1_wg, l1_wu, l1_wd, final_norm, w_out):
    layers = [
        (l0_n1, l0_wq, l0_wk, l0_wv, l0_wo, l0_n2, l0_wg, l0_wu, l0_wd),
        (l1_n1, l1_wq, l1_wk, l1_wv, l1_wo, l1_n2, l1_wg, l1_wu, l1_wd),
    ]
    return forward(state_bytes, byte_embed, block_pos, local_pos, layers, final_norm, w_out)

if __name__ == "__main__":
    import jax
    _d = setup_inputs()
    print(jax.jit(kernel)(*tuple(_d.values())))

</pallas_src>

<mosaic_0001>
module attributes {stable_mosaic.version = 14 : i64} {
  func.func @_attn_ffn_body(%arg0: i32, %arg1: memref<128x512xf32, #tpu.memory_space<vmem>>, %arg2: memref<128x128xf32, #tpu.memory_space<vmem>>, %arg3: memref<32x128xf32, #tpu.memory_space<vmem>>, %arg4: memref<32x128xf32, #tpu.memory_space<vmem>>, %arg5: memref<32x4x128xf32, #tpu.memory_space<vmem>>, %arg6: memref<32x4x128xf32, #tpu.memory_space<vmem>>, %arg7: memref<512x512xf32, #tpu.memory_space<vmem>>, %arg8: memref<512xf32, #tpu.memory_space<vmem>>, %arg9: memref<512x1365xf32, #tpu.memory_space<vmem>>, %arg10: memref<512x1365xf32, #tpu.memory_space<vmem>>, %arg11: memref<1365x512xf32, #tpu.memory_space<vmem>>, %arg12: memref<128x512xf32, #tpu.memory_space<vmem>>) attributes {dimension_semantics = [#tpu.dimension_semantics<arbitrary>], iteration_bounds = array<i64: 128>, scalar_prefetch = 0 : i64, scratch_operands = 0 : i64, tpu.core_type = #tpu.core_type<tc>, window_params = [{transform_indices = @transform_0, window_bounds = array<i64: 128, 512>}, {transform_indices = @transform_1, window_bounds = array<i64: 128, 128>}, {pipeline_mode = #tpu.pipeline_mode<synchronous>, transform_indices = @transform_2, window_bounds = array<i64: 32, 128>}, {pipeline_mode = #tpu.pipeline_mode<synchronous>, transform_indices = @transform_3, window_bounds = array<i64: 32, 128>}, {pipeline_mode = #tpu.pipeline_mode<synchronous>, transform_indices = @transform_4, window_bounds = array<i64: 32, 4, 128>}, {pipeline_mode = #tpu.pipeline_mode<synchronous>, transform_indices = @transform_5, window_bounds = array<i64: 32, 4, 128>}, {pipeline_mode = #tpu.pipeline_mode<synchronous>, transform_indices = @transform_6, window_bounds = array<i64: 512, 512>}, {pipeline_mode = #tpu.pipeline_mode<synchronous>, transform_indices = @transform_7, window_bounds = array<i64: 512>}, {pipeline_mode = #tpu.pipeline_mode<synchronous>, transform_indices = @transform_8, window_bounds = array<i64: 512, 1365>}, {pipeline_mode = #tpu.pipeline_mode<synchronous>, transform_indices = @transform_9, window_bounds = array<i64: 512, 1365>}, {pipeline_mode = #tpu.pipeline_mode<synchronous>, transform_indices = @transform_10, window_bounds = array<i64: 1365, 512>}, {transform_indices = @transform_11, window_bounds = array<i64: 128, 512>}]} {
    %get3A = arith.constant 0 : index
    %get3A_0 = arith.constant 0 : index
    %get3A_1 = vector.load %arg2[%get3A, %get3A_0] : memref<128x128xf32, #tpu.memory_space<vmem>>, vector<128x128xf32>
    %gt3A = arith.constant 0.000000e+00 : f32
    %gt3A_2 = vector.broadcast %gt3A : f32 to vector<128x128xf32>
    %gt3A_3 = arith.cmpf ogt, %get3A_1, %gt3A_2 : vector<128x128xf32>
    %get3A_4 = arith.constant 0 : index
    %get3A_5 = arith.constant 0 : index
    %get3A_6 = vector.load %arg3[%get3A_4, %get3A_5] : memref<32x128xf32, #tpu.memory_space<vmem>>, vector<32x128xf32>
    %get3A_7 = arith.constant 0 : index
    %get3A_8 = arith.constant 0 : index
    %get3A_9 = vector.load %arg4[%get3A_7, %get3A_8] : memref<32x128xf32, #tpu.memory_space<vmem>>, vector<32x128xf32>
    %broadcast_in_dim3A = vector.shape_cast %get3A_1 : vector<128x128xf32> to vector<128x1x128xf32>
    %broadcast_in_dim3A_10 = vector.shape_cast %gt3A_3 : vector<128x128xi1> to vector<128x1x128xi1>
    %broadcast_in_dim3A_11 = vector.shape_cast %get3A_6 : vector<32x128xf32> to vector<1x32x128xf32>
    %broadcast_in_dim3A_12 = vector.shape_cast %get3A_9 : vector<32x128xf32> to vector<1x32x128xf32>
    %broadcast_in_dim3A_13 = vector.shape_cast %broadcast_in_dim3A_10 : vector<128x1x128xi1> to vector<128x1x128xi1>
    %broadcast_in_dim3A_14 = vector.broadcast %broadcast_in_dim3A_13 : vector<128x1x128xi1> to vector<128x32x128xi1>
    %broadcast_in_dim3A_15 = vector.shape_cast %broadcast_in_dim3A_11 : vector<1x32x128xf32> to vector<1x32x128xf32>
    %broadcast_in_dim3A_16 = vector.broadcast %broadcast_in_dim3A_15 : vector<1x32x128xf32> to vector<128x32x128xf32>
    %broadcast_in_dim3A_17 = vector.shape_cast %broadcast_in_dim3A_12 : vector<1x32x128xf32> to vector<1x32x128xf32>
    %broadcast_in_dim3A_18 = vector.broadcast %broadcast_in_dim3A_17 : vector<1x32x128xf32> to vector<128x32x128xf32>
    %select_n3A = arith.select %broadcast_in_dim3A_14, %broadcast_in_dim3A_16, %broadcast_in_dim3A_18 : vector<128x32x128xi1>, vector<128x32x128xf32>
    %mul3A = vector.broadcast %broadcast_in_dim3A : vector<128x1x128xf32> to vector<128x32x128xf32>
    %mul3A_19 = arith.mulf %mul3A, %select_n3A : vector<128x32x128xf32>
    %slice3A = vector.extract_strided_slice %get3A_6 {offsets = [31, 0], sizes = [1, 128], strides = [1, 1]} : vector<32x128xf32> to vector<1x128xf32>
    %squeeze3A = vector.shape_cast %slice3A : vector<1x128xf32> to vector<128xf32>
    %broadcast_in_dim3A_20 = vector.shape_cast %squeeze3A : vector<128xf32> to vector<1x128xf32>
    %slice3A_21 = vector.extract_strided_slice %get3A_9 {offsets = [0, 0], sizes = [1, 128], strides = [1, 1]} : vector<32x128xf32> to vector<1x128xf32>
    %squeeze3A_22 = vector.shape_cast %slice3A_21 : vector<1x128xf32> to vector<128xf32>
    %broadcast_in_dim3A_23 = vector.shape_cast %squeeze3A_22 : vector<128xf32> to vector<1x128xf32>
    %broadcast_in_dim3A_24 = vector.shape_cast %broadcast_in_dim3A_20 : vector<1x128xf32> to vector<1x128xf32>
    %broadcast_in_dim3A_25 = vector.broadcast %broadcast_in_dim3A_24 : vector<1x128xf32> to vector<128x128xf32>
    %broadcast_in_dim3A_26 = vector.shape_cast %broadcast_in_dim3A_23 : vector<1x128xf32> to vector<1x128xf32>
    %broadcast_in_dim3A_27 = vector.broadcast %broadcast_in_dim3A_26 : vector<1x128xf32> to vector<128x128xf32>
    %select_n3A_28 = arith.select %gt3A_3, %broadcast_in_dim3A_25, %broadcast_in_dim3A_27 : vector<128x128xi1>, vector<128x128xf32>
    %mul3A_29 = arith.mulf %get3A_1, %select_n3A_28 : vector<128x128xf32>
    %broadcast_in_dim3A_30 = vector.shape_cast %mul3A_29 : vector<128x128xf32> to vector<128x1x128xf32>
    %sub3A = vector.broadcast %broadcast_in_dim3A_30 : vector<128x1x128xf32> to vector<128x32x128xf32>
    %sub3A_31 = arith.subf %mul3A_19, %sub3A : vector<128x32x128xf32>
    %exp3A = math.exp %sub3A_31 : vector<128x32x128xf32>
    %reduce_sum3A = arith.constant dense<0.000000e+00> : vector<128x128xf32>
    %reduce_sum3A_32 = vector.multi_reduction <add>, %exp3A, %reduce_sum3A [1] : vector<128x32x128xf32> to vector<128x128xf32>
    %broadcast_in_dim3A_33 = vector.shape_cast %reduce_sum3A_32 : vector<128x128xf32> to vector<128x1x128xf32>
    %div3A = vector.broadcast %broadcast_in_dim3A_33 : vector<128x1x128xf32> to vector<128x32x128xf32>
    %div3A_34 = arith.divf %exp3A, %div3A : vector<128x32x128xf32>
    %convert_element_type3A = arith.truncf %div3A_34 : vector<128x32x128xf32> to vector<128x32x128xbf16>
    %convert_element_type3A_35 = arith.extf %convert_element_type3A : vector<128x32x128xbf16> to vector<128x32x128xf32>
    %get3A_36 = arith.constant 0 : index
    %get3A_37 = arith.constant 0 : index
    %get3A_38 = arith.constant 0 : index
    %get3A_39 = vector.load %arg5[%get3A_36, %get3A_37, %get3A_38] : memref<32x4x128xf32, #tpu.memory_space<vmem>>, vector<32x4x128xf32>
    %convert_element_type3A_40 = arith.truncf %get3A_39 : vector<32x4x128xf32> to vector<32x4x128xbf16>
    %convert_element_type3A_41 = arith.extf %convert_element_type3A_40 : vector<32x4x128xbf16> to vector<32x4x128xf32>
    %get3A_42 = arith.constant 0 : index
    %get3A_43 = arith.constant 0 : index
    %get3A_44 = arith.constant 0 : index
    %get3A_45 = vector.load %arg6[%get3A_42, %get3A_43, %get3A_44] : memref<32x4x128xf32, #tpu.memory_space<vmem>>, vector<32x4x128xf32>
    %convert_element_type3A_46 = arith.truncf %get3A_45 : vector<32x4x128xf32> to vector<32x4x128xbf16>
    %convert_element_type3A_47 = arith.extf %convert_element_type3A_46 : vector<32x4x128xbf16> to vector<32x4x128xf32>
    %slice3A_48 = vector.extract_strided_slice %convert_element_type3A_41 {offsets = [0, 0, 0], sizes = [32, 1, 128], strides = [1, 1, 1]} : vector<32x4x128xf32> to vector<32x1x128xf32>
    %squeeze3A_49 = vector.shape_cast %slice3A_48 : vector<32x1x128xf32> to vector<32x128xf32>
    %broadcast_in_dim3A_50 = vector.shape_cast %squeeze3A_49 : vector<32x128xf32> to vector<1x32x128xf32>
    %slice3A_51 = vector.extract_strided_slice %convert_element_type3A_47 {offsets = [0, 0, 0], sizes = [32, 1, 128], strides = [1, 1, 1]} : vector<32x4x128xf32> to vector<32x1x128xf32>
    %squeeze3A_52 = vector.shape_cast %slice3A_51 : vector<32x1x128xf32> to vector<32x128xf32>
    %broadcast_in_dim3A_53 = vector.shape_cast %squeeze3A_52 : vector<32x128xf32> to vector<1x32x128xf32>
    %broadcast_in_dim3A_54 = vector.shape_cast %broadcast_in_dim3A_10 : vector<128x1x128xi1> to vector<128x1x128xi1>
    %broadcast_in_dim3A_55 = vector.broadcast %broadcast_in_dim3A_54 : vector<128x1x128xi1> to vector<128x32x128xi1>
    %broadcast_in_dim3A_56 = vector.shape_cast %broadcast_in_dim3A_50 : vector<1x32x128xf32> to vector<1x32x128xf32>
    %broadcast_in_dim3A_57 = vector.broadcast %broadcast_in_dim3A_56 : vector<1x32x128xf32> to vector<128x32x128xf32>
    %broadcast_in_dim3A_58 = vector.shape_cast %broadcast_in_dim3A_53 : vector<1x32x128xf32> to vector<1x32x128xf32>
    %broadcast_in_dim3A_59 = vector.broadcast %broadcast_in_dim3A_58 : vector<1x32x128xf32> to vector<128x32x128xf32>
    %select_n3A_60 = arith.select %broadcast_in_dim3A_55, %broadcast_in_dim3A_57, %broadcast_in_dim3A_59 : vector<128x32x128xi1>, vector<128x32x128xf32>
    %mul3A_61 = arith.mulf %convert_element_type3A_35, %select_n3A_60 : vector<128x32x128xf32>
    %reduce_sum3A_62 = arith.constant dense<0.000000e+00> : vector<128x128xf32>
    %reduce_sum3A_63 = vector.multi_reduction <add>, %mul3A_61, %reduce_sum3A_62 [1] : vector<128x32x128xf32> to vector<128x128xf32>
    %slice3A_64 = vector.extract_strided_slice %convert_element_type3A_41 {offsets = [0, 1, 0], sizes = [32, 1, 128], strides = [1, 1, 1]} : vector<32x4x128xf32> to vector<32x1x128xf32>
    %squeeze3A_65 = vector.shape_cast %slice3A_64 : vector<32x1x128xf32> to vector<32x128xf32>
    %broadcast_in_dim3A_66 = vector.shape_cast %squeeze3A_65 : vector<32x128xf32> to vector<1x32x128xf32>
    %slice3A_67 = vector.extract_strided_slice %convert_element_type3A_47 {offsets = [0, 1, 0], sizes = [32, 1, 128], strides = [1, 1, 1]} : vector<32x4x128xf32> to vector<32x1x128xf32>
    %squeeze3A_68 = vector.shape_cast %slice3A_67 : vector<32x1x128xf32> to vector<32x128xf32>
    %broadcast_in_dim3A_69 = vector.shape_cast %squeeze3A_68 : vector<32x128xf32> to vector<1x32x128xf32>
    %broadcast_in_dim3A_70 = vector.shape_cast %broadcast_in_dim3A_10 : vector<128x1x128xi1> to vector<128x1x128xi1>
    %broadcast_in_dim3A_71 = vector.broadcast %broadcast_in_dim3A_70 : vector<128x1x128xi1> to vector<128x32x128xi1>
    %broadcast_in_dim3A_72 = vector.shape_cast %broadcast_in_dim3A_66 : vector<1x32x128xf32> to vector<1x32x128xf32>
    %broadcast_in_dim3A_73 = vector.broadcast %broadcast_in_dim3A_72 : vector<1x32x128xf32> to vector<128x32x128xf32>
    %broadcast_in_dim3A_74 = vector.shape_cast %broadcast_in_dim3A_69 : vector<1x32x128xf32> to vector<1x32x128xf32>
    %broadcast_in_dim3A_75 = vector.broadcast %broadcast_in_dim3A_74 : vector<1x32x128xf32> to vector<128x32x128xf32>
    %select_n3A_76 = arith.select %broadcast_in_dim3A_71, %broadcast_in_dim3A_73, %broadcast_in_dim3A_75 : vector<128x32x128xi1>, vector<128x32x128xf32>
    %mul3A_77 = arith.mulf %convert_element_type3A_35, %select_n3A_76 : vector<128x32x128xf32>
    %reduce_sum3A_78 = arith.constant dense<0.000000e+00> : vector<128x128xf32>
    %reduce_sum3A_79 = vector.multi_reduction <add>, %mul3A_77, %reduce_sum3A_78 [1] : vector<128x32x128xf32> to vector<128x128xf32>
    %slice3A_80 = vector.extract_strided_slice %convert_element_type3A_41 {offsets = [0, 2, 0], sizes = [32, 1, 128], strides = [1, 1, 1]} : vector<32x4x128xf32> to vector<32x1x128xf32>
    %squeeze3A_81 = vector.shape_cast %slice3A_80 : vector<32x1x128xf32> to vector<32x128xf32>
    %broadcast_in_dim3A_82 = vector.shape_cast %squeeze3A_81 : vector<32x128xf32> to vector<1x32x128xf32>
    %slice3A_83 = vector.extract_strided_slice %convert_element_type3A_47 {offsets = [0, 2, 0], sizes = [32, 1, 128], strides = [1, 1, 1]} : vector<32x4x128xf32> to vector<32x1x128xf32>
    %squeeze3A_84 = vector.shape_cast %slice3A_83 : vector<32x1x128xf32> to vector<32x128xf32>
    %broadcast_in_dim3A_85 = vector.shape_cast %squeeze3A_84 : vector<32x128xf32> to vector<1x32x128xf32>
    %broadcast_in_dim3A_86 = vector.shape_cast %broadcast_in_dim3A_10 : vector<128x1x128xi1> to vector<128x1x128xi1>
    %broadcast_in_dim3A_87 = vector.broadcast %broadcast_in_dim3A_86 : vector<128x1x128xi1> to vector<128x32x128xi1>
    %broadcast_in_dim3A_88 = vector.shape_cast %broadcast_in_dim3A_82 : vector<1x32x128xf32> to vector<1x32x128xf32>
    %broadcast_in_dim3A_89 = vector.broadcast %broadcast_in_dim3A_88 : vector<1x32x128xf32> to vector<128x32x128xf32>
    %broadcast_in_dim3A_90 = vector.shape_cast %broadcast_in_dim3A_85 : vector<1x32x128xf32> to vector<1x32x128xf32>
    %broadcast_in_dim3A_91 = vector.broadcast %broadcast_in_dim3A_90 : vector<1x32x128xf32> to vector<128x32x128xf32>
    %select_n3A_92 = arith.select %broadcast_in_dim3A_87, %broadcast_in_dim3A_89, %broadcast_in_dim3A_91 : vector<128x32x128xi1>, vector<128x32x128xf32>
    %mul3A_93 = arith.mulf %convert_element_type3A_35, %select_n3A_92 : vector<128x32x128xf32>
    %reduce_sum3A_94 = arith.constant dense<0.000000e+00> : vector<128x128xf32>
    %reduce_sum3A_95 = vector.multi_reduction <add>, %mul3A_93, %reduce_sum3A_94 [1] : vector<128x32x128xf32> to vector<128x128xf32>
    %slice3A_96 = vector.extract_strided_slice %convert_element_type3A_41 {offsets = [0, 3, 0], sizes = [32, 1, 128], strides = [1, 1, 1]} : vector<32x4x128xf32> to vector<32x1x128xf32>
    %squeeze3A_97 = vector.shape_cast %slice3A_96 : vector<32x1x128xf32> to vector<32x128xf32>
    %broadcast_in_dim3A_98 = vector.shape_cast %squeeze3A_97 : vector<32x128xf32> to vector<1x32x128xf32>
    %slice3A_99 = vector.extract_strided_slice %convert_element_type3A_47 {offsets = [0, 3, 0], sizes = [32, 1, 128], strides = [1, 1, 1]} : vector<32x4x128xf32> to vector<32x1x128xf32>
    %squeeze3A_100 = vector.shape_cast %slice3A_99 : vector<32x1x128xf32> to vector<32x128xf32>
    %broadcast_in_dim3A_101 = vector.shape_cast %squeeze3A_100 : vector<32x128xf32> to vector<1x32x128xf32>
    %broadcast_in_dim3A_102 = vector.shape_cast %broadcast_in_dim3A_10 : vector<128x1x128xi1> to vector<128x1x128xi1>
    %broadcast_in_dim3A_103 = vector.broadcast %broadcast_in_dim3A_102 : vector<128x1x128xi1> to vector<128x32x128xi1>
    %broadcast_in_dim3A_104 = vector.shape_cast %broadcast_in_dim3A_98 : vector<1x32x128xf32> to vector<1x32x128xf32>
    %broadcast_in_dim3A_105 = vector.broadcast %broadcast_in_dim3A_104 : vector<1x32x128xf32> to vector<128x32x128xf32>
    %broadcast_in_dim3A_106 = vector.shape_cast %broadcast_in_dim3A_101 : vector<1x32x128xf32> to vector<1x32x128xf32>
    %broadcast_in_dim3A_107 = vector.broadcast %broadcast_in_dim3A_106 : vector<1x32x128xf32> to vector<128x32x128xf32>
    %select_n3A_108 = arith.select %broadcast_in_dim3A_103, %broadcast_in_dim3A_105, %broadcast_in_dim3A_107 : vector<128x32x128xi1>, vector<128x32x128xf32>
    %mul3A_109 = arith.mulf %convert_element_type3A_35, %select_n3A_108 : vector<128x32x128xf32>
    %reduce_sum3A_110 = arith.constant dense<0.000000e+00> : vector<128x128xf32>
    %reduce_sum3A_111 = vector.multi_reduction <add>, %mul3A_109, %reduce_sum3A_110 [1] : vector<128x32x128xf32> to vector<128x128xf32>
    %stack3A = vector.shape_cast %reduce_sum3A_63 : vector<128x128xf32> to vector<128x128x1xf32>
    %stack3A_112 = vector.shape_cast %reduce_sum3A_79 : vector<128x128xf32> to vector<128x128x1xf32>
    %stack3A_113 = vector.shape_cast %reduce_sum3A_95 : vector<128x128xf32> to vector<128x128x1xf32>
    %stack3A_114 = vector.shape_cast %reduce_sum3A_111 : vector<128x128xf32> to vector<128x128x1xf32>
    %stack3A_115 = tpu.concatenate %stack3A, %stack3A_112, %stack3A_113, %stack3A_114 in 2 : vector<128x128x1xf32>, vector<128x128x1xf32>, vector<128x128x1xf32>, vector<128x128x1xf32> -> vector<128x128x4xf32>
    %reshape3A = vector.shape_cast %stack3A_115 : vector<128x128x4xf32> to vector<128x512xf32>
    %get3A_116 = arith.constant 0 : index
    %get3A_117 = arith.constant 0 : index
    %get3A_118 = vector.load %arg1[%get3A_116, %get3A_117] : memref<128x512xf32, #tpu.memory_space<vmem>>, vector<128x512xf32>
    %get3A_119 = arith.constant 0 : index
    %get3A_120 = arith.constant 0 : index
    %get3A_121 = vector.load %arg7[%get3A_119, %get3A_120] : memref<512x512xf32, #tpu.memory_space<vmem>>, vector<512x512xf32>
    %convert_element_type3A_122 = arith.truncf %reshape3A : vector<128x512xf32> to vector<128x512xbf16>
    %convert_element_type3A_123 = arith.truncf %get3A_121 : vector<512x512xf32> to vector<512x512xbf16>
    %dot_general3A = arith.constant dense<0.000000e+00> : vector<128x512xf32>
    %dot_general3A_124 = tpu.matmul %convert_element_type3A_122, %convert_element_type3A_123, %dot_general3A {dimension_numbers = #tpu.dot_dimension_numbers<[1], [0], [0], [1], [0, 0, 1, 1], [], []>, transpose_lhs_hint = false} : vector<128x512xbf16>, vector<512x512xbf16>, vector<128x512xf32> -> vector<128x512xf32>
    %add3A = arith.addf %get3A_118, %dot_general3A_124 : vector<128x512xf32>
    %get3A_125 = arith.constant 0 : index
    %get3A_126 = vector.load %arg8[%get3A_125] : memref<512xf32, #tpu.memory_space<vmem>>, vector<512xf32>
    %mul3A_127 = arith.mulf %add3A, %add3A : vector<128x512xf32>
    %reduce_sum3A_128 = arith.constant dense<0.000000e+00> : vector<128xf32>
    %reduce_sum3A_129 = vector.multi_reduction <add>, %mul3A_127, %reduce_sum3A_128 [1] : vector<128x512xf32> to vector<128xf32>
    %broadcast_in_dim3A_130 = vector.shape_cast %reduce_sum3A_129 : vector<128xf32> to vector<128x1xf32>
    %div3A_131 = arith.constant 5.120000e+02 : f32
    %div3A_132 = vector.broadcast %div3A_131 : f32 to vector<128x1xf32>
    %div3A_133 = arith.divf %broadcast_in_dim3A_130, %div3A_132 : vector<128x1xf32>
    %add3A_134 = arith.constant 1.1920929E-7 : f32
    %add3A_135 = vector.broadcast %add3A_134 : f32 to vector<128x1xf32>
    %add3A_136 = arith.addf %div3A_133, %add3A_135 : vector<128x1xf32>
    %rsqrt3A = math.rsqrt %add3A_136 : vector<128x1xf32>
    %mul3A_137 = vector.broadcast %rsqrt3A : vector<128x1xf32> to vector<128x512xf32>
    %mul3A_138 = arith.mulf %add3A, %mul3A_137 : vector<128x512xf32>
    %broadcast_in_dim3A_139 = vector.shape_cast %get3A_126 : vector<512xf32> to vector<1x512xf32>
    %mul3A_140 = vector.broadcast %broadcast_in_dim3A_139 : vector<1x512xf32> to vector<128x512xf32>
    %mul3A_141 = arith.mulf %mul3A_138, %mul3A_140 : vector<128x512xf32>
    %get3A_142 = arith.constant 0 : index
    %get3A_143 = arith.constant 0 : index
    %get3A_144 = vector.load %arg9[%get3A_142, %get3A_143] : memref<512x1365xf32, #tpu.memory_space<vmem>>, vector<512x1365xf32>
    %convert_element_type3A_145 = arith.truncf %mul3A_141 : vector<128x512xf32> to vector<128x512xbf16>
    %convert_element_type3A_146 = arith.truncf %get3A_144 : vector<512x1365xf32> to vector<512x1365xbf16>
    %dot_general3A_147 = arith.constant dense<0.000000e+00> : vector<128x1365xf32>
    %dot_general3A_148 = tpu.matmul %convert_element_type3A_145, %convert_element_type3A_146, %dot_general3A_147 {dimension_numbers = #tpu.dot_dimension_numbers<[1], [0], [0], [1], [0, 0, 1, 1], [], []>, transpose_lhs_hint = false} : vector<128x512xbf16>, vector<512x1365xbf16>, vector<128x1365xf32> -> vector<128x1365xf32>
    %get3A_149 = arith.constant 0 : index
    %get3A_150 = arith.constant 0 : index
    %get3A_151 = vector.load %arg10[%get3A_149, %get3A_150] : memref<512x1365xf32, #tpu.memory_space<vmem>>, vector<512x1365xf32>
    %convert_element_type3A_152 = arith.truncf %mul3A_141 : vector<128x512xf32> to vector<128x512xbf16>
    %convert_element_type3A_153 = arith.truncf %get3A_151 : vector<512x1365xf32> to vector<512x1365xbf16>
    %dot_general3A_154 = arith.constant dense<0.000000e+00> : vector<128x1365xf32>
    %dot_general3A_155 = tpu.matmul %convert_element_type3A_152, %convert_element_type3A_153, %dot_general3A_154 {dimension_numbers = #tpu.dot_dimension_numbers<[1], [0], [0], [1], [0, 0, 1, 1], [], []>, transpose_lhs_hint = false} : vector<128x512xbf16>, vector<512x1365xbf16>, vector<128x1365xf32> -> vector<128x1365xf32>
    %logistic3A = arith.negf %dot_general3A_148 : vector<128x1365xf32>
    %logistic3A_156 = math.exp %logistic3A : vector<128x1365xf32>
    %logistic3A_157 = arith.constant 1.000000e+00 : f32
    %logistic3A_158 = vector.broadcast %logistic3A_157 : f32 to vector<128x1365xf32>
    %logistic3A_159 = arith.addf %logistic3A_158, %logistic3A_156 : vector<128x1365xf32>
    %logistic3A_160 = arith.divf %logistic3A_158, %logistic3A_159 : vector<128x1365xf32>
    %mul3A_161 = arith.mulf %dot_general3A_148, %logistic3A_160 : vector<128x1365xf32>
    %mul3A_162 = arith.mulf %mul3A_161, %dot_general3A_155 : vector<128x1365xf32>
    %get3A_163 = arith.constant 0 : index
    %get3A_164 = arith.constant 0 : index
    %get3A_165 = vector.load %arg11[%get3A_163, %get3A_164] : memref<1365x512xf32, #tpu.memory_space<vmem>>, vector<1365x512xf32>
    %convert_element_type3A_166 = arith.truncf %mul3A_162 : vector<128x1365xf32> to vector<128x1365xbf16>
    %convert_element_type3A_167 = arith.truncf %get3A_165 : vector<1365x512xf32> to vector<1365x512xbf16>
    %dot_general3A_168 = arith.constant dense<0.000000e+00> : vector<128x512xf32>
    %dot_general3A_169 = tpu.matmul %convert_element_type3A_166, %convert_element_type3A_167, %dot_general3A_168 {dimension_numbers = #tpu.dot_dimension_numbers<[1], [0], [0], [1], [0, 0, 1, 1], [], []>, transpose_lhs_hint = false} : vector<128x1365xbf16>, vector<1365x512xbf16>, vector<128x512xf32> -> vector<128x512xf32>
    %add3A_170 = arith.addf %add3A, %dot_general3A_169 : vector<128x512xf32>
    %swap3A = arith.constant 0 : index
    %swap3A_171 = arith.constant 0 : index
    %swap3A_172 = vector.load %arg12[%swap3A, %swap3A_171] : memref<128x512xf32, #tpu.memory_space<vmem>>, vector<128x512xf32>
    tpu.vector_store %arg12[%swap3A, %swap3A_171], %add3A_170 {strides = array<i32>} : memref<128x512xf32, #tpu.memory_space<vmem>>, vector<128x512xf32>,
    return
  }
  func.func @transform_0(%arg0: i32) -> (i32, i32) {
    %c0_i32 = arith.constant 0 : i32
    %c0_i32_0 = arith.constant 0 : i32
    return %arg0, %c0_i32 : i32, i32
  }
  func.func @transform_1(%arg0: i32) -> (i32, i32) {
    %c0_i32 = arith.constant 0 : i32
    %c0_i32_0 = arith.constant 0 : i32
    return %arg0, %c0_i32 : i32, i32
  }
  func.func @transform_2(%arg0: i32) -> (i32, i32) {
    %c0_i32 = arith.constant 0 : i32
    %c0_i32_0 = arith.constant 0 : i32
    %c0_i32_1 = arith.constant 0 : i32
    return %c0_i32, %c0_i32_0 : i32, i32
  }
  func.func @transform_3(%arg0: i32) -> (i32, i32) {
    %c0_i32 = arith.constant 0 : i32
    %c0_i32_0 = arith.constant 0 : i32
    %c0_i32_1 = arith.constant 0 : i32
    return %c0_i32, %c0_i32_0 : i32, i32
  }
  func.func @transform_4(%arg0: i32) -> (i32, i32, i32) {
    %c0_i32 = arith.constant 0 : i32
    %c0_i32_0 = arith.constant 0 : i32
    %c0_i32_1 = arith.constant 0 : i32
    %c0_i32_2 = arith.constant 0 : i32
    return %c0_i32, %c0_i32_0, %c0_i32_1 : i32, i32, i32
  }
  func.func @transform_5(%arg0: i32) -> (i32, i32, i32) {
    %c0_i32 = arith.constant 0 : i32
    %c0_i32_0 = arith.constant 0 : i32
    %c0_i32_1 = arith.constant 0 : i32
    %c0_i32_2 = arith.constant 0 : i32
    return %c0_i32, %c0_i32_0, %c0_i32_1 : i32, i32, i32
  }
  func.func @transform_6(%arg0: i32) -> (i32, i32) {
    %c0_i32 = arith.constant 0 : i32
    %c0_i32_0 = arith.constant 0 : i32
    %c0_i32_1 = arith.constant 0 : i32
    return %c0_i32, %c0_i32_0 : i32, i32
  }
  func.func @transform_7(%arg0: i32) -> i32 {
    %c0_i32 = arith.constant 0 : i32
    %c0_i32_0 = arith.constant 0 : i32
    return %c0_i32 : i32
  }
  func.func @transform_8(%arg0: i32) -> (i32, i32) {
    %c0_i32 = arith.constant 0 : i32
    %c0_i32_0 = arith.constant 0 : i32
    %c0_i32_1 = arith.constant 0 : i32
    return %c0_i32, %c0_i32_0 : i32, i32
  }
  func.func @transform_9(%arg0: i32) -> (i32, i32) {
    %c0_i32 = arith.constant 0 : i32
    %c0_i32_0 = arith.constant 0 : i32
    %c0_i32_1 = arith.constant 0 : i32
    return %c0_i32, %c0_i32_0 : i32, i32
  }
  func.func @transform_10(%arg0: i32) -> (i32, i32) {
    %c0_i32 = arith.constant 0 : i32
    %c0_i32_0 = arith.constant 0 : i32
    %c0_i32_1 = arith.constant 0 : i32
    return %c0_i32, %c0_i32_0 : i32, i32
  }
  func.func @transform_11(%arg0: i32) -> (i32, i32) {
    %c0_i32 = arith.constant 0 : i32
    %c0_i32_0 = arith.constant 0 : i32
    return %arg0, %c0_i32 : i32, i32
  }
}

module attributes {stable_mosaic.version = 14 : i64} {
  func.func @_final_body(%arg0: i32, %arg1: memref<128x512xf32, #tpu.memory_space<vmem>>, %arg2: memref<512xf32, #tpu.memory_space<vmem>>, %arg3: memref<512x256xf32, #tpu.memory_space<vmem>>, %arg4: memref<128x256xf32, #tpu.memory_space<vmem>>) attributes {dimension_semantics = [#tpu.dimension_semantics<arbitrary>], iteration_bounds = array<i64: 128>, scalar_prefetch = 0 : i64, scratch_operands = 0 : i64, tpu.core_type = #tpu.core_type<tc>, window_params = [{transform_indices = @transform_0, window_bounds = array<i64: 128, 512>}, {pipeline_mode = #tpu.pipeline_mode<synchronous>, transform_indices = @transform_1, window_bounds = array<i64: 512>}, {pipeline_mode = #tpu.pipeline_mode<synchronous>, transform_indices = @transform_2, window_bounds = array<i64: 512, 256>}, {transform_indices = @transform_3, window_bounds = array<i64: 128, 256>}]} {
    %get3A = arith.constant 0 : index
    %get3A_0 = arith.constant 0 : index
    %get3A_1 = vector.load %arg1[%get3A, %get3A_0] : memref<128x512xf32, #tpu.memory_space<vmem>>, vector<128x512xf32>
    %get3A_2 = arith.constant 0 : index
    %get3A_3 = vector.load %arg2[%get3A_2] : memref<512xf32, #tpu.memory_space<vmem>>, vector<512xf32>
    %mul3A = arith.mulf %get3A_1, %get3A_1 : vector<128x512xf32>
    %reduce_sum3A = arith.constant dense<0.000000e+00> : vector<128xf32>
    %reduce_sum3A_4 = vector.multi_reduction <add>, %mul3A, %reduce_sum3A [1] : vector<128x512xf32> to vector<128xf32>
    %broadcast_in_dim3A = vector.shape_cast %reduce_sum3A_4 : vector<128xf32> to vector<128x1xf32>
    %div3A = arith.constant 5.120000e+02 : f32
    %div3A_5 = vector.broadcast %div3A : f32 to vector<128x1xf32>
    %div3A_6 = arith.divf %broadcast_in_dim3A, %div3A_5 : vector<128x1xf32>
    %add3A = arith.constant 1.1920929E-7 : f32
    %add3A_7 = vector.broadcast %add3A : f32 to vector<128x1xf32>
    %add3A_8 = arith.addf %div3A_6, %add3A_7 : vector<128x1xf32>
    %rsqrt3A = math.rsqrt %add3A_8 : vector<128x1xf32>
    %mul3A_9 = vector.broadcast %rsqrt3A : vector<128x1xf32> to vector<128x512xf32>
    %mul3A_10 = arith.mulf %get3A_1, %mul3A_9 : vector<128x512xf32>
    %broadcast_in_dim3A_11 = vector.shape_cast %get3A_3 : vector<512xf32> to vector<1x512xf32>
    %mul3A_12 = vector.broadcast %broadcast_in_dim3A_11 : vector<1x512xf32> to vector<128x512xf32>
    %mul3A_13 = arith.mulf %mul3A_10, %mul3A_12 : vector<128x512xf32>
    %get3A_14 = arith.constant 0 : index
    %get3A_15 = arith.constant 0 : index
    %get3A_16 = vector.load %arg3[%get3A_14, %get3A_15] : memref<512x256xf32, #tpu.memory_space<vmem>>, vector<512x256xf32>
    %convert_element_type3A = arith.truncf %mul3A_13 : vector<128x512xf32> to vector<128x512xbf16>
    %convert_element_type3A_17 = arith.truncf %get3A_16 : vector<512x256xf32> to vector<512x256xbf16>
    %dot_general3A = arith.constant dense<0.000000e+00> : vector<128x256xf32>
    %dot_general3A_18 = tpu.matmul %convert_element_type3A, %convert_element_type3A_17, %dot_general3A {dimension_numbers = #tpu.dot_dimension_numbers<[1], [0], [0], [1], [0, 0, 1, 1], [], []>, transpose_lhs_hint = false} : vector<128x512xbf16>, vector<512x256xbf16>, vector<128x256xf32> -> vector<128x256xf32>
    %swap3A = arith.constant 0 : index
    %swap3A_19 = arith.constant 0 : index
    %swap3A_20 = vector.load %arg4[%swap3A, %swap3A_19] : memref<128x256xf32, #tpu.memory_space<vmem>>, vector<128x256xf32>
    tpu.vector_store %arg4[%swap3A, %swap3A_19], %dot_general3A_18 {strides = array<i32>} : memref<128x256xf32, #tpu.memory_space<vmem>>, vector<128x256xf32>,
    return
  }
  func.func @transform_0(%arg0: i32) -> (i32, i32) {
    %c0_i32 = arith.constant 0 : i32
    %c0_i32_0 = arith.constant 0 : i32
    return %arg0, %c0_i32 : i32, i32
  }
  func.func @transform_1(%arg0: i32) -> i32 {
    %c0_i32 = arith.constant 0 : i32
    %c0_i32_0 = arith.constant 0 : i32
    return %c0_i32 : i32
  }
  func.func @transform_2(%arg0: i32) -> (i32, i32) {
    %c0_i32 = arith.constant 0 : i32
    %c0_i32_0 = arith.constant 0 : i32
    %c0_i32_1 = arith.constant 0 : i32
    return %c0_i32, %c0_i32_0 : i32, i32
  }
  func.func @transform_3(%arg0: i32) -> (i32, i32) {
    %c0_i32 = arith.constant 0 : i32
    %c0_i32_0 = arith.constant 0 : i32
    return %arg0, %c0_i32 : i32, i32
  }
}

</mosaic_0001>

<sc_bundles>
// kernel: gather_offload_async_start.1
scs
__scs_entry_jumppad:
0x0: {  	(pc) =	sbr.rel $0x88, $3  }
0x1: {  	(tag) =	ssettag $0x0;
	lr =	simm.s32 $0x1  }
0x2: {  	[smem:$0x3F89] =	sst lr;
	_ =	strace $0xD0000000  }
0x3: {  	_ = 	snop  }
0x4: {  	_ = 	snop  }
0x5: {  	_ = 	snop  }
0x6: {  	_ = 	snop  }
0x7: {  	_ = 	snop  }
__scs_overlays_trampoline_lowered:
0x8: {  	[smem:$0x3F98] =	sst s0  }
0x9: {  	[smem:$0x3F99] =	sst s1  }
0xa: {  	[smem:$0x3F9A] =	sst s2  }
0xb: {  	[smem:$0x3F9B] =	sst s3  }
0xc: {  	[smem:$0x3F9C] =	sst s4  }
0xd: {  	[smem:$0x3F9D] =	sst s5  }
0xe: {  	[smem:$0x3F9E] =	sst s6  }
0xf: {  	[smem:$0x3F9F] =	sst s7  }
0x10: {  	[smem:$0x3FA0] =	sst s8  }
0x11: {  	[smem:$0x3FA1] =	sst s9;
	s0 =	simm.s32 @!p0 $0x0  }
0x12: {  	s1 =	sld [smem:$0x3F87];
	s0 =	simm.s32 @p0 $0x1  }
0x13: {  	[smem:$0x3FA2] =	sst s0;
	s0 =	simm.s32 @!p1 $0x0  }
0x14: {  	s2 =	sld [smem:$0x3F86];
	s0 =	simm.s32 @p1 $0x1  }
0x15: {  	[smem:$0x3FA3] =	sst s0;
	s0 =	simm.s32 @!p2 $0x0  }
0x16: {  	s3 =	sld [smem:$0x3FDB];
	s0 =	simm.s32 @p2 $0x1  }
0x17: {  	s4 =	simm.s32 $0x1BF5;
	[smem:$0x3FA5] =	sst s0  }
0x18: {  	s0 =	sld [smem:$0x3F88];
	_ =	swait.ge [sflag:s4], $0x0  }
0x19: {  	s7 =	sld [smem:$0x3F89]  }
0x1a: {  	s8 =	sadd.s32 $0xFFFFE003, lr  }
0x1b: {  	s9 =	sadd.s32 $0xFFFFFEF7, lr;
	s5 =	simm.s32 $0xFFFFFFFF;
	p2 =	slt.u32 s8, $0xFFFFF086  }
0x1c: {  	p1 =	slt.u32 s9, $0xF7A;
	s5 =	simm.s32 @!p2 $0x0  }
0x1d: {  	s5 =	simm.s32 @p1 $0x1;
	p0 =	seq.s32 s7, s2  }
0x1e: {  	s7 =	smul.u32 @!p0 $0xF7A, s2;
	p2 =	seq.s32 @!p0 s5, $0x0  }
0x1f: {  	s9 =	smul.u32 $0xF7A, s1;
	s8 =	simm.s32 @!p0 $0x1BF5;
	p2 =	por !p2, p0  }
0x20: {  	[sflag:s8] =	ssyncset.s32 @!p0 $0xFFFFF086;
	s6 =	sadd.s32 @!p0 s3, s7;
	s7 =	simm.s32 @!p0 $0x108  }
0x21: {  	s3 =	sadd.s32 s3, s9;
	s6 =	sadd.s32 @!p0 $0x88, s6;
	s7 =	simm.s32 @p2 $0x1082  }
0x22: {  	[simem:s7], [sflag:s8] =	dma.local @!p0 [hbm:s6], $0xF7A  }
0x23: {  	s9 =	sor.u32 $0xD0000000, s2;
	s6 =	simm.s32 $0x108;
	_ =	swait.ge @!p0 [sflag:s8], $0x0  }
0x24: {  	s3 =	sadd.s32 $0x88, s3;
	s6 =	simm.s32 @!p1 $0x1082;
	[sflag:s4] =	ssyncset.s32 $0xFFFFF086  }
0x25: {  	[simem:s6], [sflag:s4] =	dma.local [hbm:s3], $0xF7A  }
0x26: {  	[smem:$0x3F89] =	sst s1;
	(tag) =	ssettag s2;
	_ =	strace s9  }
0x27: {  	s1 =	sld [smem:$0x3F99]  }
0x28: {  	s2 =	sld [smem:$0x3F9A]  }
0x29: {  	s4 =	sld [smem:$0x3F9C]  }
0x2a: {  	p0 =	seq.s32 s5, $0x0;
	s5 =	sld [smem:$0x3F9D]  }
0x2b: {  	s6 =	sld [smem:$0x3F9E]  }
0x2c: {  	s7 =	sld [smem:$0x3F9F]  }
0x2d: {  	s3 =	simm.s32 $0x108;
	s8 =	sld [smem:$0x3FA0]  }
0x2e: {  	s3 =	simm.s32 @!p0 $0x1082;
	s9 =	sld [smem:$0x3FA1]  }
0x2f: {  	lr =	sadd.s32 s0, s3;
	s0 =	sld [smem:$0x3F98]  }
0x30: {  	s3 =	sld [smem:$0x3F9B]  }
0x31: {  	[smem:$0x3FA4] =	sst s10  }
0x32: {  	s10 =	sld [smem:$0x3FA2];
	_ =	sdelay $0x3  }
0x33: {  	p0 =	seq.s32 s10, $0x1;
	s10 =	sld [smem:$0x3FA4];
	_ =	sdelay $0x3  }
0x34: {  	[smem:$0x3FA4] =	sst s10  }
0x35: {  	s10 =	sld [smem:$0x3FA3];
	_ =	sdelay $0x3  }
0x36: {  	p1 =	seq.s32 s10, $0x1;
	s10 =	sld [smem:$0x3FA4];
	_ =	sdelay $0x3  }
0x37: {  	[smem:$0x3FA4] =	sst s10  }
0x38: {  	s10 =	sld [smem:$0x3FA5]  }
0x39: {  	_ = 	snop;
	(pc) =	sbr.ind lr, $3  }
0x3a: {  	_ = 	snop  }
0x3b: {  	_ = 	snop  }
0x3c: {  	p2 =	seq.s32 s10, $0x1;
	s10 =	sld [smem:$0x3FA4]  }
0x3d: {  	_ =	shalt  }
0x3e: {  	_ =	shalt  }
0x3f: {  	_ =	shalt  }
0x40: {  	_ =	shalt  }
0x41: {  	_ =	shalt  }
0x42: {  	_ =	shalt  }
0x43: {  	_ =	shalt  }
0x44: {  	_ =	shalt  }
0x45: {  	_ =	shalt  }
0x46: {  	_ =	shalt  }
0x47: {  	_ =	shalt  }
0x48: {  	_ =	shalt  }
0x49: {  	_ =	shalt  }
0x4a: {  	_ =	shalt  }
0x4b: {  	_ =	shalt  }
0x4c: {  	_ =	shalt  }
0x4d: {  	_ =	shalt  }
0x4e: {  	_ =	shalt  }
0x4f: {  	_ =	shalt  }
0x50: {  	_ =	shalt  }
0x51: {  	_ =	shalt  }
0x52: {  	_ =	shalt  }
0x53: {  	_ =	shalt  }
0x54: {  	_ =	shalt  }
0x55: {  	_ =	shalt  }
0x56: {  	_ =	shalt  }
0x57: {  	_ =	shalt  }
0x58: {  	_ =	shalt  }
0x59: {  	_ =	shalt  }
0x5a: {  	_ =	shalt  }
0x5b: {  	_ =	shalt  }
0x5c: {  	_ =	shalt  }
0x5d: {  	_ =	shalt  }
0x5e: {  	_ =	shalt  }
0x5f: {  	_ =	shalt  }
0x60: {  	_ =	shalt  }
0x61: {  	_ =	shalt  }
0x62: {  	_ =	shalt  }
0x63: {  	_ =	shalt  }
0x64: {  	_ =	shalt  }
0x65: {  	_ =	shalt  }
0x66: {  	_ =	shalt  }
0x67: {  	_ =	shalt  }
0x68: {  	_ =	shalt  }
0x69: {  	_ =	shalt  }
0x6a: {  	_ =	shalt  }
0x6b: {  	_ =	shalt  }
0x6c: {  	_ =	shalt  }
0x6d: {  	_ =	shalt  }
0x6e: {  	_ =	shalt  }
0x6f: {  	_ =	shalt  }
0x70: {  	_ =	shalt  }
0x71: {  	_ =	shalt  }
0x72: {  	_ =	shalt  }
0x73: {  	_ =	shalt  }
0x74: {  	_ =	shalt  }
0x75: {  	_ =	shalt  }
0x76: {  	_ =	shalt  }
0x77: {  	_ =	shalt  }
0x78: {  	_ =	shalt  }
0x79: {  	_ =	shalt  }
0x7a: {  	_ =	shalt  }
0x7b: {  	_ =	shalt  }
0x7c: {  	_ =	shalt  }
0x7d: {  	_ =	shalt  }
0x7e: {  	_ =	shalt  }
0x7f: {  	_ =	shalt  }
0x80: {  	_ =	shalt  }
0x81: {  	_ =	shalt  }
0x82: {  	_ =	shalt  }
0x83: {  	_ =	shalt  }
0x84: {  	_ =	shalt  }
0x85: {  	_ =	shalt  }
0x86: {  	_ =	shalt  }
0x87: {  	_ =	shalt  }
.Lfunc_end0:
.L_simem_size_0:
called_computation.3_lowered:
.L_overlay_start_0:
0x88: {  	s2 =	sld [smem:$0x3FD9]  }
0x89: {  	s3 =	sld [smem:$0x3FFE];
	_ =	sdelay $0x1  }
0x8a: {  	s1 =	srdreg.scid  }
0x8b: {  	s0 =	sand.u32 $0x1, s1  }
0x8c: {  	s17 =	sshll.u32 s0, $0xA;
	s2 =	sadd.s32 s3, s2  }
0x8d: {  	s2 =	sadd.s32 s2, s17  }
0x8e: {  	[smem:$0x3FB0] =	sst s2  }
0x8f: {  	_ = 	snop  }
0x90: {  	(tm) =	ssettm $0x1  }
0x91: {  	s18 =	sld [smem:$0x3FFB];
	_ =	sdelay $0x3  }
0x92: {  	_ =	strace s18  }
0x93: {  	s2 =	sld [smem:$0x3FFC];
	_ =	sdelay $0x3  }
0x94: {  	_ =	strace s2  }
0x95: {  	s2 =	sld [smem:$0x3FFD];
	_ =	sdelay $0x3  }
0x96: {  	_ =	strace s2  }
0x97: {  	_ =	strace $0x8FFFFFFF  }
0x98: {  	s19 =	sld [smem:$0x3FDB];
	_ =	sdelay $0x1  }
0x99: {  	s20 =	simm.s32 $_scs_section_size  }
0x9a: {  	s4 =	simm.s32 $_size__tile_overlayer_lowered;
	s5 =	simm.s32 $_tile_overlayer_lowered  }
0x9b: {  	s6 =	simm.s32 $0x1BFF;
	s21 =	sshll.u32 s5, $0x1;
	s3 =	sadd.s32 s20, s19  }
0x9c: {  	s22 =	simm.s32 $0x0;
	s4 =	sshll.u32 s4, $0x1;
	s5 =	sadd.s32 s21, s3  }
0x9d: {  	[timem:s22], [sflag:s6] =	dma.local [hbm:s5], s4  }
0x9e: {  	_ =	swait.ge [sflag:s6], s4  }
0x9f: {  	s4 =	ssub.s32 $0x0, s4;
	[sflag:s6] =	ssyncset.done $0x0  }
0xa0: {  	[sflag:s6] =	ssyncadd.s32 s4;
	_ =	sdelay $0x1  }
0xa1: {  	s23 =	simm.s32 $0x1B8B  }
0xa2: {  	_ =	swait.ge [sflag:s23], $0x1  }
0xa3: {  	[sflag:s23] =	ssyncset.done $0x0  }
0xa4: {  	[sflag:s23] =	ssyncadd.s32 $0xFFFFFFFF  }
0xa5: {  	s4 =	sld [smem:$0x0]  }
0xa6: {  	s5 =	sand.u32 $0xFFFFFFFE, s1  }
0xa7: {  	p0 =	sne.s32 s1, s5  }
0xa8: {  	s5 =	sshll.u32 @p0 s5, $0xE  }
0xa9: {  	s5 =	sadd.s32 @p0 $0x11B8D, s5;
	s6 =	sshll.u32 @p0 s4, $0x11  }
0xaa: {  	s5 =	sor.u32 @p0 s6, s5  }
0xab: {  	[sflag:s5] =	ssyncadd.remote.s32 @p0 $0x1;
	_ =	sdelay $0x1  }
0xac: {  	s5 =	simm.s32 @p0 $0x1B8D  }
0xad: {  	_ =	swait.eq @p0 [sflag:s5], $0x1  }
0xae: {  	[sflag:s5] =	ssyncadd.s32 @p0 $0xFFFFFFFF  }
0xaf: {  	s6 =	sshll.u32 @!p0 s1, $0xE  }
0xb0: {  	s6 =	sor.u32 @!p0 $0x4000, s6;
	s5 =	simm.s32 @!p0 $0x1B8D  }
0xb1: {  	s4 =	sshll.u32 @!p0 s4, $0x11;
	s6 =	sadd.s32 @!p0 $0x11B8D, s6;
	_ =	swait.eq @!p0 [sflag:s5], $0x1  }
0xb2: {  	s4 =	sor.u32 @!p0 s4, s6;
	[sflag:s5] =	ssyncadd.s32 @!p0 $0xFFFFFFFF  }
0xb3: {  	s25 =	simm.s32 $0x1B8E;
	s24 =	sld [smem:$0x3FFE];
	[sflag:s4] =	ssyncadd.remote.s32 @!p0 $0x1  }
0xb4: {  	s26 =	simm.s32 $execute0_lowered;
	[smem:$0x3FD2] =	sst s25  }
0xb5: {  	s5 =	sshll.u32 s26, $0x1;
	_ =	strace $0x8000004C;
	[dreg:$0x1] =	wrdreg $0xFFFFFFFF  }
0xb6: {  	s28 =	simm.s32 $_size_execute0_lowered;
	s3 =	sadd.s32 s3, s5;
	[dreg:$0x0] =	wrdreg $0x0  }
0xb7: {  	s5 =	sshll.u32 s28, $0x1;
	[dreg:$0x2] =	wrdreg s3  }
0xb8: {  	[dreg:$0x3] =	wrdreg s5  }
0xb9: {  	[dreg:$0x4] =	wrdreg $0xC0  }
0xba: {  	_ =	task [dreg:s22], $0x5FFFF  }
0xbb: {  	[dreg:$0x1] =	wrdreg $0xFFFFFFFF  }
0xbc: {  	[dreg:$0x0] =	wrdreg $0x60  }
0xbd: {  	[dreg:$0x2] =	wrdreg s24  }
0xbe: {  	[dreg:$0x3] =	wrdreg $0xA  }
0xbf: {  	_ =	task.clear_ibuf [dreg:s22], $0x4FFFF;
	_ =	strace $0x9000004C  }
0xc0: {  	s29 =	simm.s32 $0xA;
	_ =	strace $0x8000004E  }
0xc1: {  	_ =	swait.ge [sflag:s29], $0x1  }
0xc2: {  	[sflag:s29] =	ssyncadd.s32 $0xFFFFFFFF  }
0xc3: {  	_ =	strace $0x9000004E  }
0xc4: {  	_ =	sfence  }
0xc5: {  	s30 =	sld [smem:$0x0];
	_ =	sdelay $0x2  }
0xc6: {  	s31 =	sshll.u32 s1, $0xD;
	s1 =	sshrl.u32 s1, $0x2  }
0xc7: {  	s4 =	sand.u32 $0x4000, s31;
	s1 =	sadd.s32 s1, s30  }
0xc8: {  	s0 =	sor.u32 s4, s0;
	s1 =	sshll.u32 s1, $0x11  }
0xc9: {  	s0 =	sor.u32 s1, s0  }
0xca: {  	s0 =	sadd.s32 $0x8F2B, s0  }
0xcb: {  	[sflag:s0] =	ssyncadd.remote.s32 $0x1  }
0xcc: {  	_ =	sfence.sel $0xFFFF  }
0xcd: {  	[dreg:$0x0] =	wrdreg $0xFFFFFFFF;
	(pc) =	sbr.abs _section_cstart, $3  }
0xce: {  	[dreg:$0x1] =	wrdreg $0xFFFFFFFF  }
0xcf: {  	_ =	task.clear_ibuf [dreg:s22], $0x2FFFF;
	_ =	strace $0x9FFFFFFF  }
0xd0: {  	(tm) =	ssettm $0x7FFFFFFF  }
0xd1: {  	_ =	shalt  }
tec
execute0_lowered:
.L_overlay_start_1:
0x0: {  	(tag) =	ssettag $0x1  }
0x1: {  	s0 =	srdreg.scid;
	s5 =	rddreg [dreg:$0x0]  }
0x2: {  	s1 =	stileid.u32;
	s6 =	simm.s32 $0x1;
	s9 =	simm.s32 $0x1  }
0x3: {  	s10 =	simm.s32 $0x3;
	s13 =	simm.s32 $0x0;
	s2 =	sshll.u32 s0, $0x6  }
0x4: {  	s12 =	simm.s32 $0x0;
	s3 =	sshll.u32 s1, $0x7;
	s4 =	sand.u32 $0x40, s2  }
0x5: {  	s0 =	rddreg [dreg:$0x1];
	_ =	strace $0x8000004D;
	s3 =	sor.u32 s3, s4  }
0x6: {  	s2 =	sadd.s32 $0x102600, s5;
	[sflag:s6] =	ssyncpa.u1 $0x0;
	s8 =	ssub.s32 $0x1000, s3  }
.Ltmp0:
0x7: {  	s4 =	sadd.s32 $0x1C2C00, s5;
	s7 =	sand.u32 $0x7C0, s8;
	(pc) =	sbr.rel .LBB2_1-.Ltmp0, $4  }
0x8: {  	s5 =	sadd.s32 $0x1C3000, s5;
	s11 =	smov.u32 s3;
	p0 =	sne.s32 s7, $0x0  }
0x9: {  	s8 =	sshrl.u32 s8, $0xB;
	s7 =	simm.s32 $0x2;
	s9 =	simm.s32 @!p0 $0x0  }
0xa: {  	[sflag:s7] =	ssyncpa.u1 $0x0;
	p0 =	por $0x0, $0x0;
	s8 =	sadd.s32 s9, s8  }
0xb: {  	vm0 =	vmmov $0xffff;
	[sflag:s10] =	ssyncpa.u1 $0x0;
	s10 =	simm.s32 $0x0;
	s9 =	sadd.s32 $0x1, s8  }
.LBB2_4:
0xc: {  	vm1 =	veq.s32 v1, $0x80000000;
	v5 =	vand.u32 $0x7F, v1;
	v60 =	vand.u32 $0x1FFF80, v1  }
0xd: {  	v5 =	vsel vm1, $0xFFFFFFFF, v5;
	v1 =	vsel vm1, $0xFFFFFF80, v60  }
0xe: {  	v3 =	vor.u32 v4, v3;
	v61 =	vand.u32 $0xFFFFFC00, v1;
	v6 =	vand.u32 $0xFFFFFC00, v5  }
0xf: {  	v2 =	vor.u32 v2, v3;
	v1 =	vand.u32 $0x380, v1;
	v62 =	vadd.s32 v6, v61  }
0x10: {  	v63 =	vand.u32 $0x7F, v5;
	v1 =	vor.u32 v1, v62  }
0x11: {  	v1 =	vor.u32 v63, v1  }
0x12: {  	[tilespmem:s16], [sflag:$0x1] =	stream.indirect_vreg.gather [hbm4b:s2+s10], $0x1, v0, vm0, $0x4038;
	[tilespmem:$0x100] =	vst v63  }
0x13: {  	(ifvalue) =	ssetifvalue $0x7FFFFFFF  }
0x14: {  	[tilespmem:s15], [sflag:$0x1] =	stream.indirect_vreg.gather [hbm4b:s2+s10], $0x1, v2, vm0, $0x4038;
	[tilespmem:$0x100] =	vst v63  }
0x15: {  	s29 =	sadd.s32 $0x10, s15;
	(ifvalue) =	ssetifvalue $0x7FFFFFFF  }
0x16: {  	[tilespmem:s29], [sflag:$0x1] =	stream.indirect_vreg.gather [hbm4b:s2+s10], $0x1, v1, vm0, $0x4038;
	[tilespmem:$0x100] =	vst v63  }
0x17: {  	_ =	swait.ge [sflag:s6], $0x40  }
0x18: {  	s30 =	sshrl.u32 s13, $0x3;
	[sflag:s6] =	ssyncset.done $0x0  }
0x19: {  	s31 =	sand.u32 $0x7, s13;
	s15 =	sadd.s32 s5, s30;
	[sflag:s6] =	ssyncadd.s32 $0xFFFFFFC0  }
0x1a: {  	[hbm4b:s15+s31] =	stream.linear.scatter [tilespmem:s14], [sflag:$0x3], $0x40, $0x38;
	[tilespmem:$0x100] =	vst v63  }
.LBB2_5:
0x1b: {  	s15 =	sadd.s32 $0x800, s11  }
0x1c: {  	p2 =	sgt.s32 s15, $0xFFF  }
0x1d: {  	s15 =	smov.u32 @p2 s3;
	p2 =	sne.s32 s12, s9  }
.Ltmp1:
0x1e: {  	p1 =	slt.u32 s12, $0x2;
	(pc) =	sbr.rel @!p2 .LBB2_6-.Ltmp1, $4  }
0x1f: {  	s14 =	simm.s32 @!p1 $0x3  }
0x20: {  	s16 =	sadd.s32 $0x1, s12;
	_ =	swait.ge @!p1 [sflag:s14], $0x40  }
0x21: {  	s13 =	smov.u32 s11;
	p0 =	por !p0, !p0;
	[sflag:s14] =	ssyncset.done @!p1 $0x0  }
0x22: {  	s12 =	smov.u32 s16;
	s11 =	smov.u32 s15;
	[sflag:s14] =	ssyncadd.s32 @!p1 $0xFFFFFFC0  }
.LBB2_1:
0x23: {  	p1 =	sge.u32 s12, s8  }
0x24: {  	s14 =	sxor.u32 @!p1 $0xFFFFFFFF, s12  }
0x25: {  	s31 =	sadd.s32 $0xFFFFFFFF, s12;
	s15 =	sshrl.u32 @!p1 s11, $0x3;
	s14 =	sshll.u32 @!p1 s14, $0x6  }
0x26: {  	s16 =	sand.u32 @!p1 $0x7, s11;
	s15 =	sadd.s32 @!p1 s4, s15;
	s14 =	sand.u32 @!p1 $0x40, s14  }
0x27: {  	[tilespmem:s14], [sflag:$0x2] =	stream.linear.gather @!p1 [hbm4b:s15+s16], $0x40, $0x38;
	[tilespmem:$0x100] =	vst v63  }
0x28: {  	p1 =	sge.u32 s31, s8  }
.Ltmp2:
0x29: {  	_ = 	snop;
	(pc) =	sbr.rel @p1 .LBB2_5-.Ltmp2, $1  }
0x2a: {  	_ =	sdelay $0x3  }
0x2b: {  	s14 =	simm.s32 $0x1  }
0x2c: {  	_ =	swait.ge [sflag:s7], $0x40;
	s14 =	simm.s32 @!p0 $0x0  }
0x2d: {  	[sflag:s7] =	ssyncset.done $0x0;
	s14 =	sshll.u32 s14, $0x6  }
0x2e: {  	[sflag:s7] =	ssyncadd.s32 $0xFFFFFFC0;
	(ifvalue) =	ssetifvalue $0x7FFFFFFF;
	v0 =	vld.msk [tilespmem:s14+$0x0 ss:$0x1], $0xffff;
	_ =	sdelay $0x4  }
0x2f: {  	s15 =	sadd.s32 $0x10, s14;
	vm1 =	veq.s32 v0, $0x80000000;
	v2 =	vand.u32 $0x7F, v0;
	v0 =	vand.u32 $0x1FFF80, v0  }
0x30: {  	v1 =	vld.msk [tilespmem:s15+$0x0 ss:$0x1], $0xffff;
	v2 =	vsel vm1, $0xFFFFFFFF, v2;
	v0 =	vsel vm1, $0xFFFFFF80, v0  }
0x31: {  	v3 =	vand.u32 $0xFFFFFC00, v0;
	v4 =	vand.u32 $0xFFFFFC00, v2  }
0x32: {  	v0 =	vand.u32 $0x380, v0;
	v3 =	vadd.s32 v4, v3  }
0x33: {  	v2 =	vand.u32 $0x7F, v2;
	v0 =	vor.u32 v0, v3  }
0x34: {  	v0 =	vor.u32 v2, v0  }
0x35: {  	s16 =	sshll.u32 s12, $0x6;
	vm1 =	veq.s32 v1, $0x80000000;
	v4 =	vand.u32 $0x7F, v1;
	v1 =	vand.u32 $0x1FFF80, v1  }
0x36: {  	s18 =	sand.u32 $0x40, s16;
	v3 =	vsel vm1, $0xFFFFFFFF, v4;
	v4 =	vsel vm1, $0xFFFFFF80, v1  }
0x37: {  	s16 =	sor.u32 $0x80, s14;
	s14 =	sor.u32 $0x80, s18;
	s17 =	sadd.s32 $0x10, s15;
	v5 =	vand.u32 $0xFFFFFC00, v4;
	v6 =	vand.u32 $0xFFFFFC00, v3  }
0x38: {  	s18 =	simm.s32 $0x20;
	s15 =	sadd.s32 $0x10, s16;
	v1 =	vld.msk [tilespmem:s17+$0x0 ss:$0x1], $0xffff;
	(ifvalue) =	ssetifvalue $0x7FFFFFFF;
	v2 =	vand.u32 $0x7F, v3;
	v4 =	vand.u32 $0x380, v4;
	v3 =	vadd.s32 v6, v5  }
.LBB2_3:
0x39: {  	[tilespmem:s16], [sflag:$0x1] =	stream.indirect_vreg.gather [hbm4b:s2+s10], $0x1, v0, vm0, $0x4038;
	[tilespmem:$0x100] =	vst v63  }
0x3a: {  	s18 =	sadd.s32 $0x10, s18  }
0x3b: {  	v3 =	vor.u32 v4, v3;
	p1 =	slt.u32 s18, $0x30  }
.Ltmp3:
0x3c: {  	s17 =	sadd.s32 $0x10, s17;
	v0 =	vor.u32 v2, v3;
	(pc) =	sbr.rel @p1 .LBB2_3-.Ltmp3, $4  }
0x3d: {  	vm1 =	veq.s32 v1, $0x80000000;
	s16 =	smov.u32 s15;
	v2 =	vand.u32 $0x7F, v1;
	v3 =	vand.u32 $0x1FFF80, v1;
	v1 =	vld.msk [tilespmem:s17+$0x0 ss:$0x1], $0xffff  }
0x3e: {  	v4 =	vsel vm1, $0xFFFFFFFF, v2;
	v5 =	vsel vm1, $0xFFFFFF80, v3  }
0x3f: {  	v2 =	vand.u32 $0x7F, v4;
	v3 =	vand.u32 $0xFFFFFC00, v5;
	v4 =	vand.u32 $0xFFFFFC00, v4  }
0x40: {  	s15 =	sadd.s32 $0x10, s15;
	v3 =	vadd.s32 v4, v3;
	v4 =	vand.u32 $0x380, v5;
	(ifvalue) =	ssetifvalue $0x7FFFFFFF  }
.Ltmp4:
0x41: {  	_ = 	snop;
	(pc) =	sbr.rel .LBB2_4-.Ltmp4, $1  }
0x42: {  	_ =	sdelay $0x3  }
.LBB2_6:
0x43: {  	_ =	sfence.sel $0x180000  }
0x44: {  	s2 =	simm.s32 $0x2;
	[bflag:$0x0] =	sbarrier.arrive $0xFFFF  }
0x45: {  	s30 =	simm.s32 $0x3;
	[sflag:s2] =	ssyncpa.u1 $0x1  }
0x46: {  	s31 =	simm.s32 $0x1;
	[sflag:s30] =	ssyncpa.u1 $0x1  }
0x47: {  	[sflag:s31] =	ssyncpa.u1 $0x1  }
0x48: {  	p0 =	sne.s32 s1, $0x0;
	_ =	strace $0x9000004D  }
0x49: {  	s0 =	sadd.s32 @!p0 $0x100000, s0;
	[bflag:$0x2] =	sbarrier.arrive $0xFFFF  }
0x4a: {  	[sflag:s0] =	ssyncadd.tile.s32 @!p0 $0x1;
	_ =	shalt  }
.Lfunc_end2:
_tile_overlayer_lowered:
.L_overlay_start_2:
0x4b: {  	(tag) =	ssettag $0x2  }
0x4c: {  	s0 =	rddreg [dreg:$0x0];
	s2 =	stileid.u32  }
0x4d: {  	s1 =	rddreg [dreg:$0x1];
	p0 =	sne.s32 s2, $0x0  }
0x4e: {  	s3 =	rddreg [dreg:$0x2];
	[bflag:$0x3] =	sbarrier.arrive $0xFFFF;
	s2 =	simm.s32 @!p0 $0x1C01  }
0x4f: {  	[timem:s3], [sflag:s2] =	dma.local @!p0 [hbm:s0], s1  }
0x50: {  	s0 =	simm.s32 @!p0 $0x1  }
0x51: {  	_ =	swait.ge @!p0 [sflag:s0], s1  }
0x52: {  	s1 =	ssub.s32 @!p0 $0x0, s1;
	[sflag:s0] =	ssyncset.done @!p0 $0x0  }
0x53: {  	[sflag:s0] =	ssyncadd.s32 @!p0 s1  }
0x54: {  	[bflag:$0x3] =	sbarrier.arrive $0xFFFF  }
0x55: {  	_ =	shalt  }

// kernel: gather_offload_async_start.2
scs
__scs_entry_jumppad:
0x0: {  	(pc) =	sbr.rel $0x88, $3  }
0x1: {  	(tag) =	ssettag $0x0;
	lr =	simm.s32 $0x1  }
0x2: {  	[smem:$0x3F89] =	sst lr;
	_ =	strace $0xD0000000  }
0x3: {  	_ = 	snop  }
0x4: {  	_ = 	snop  }
0x5: {  	_ = 	snop  }
0x6: {  	_ = 	snop  }
0x7: {  	_ = 	snop  }
__scs_overlays_trampoline_lowered:
0x8: {  	[smem:$0x3F98] =	sst s0  }
0x9: {  	[smem:$0x3F99] =	sst s1  }
0xa: {  	[smem:$0x3F9A] =	sst s2  }
0xb: {  	[smem:$0x3F9B] =	sst s3  }
0xc: {  	[smem:$0x3F9C] =	sst s4  }
0xd: {  	[smem:$0x3F9D] =	sst s5  }
0xe: {  	[smem:$0x3F9E] =	sst s6  }
0xf: {  	[smem:$0x3F9F] =	sst s7  }
0x10: {  	[smem:$0x3FA0] =	sst s8  }
0x11: {  	[smem:$0x3FA1] =	sst s9;
	s0 =	simm.s32 @!p0 $0x0  }
0x12: {  	s1 =	sld [smem:$0x3F87];
	s0 =	simm.s32 @p0 $0x1  }
0x13: {  	[smem:$0x3FA2] =	sst s0;
	s0 =	simm.s32 @!p1 $0x0  }
0x14: {  	s2 =	sld [smem:$0x3F86];
	s0 =	simm.s32 @p1 $0x1  }
0x15: {  	[smem:$0x3FA3] =	sst s0;
	s0 =	simm.s32 @!p2 $0x0  }
0x16: {  	s3 =	sld [smem:$0x3FDB];
	s0 =	simm.s32 @p2 $0x1  }
0x17: {  	s4 =	simm.s32 $0x1BF5;
	[smem:$0x3FA5] =	sst s0  }
0x18: {  	s0 =	sld [smem:$0x3F88];
	_ =	swait.ge [sflag:s4], $0x0  }
0x19: {  	s7 =	sld [smem:$0x3F89]  }
0x1a: {  	s8 =	sadd.s32 $0xFFFFE003, lr  }
0x1b: {  	s9 =	sadd.s32 $0xFFFFFEF7, lr;
	s5 =	simm.s32 $0xFFFFFFFF;
	p2 =	slt.u32 s8, $0xFFFFF086  }
0x1c: {  	p1 =	slt.u32 s9, $0xF7A;
	s5 =	simm.s32 @!p2 $0x0  }
0x1d: {  	s5 =	simm.s32 @p1 $0x1;
	p0 =	seq.s32 s7, s2  }
0x1e: {  	s7 =	smul.u32 @!p0 $0xF7A, s2;
	p2 =	seq.s32 @!p0 s5, $0x0  }
0x1f: {  	s9 =	smul.u32 $0xF7A, s1;
	s8 =	simm.s32 @!p0 $0x1BF5;
	p2 =	por !p2, p0  }
0x20: {  	[sflag:s8] =	ssyncset.s32 @!p0 $0xFFFFF086;
	s6 =	sadd.s32 @!p0 s3, s7;
	s7 =	simm.s32 @!p0 $0x108  }
0x21: {  	s3 =	sadd.s32 s3, s9;
	s6 =	sadd.s32 @!p0 $0x88, s6;
	s7 =	simm.s32 @p2 $0x1082  }
0x22: {  	[simem:s7], [sflag:s8] =	dma.local @!p0 [hbm:s6], $0xF7A  }
0x23: {  	s9 =	sor.u32 $0xD0000000, s2;
	s6 =	simm.s32 $0x108;
	_ =	swait.ge @!p0 [sflag:s8], $0x0  }
0x24: {  	s3 =	sadd.s32 $0x88, s3;
	s6 =	simm.s32 @!p1 $0x1082;
	[sflag:s4] =	ssyncset.s32 $0xFFFFF086  }
0x25: {  	[simem:s6], [sflag:s4] =	dma.local [hbm:s3], $0xF7A  }
0x26: {  	[smem:$0x3F89] =	sst s1;
	(tag) =	ssettag s2;
	_ =	strace s9  }
0x27: {  	s1 =	sld [smem:$0x3F99]  }
0x28: {  	s2 =	sld [smem:$0x3F9A]  }
0x29: {  	s4 =	sld [smem:$0x3F9C]  }
0x2a: {  	p0 =	seq.s32 s5, $0x0;
	s5 =	sld [smem:$0x3F9D]  }
0x2b: {  	s6 =	sld [smem:$0x3F9E]  }
0x2c: {  	s7 =	sld [smem:$0x3F9F]  }
0x2d: {  	s3 =	simm.s32 $0x108;
	s8 =	sld [smem:$0x3FA0]  }
0x2e: {  	s3 =	simm.s32 @!p0 $0x1082;
	s9 =	sld [smem:$0x3FA1]  }
0x2f: {  	lr =	sadd.s32 s0, s3;
	s0 =	sld [smem:$0x3F98]  }
0x30: {  	s3 =	sld [smem:$0x3F9B]  }
0x31: {  	[smem:$0x3FA4] =	sst s10  }
0x32: {  	s10 =	sld [smem:$0x3FA2];
	_ =	sdelay $0x3  }
0x33: {  	p0 =	seq.s32 s10, $0x1;
	s10 =	sld [smem:$0x3FA4];
	_ =	sdelay $0x3  }
0x34: {  	[smem:$0x3FA4] =	sst s10  }
0x35: {  	s10 =	sld [smem:$0x3FA3];
	_ =	sdelay $0x3  }
0x36: {  	p1 =	seq.s32 s10, $0x1;
	s10 =	sld [smem:$0x3FA4];
	_ =	sdelay $0x3  }
0x37: {  	[smem:$0x3FA4] =	sst s10  }
0x38: {  	s10 =	sld [smem:$0x3FA5]  }
0x39: {  	_ = 	snop;
	(pc) =	sbr.ind lr, $3  }
0x3a: {  	_ = 	snop  }
0x3b: {  	_ = 	snop  }
0x3c: {  	p2 =	seq.s32 s10, $0x1;
	s10 =	sld [smem:$0x3FA4]  }
0x3d: {  	_ =	shalt  }
0x3e: {  	_ =	shalt  }
0x3f: {  	_ =	shalt  }
0x40: {  	_ =	shalt  }
0x41: {  	_ =	shalt  }
0x42: {  	_ =	shalt  }
0x43: {  	_ =	shalt  }
0x44: {  	_ =	shalt  }
0x45: {  	_ =	shalt  }
0x46: {  	_ =	shalt  }
0x47: {  	_ =	shalt  }
0x48: {  	_ =	shalt  }
0x49: {  	_ =	shalt  }
0x4a: {  	_ =	shalt  }
0x4b: {  	_ =	shalt  }
0x4c: {  	_ =	shalt  }
0x4d: {  	_ =	shalt  }
0x4e: {  	_ =	shalt  }
0x4f: {  	_ =	shalt  }
0x50: {  	_ =	shalt  }
0x51: {  	_ =	shalt  }
0x52: {  	_ =	shalt  }
0x53: {  	_ =	shalt  }
0x54: {  	_ =	shalt  }
0x55: {  	_ =	shalt  }
0x56: {  	_ =	shalt  }
0x57: {  	_ =	shalt  }
0x58: {  	_ =	shalt  }
0x59: {  	_ =	shalt  }
0x5a: {  	_ =	shalt  }
0x5b: {  	_ =	shalt  }
0x5c: {  	_ =	shalt  }
0x5d: {  	_ =	shalt  }
0x5e: {  	_ =	shalt  }
0x5f: {  	_ =	shalt  }
0x60: {  	_ =	shalt  }
0x61: {  	_ =	shalt  }
0x62: {  	_ =	shalt  }
0x63: {  	_ =	shalt  }
0x64: {  	_ =	shalt  }
0x65: {  	_ =	shalt  }
0x66: {  	_ =	shalt  }
0x67: {  	_ =	shalt  }
0x68: {  	_ =	shalt  }
0x69: {  	_ =	shalt  }
0x6a: {  	_ =	shalt  }
0x6b: {  	_ =	shalt  }
0x6c: {  	_ =	shalt  }
0x6d: {  	_ =	shalt  }
0x6e: {  	_ =	shalt  }
0x6f: {  	_ =	shalt  }
0x70: {  	_ =	shalt  }
0x71: {  	_ =	shalt  }
0x72: {  	_ =	shalt  }
0x73: {  	_ =	shalt  }
0x74: {  	_ =	shalt  }
0x75: {  	_ =	shalt  }
0x76: {  	_ =	shalt  }
0x77: {  	_ =	shalt  }
0x78: {  	_ =	shalt  }
0x79: {  	_ =	shalt  }
0x7a: {  	_ =	shalt  }
0x7b: {  	_ =	shalt  }
0x7c: {  	_ =	shalt  }
0x7d: {  	_ =	shalt  }
0x7e: {  	_ =	shalt  }
0x7f: {  	_ =	shalt  }
0x80: {  	_ =	shalt  }
0x81: {  	_ =	shalt  }
0x82: {  	_ =	shalt  }
0x83: {  	_ =	shalt  }
0x84: {  	_ =	shalt  }
0x85: {  	_ =	shalt  }
0x86: {  	_ =	shalt  }
0x87: {  	_ =	shalt  }
.Lfunc_end0:
.L_simem_size_0:
called_computation.4_lowered:
.L_overlay_start_0:
0x88: {  	s2 =	sld [smem:$0x3FD9]  }
0x89: {  	s3 =	sld [smem:$0x3FFE];
	_ =	sdelay $0x1  }
0x8a: {  	s1 =	srdreg.scid  }
0x8b: {  	s0 =	sand.u32 $0x1, s1  }
0x8c: {  	s17 =	sshll.u32 s0, $0xA;
	s2 =	sadd.s32 s3, s2  }
0x8d: {  	s2 =	sadd.s32 s2, s17  }
0x8e: {  	[smem:$0x3FB0] =	sst s2  }
0x8f: {  	_ = 	snop  }
0x90: {  	(tm) =	ssettm $0x1  }
0x91: {  	s18 =	sld [smem:$0x3FFB];
	_ =	sdelay $0x3  }
0x92: {  	_ =	strace s18  }
0x93: {  	s2 =	sld [smem:$0x3FFC];
	_ =	sdelay $0x3  }
0x94: {  	_ =	strace s2  }
0x95: {  	s2 =	sld [smem:$0x3FFD];
	_ =	sdelay $0x3  }
0x96: {  	_ =	strace s2  }
0x97: {  	_ =	strace $0x8FFFFFFF  }
0x98: {  	s19 =	sld [smem:$0x3FDB];
	_ =	sdelay $0x1  }
0x99: {  	s20 =	simm.s32 $_scs_section_size  }
0x9a: {  	s4 =	simm.s32 $_size__tile_overlayer_lowered;
	s5 =	simm.s32 $_tile_overlayer_lowered  }
0x9b: {  	s6 =	simm.s32 $0x1BFF;
	s21 =	sshll.u32 s5, $0x1;
	s3 =	sadd.s32 s20, s19  }
0x9c: {  	s22 =	simm.s32 $0x0;
	s4 =	sshll.u32 s4, $0x1;
	s5 =	sadd.s32 s21, s3  }
0x9d: {  	[timem:s22], [sflag:s6] =	dma.local [hbm:s5], s4  }
0x9e: {  	_ =	swait.ge [sflag:s6], s4  }
0x9f: {  	s4 =	ssub.s32 $0x0, s4;
	[sflag:s6] =	ssyncset.done $0x0  }
0xa0: {  	[sflag:s6] =	ssyncadd.s32 s4;
	_ =	sdelay $0x1  }
0xa1: {  	s23 =	simm.s32 $0x1B8B  }
0xa2: {  	_ =	swait.ge [sflag:s23], $0x1  }
0xa3: {  	[sflag:s23] =	ssyncset.done $0x0  }
0xa4: {  	[sflag:s23] =	ssyncadd.s32 $0xFFFFFFFF  }
0xa5: {  	s4 =	sld [smem:$0x0]  }
0xa6: {  	s5 =	sand.u32 $0xFFFFFFFE, s1  }
0xa7: {  	p0 =	sne.s32 s1, s5  }
0xa8: {  	s5 =	sshll.u32 @p0 s5, $0xE  }
0xa9: {  	s5 =	sadd.s32 @p0 $0x11B8D, s5;
	s6 =	sshll.u32 @p0 s4, $0x11  }
0xaa: {  	s5 =	sor.u32 @p0 s6, s5  }
0xab: {  	[sflag:s5] =	ssyncadd.remote.s32 @p0 $0x1;
	_ =	sdelay $0x1  }
0xac: {  	s5 =	simm.s32 @p0 $0x1B8D  }
0xad: {  	_ =	swait.eq @p0 [sflag:s5], $0x1  }
0xae: {  	[sflag:s5] =	ssyncadd.s32 @p0 $0xFFFFFFFF  }
0xaf: {  	s6 =	sshll.u32 @!p0 s1, $0xE  }
0xb0: {  	s6 =	sor.u32 @!p0 $0x4000, s6;
	s5 =	simm.s32 @!p0 $0x1B8D  }
0xb1: {  	s4 =	sshll.u32 @!p0 s4, $0x11;
	s6 =	sadd.s32 @!p0 $0x11B8D, s6;
	_ =	swait.eq @!p0 [sflag:s5], $0x1  }
0xb2: {  	s4 =	sor.u32 @!p0 s4, s6;
	[sflag:s5] =	ssyncadd.s32 @!p0 $0xFFFFFFFF  }
0xb3: {  	s25 =	simm.s32 $0x1B8E;
	s24 =	sld [smem:$0x3FFE];
	[sflag:s4] =	ssyncadd.remote.s32 @!p0 $0x1  }
0xb4: {  	s26 =	simm.s32 $execute0_lowered;
	[smem:$0x3FD2] =	sst s25  }
0xb5: {  	s5 =	sshll.u32 s26, $0x1;
	_ =	strace $0x8000004F;
	[dreg:$0x1] =	wrdreg $0xFFFFFFFF  }
0xb6: {  	s28 =	simm.s32 $_size_execute0_lowered;
	s3 =	sadd.s32 s3, s5;
	[dreg:$0x0] =	wrdreg $0x0  }
0xb7: {  	s5 =	sshll.u32 s28, $0x1;
	[dreg:$0x2] =	wrdreg s3  }
0xb8: {  	[dreg:$0x3] =	wrdreg s5  }
0xb9: {  	[dreg:$0x4] =	wrdreg $0xC0  }
0xba: {  	_ =	task [dreg:s22], $0x5FFFF  }
0xbb: {  	[dreg:$0x1] =	wrdreg $0xFFFFFFFF  }
0xbc: {  	[dreg:$0x0] =	wrdreg $0x60  }
0xbd: {  	[dreg:$0x2] =	wrdreg s24  }
0xbe: {  	[dreg:$0x3] =	wrdreg $0xB  }
0xbf: {  	_ =	task.clear_ibuf [dreg:s22], $0x4FFFF;
	_ =	strace $0x9000004F  }
0xc0: {  	s29 =	simm.s32 $0xB;
	_ =	strace $0x80000051  }
0xc1: {  	_ =	swait.ge [sflag:s29], $0x1  }
0xc2: {  	[sflag:s29] =	ssyncadd.s32 $0xFFFFFFFF  }
0xc3: {  	_ =	strace $0x90000051  }
0xc4: {  	_ =	sfence  }
0xc5: {  	s30 =	sld [smem:$0x0];
	_ =	sdelay $0x2  }
0xc6: {  	s31 =	sshll.u32 s1, $0xD;
	s1 =	sshrl.u32 s1, $0x2  }
0xc7: {  	s4 =	sand.u32 $0x4000, s31;
	s1 =	sadd.s32 s1, s30  }
0xc8: {  	s0 =	sor.u32 s4, s0;
	s1 =	sshll.u32 s1, $0x11  }
0xc9: {  	s0 =	sor.u32 s1, s0  }
0xca: {  	s0 =	sadd.s32 $0x8F2B, s0  }
0xcb: {  	[sflag:s0] =	ssyncadd.remote.s32 $0x1  }
0xcc: {  	_ =	sfence.sel $0xFFFF  }
0xcd: {  	[dreg:$0x0] =	wrdreg $0xFFFFFFFF;
	(pc) =	sbr.abs _section_cstart, $3  }
0xce: {  	[dreg:$0x1] =	wrdreg $0xFFFFFFFF  }
0xcf: {  	_ =	task.clear_ibuf [dreg:s22], $0x2FFFF;
	_ =	strace $0x9FFFFFFF  }
0xd0: {  	(tm) =	ssettm $0x7FFFFFFF  }
0xd1: {  	_ =	shalt  }
tec
execute0_lowered:
.L_overlay_start_1:
0x0: {  	(tag) =	ssettag $0x1  }
0x1: {  	s1 =	srdreg.scid  }
0x2: {  	s0 =	stileid.u32;
	s6 =	rddreg [dreg:$0x0]  }
0x3: {  	s5 =	simm.s32 $0x2;
	s10 =	simm.s32 $0x3;
	s1 =	sshll.u32 s1, $0x7  }
0x4: {  	s12 =	simm.s32 $0x0;
	s2 =	sshll.u32 s0, $0x8;
	s3 =	sand.u32 $0x80, s1  }
0x5: {  	s11 =	simm.s32 $0x0;
	s1 =	rddreg [dreg:$0x1];
	s2 =	sor.u32 s2, s3  }
0x6: {  	_ =	strace $0x80000050;
	s3 =	sadd.s32 $0x402600, s6;
	s4 =	sshrl.u32 s2, $0x3  }
0x7: {  	s7 =	ssub.s32 $0x1000, s2;
	s8 =	sadd.s32 s4, s6;
	s4 =	simm.s32 $0x1  }
.Ltmp0:
0x8: {  	s9 =	sand.u32 $0xF80, s7;
	s7 =	sshrl.u32 s7, $0xC;
	(pc) =	sbr.rel .LBB2_1-.Ltmp0, $4  }
0x9: {  	s6 =	sadd.s32 $0x1C3200, s6;
	p0 =	sne.s32 s9, $0x0;
	s9 =	simm.s32 $0x1  }
0xa: {  	[sflag:s4] =	ssyncpa.u1 $0x0;
	s8 =	sadd.s32 $0x1C2800, s8;
	s9 =	simm.s32 @!p0 $0x0  }
0xb: {  	[sflag:s5] =	ssyncpa.u1 $0x0;
	p0 =	por $0x0, $0x0;
	s7 =	sadd.s32 s9, s7  }
0xc: {  	vm0 =	vmmov $0xffff;
	[sflag:s10] =	ssyncpa.u1 $0x0;
	s10 =	simm.s32 $0x0;
	s9 =	sadd.s32 $0x1, s7  }
.LBB2_4:
0xd: {  	_ =	sdelay $0x3  }
0xe: {  	[tilespmem:s18], [sflag:$0x1] =	stream.indirect_vreg.gather [hbm4b:s3+s10], $0x1, v0, vm0, $0x4038;
	[tilespmem:$0x500] =	vst v63  }
0xf: {  	s14 =	sadd.s32 s16, s14  }
0x10: {  	v0 =	vld.msk [tilespmem:s14+$0x0 ss:$0x1], $0xffff;
	_ =	sdelay $0x4  }
0x11: {  	v1 =	vshrl.u32 v0, $0x7  }
0x12: {  	vm1 =	veq.s32 v0, $0x80000000;
	v1 =	vand.u32 $0x3FFF, v1  }
0x13: {  	v0 =	vshll.u32 v0, $0x10;
	v1 =	vsel vm1, $0xFFFFFFFF, v1  }
0x14: {  	v0 =	vand.u32 $0x7F0000, v0;
	v2 =	vshll.u32 v1, $0x2  }
0x15: {  	v0 =	vsel vm1, $0xFFFF0000, v0;
	v2 =	vand.u32 $0xFFFFFE00, v2  }
0x16: {  	v1 =	vand.u32 $0x7F, v1;
	v0 =	vadd.s32 v0, v2  }
0x17: {  	v0 =	vor.u32 v1, v0;
	_ =	sdelay $0x2  }
0x18: {  	(ifvalue) =	ssetifvalue $0x7FFFFFFF;
	v1 =	vor.u32 $0x80, v0  }
0x19: {  	s28 =	sadd.s32 s16, s15;
	(ifvalue) =	ssetifvalue $0x7FFFFFFF  }
0x1a: {  	[tilespmem:s28], [sflag:$0x1] =	stream.indirect_vreg.gather [hbm4b:s3+s10], $0x1, v0, vm0, $0x4038;
	[tilespmem:$0x500] =	vst v63  }
0x1b: {  	v63 =	vor.u32 $0x100, v0;
	(ifvalue) =	ssetifvalue $0x7FFFFFFF  }
0x1c: {  	s15 =	sadd.s32 $0x80, s28;
	(ifvalue) =	ssetifvalue $0x7FFFFFFF  }
0x1d: {  	[tilespmem:s15], [sflag:$0x1] =	stream.indirect_vreg.gather [hbm4b:s3+s10], $0x1, v1, vm0, $0x4038;
	[tilespmem:$0x500] =	vst v63  }
0x1e: {  	v0 =	vor.u32 $0x180, v0;
	(ifvalue) =	ssetifvalue $0x7FFFFFFF  }
0x1f: {  	s29 =	sadd.s32 $0x100, s28;
	(ifvalue) =	ssetifvalue $0x7FFFFFFF  }
0x20: {  	[tilespmem:s29], [sflag:$0x1] =	stream.indirect_vreg.gather [hbm4b:s3+s10], $0x1, v63, vm0, $0x4038;
	[tilespmem:$0x500] =	vst v63  }
0x21: {  	(ifvalue) =	ssetifvalue $0x7FFFFFFF  }
0x22: {  	s30 =	sshll.u32 s12, $0x2;
	s14 =	sadd.s32 $0x180, s28;
	(ifvalue) =	ssetifvalue $0x7FFFFFFF  }
0x23: {  	[tilespmem:s14], [sflag:$0x1] =	stream.indirect_vreg.gather [hbm4b:s3+s10], $0x1, v0, vm0, $0x4038;
	[tilespmem:$0x500] =	vst v63  }
0x24: {  	s31 =	sand.u32 $0x78, s12;
	s14 =	sand.u32 $0x7FFFFE00, s30  }
0x25: {  	_ =	swait.ge [sflag:s4], $0x200;
	s12 =	sor.u32 s31, s14  }
0x26: {  	[sflag:s4] =	ssyncset.done $0x0;
	s12 =	sshrl.u32 s12, $0x3  }
0x27: {  	[sflag:s4] =	ssyncadd.s32 $0xFFFFFE00;
	s12 =	sadd.s32 s6, s12  }
0x28: {  	[hbm:s12] =	stream.linear.scatter [tilespmem:s13], [sflag:$0x3], $0x200, $0x38;
	[tilespmem:$0x500] =	vst v63  }
.LBB2_5:
0x29: {  	p2 =	sne.s32 s11, s9  }
.Ltmp1:
0x2a: {  	p1 =	slt.u32 s11, $0x2;
	(pc) =	sbr.rel @!p2 .LBB2_6-.Ltmp1, $4  }
0x2b: {  	s12 =	simm.s32 @!p1 $0x3  }
0x2c: {  	_ =	swait.ge @!p1 [sflag:s12], $0x200  }
0x2d: {  	s13 =	sadd.s32 $0x1, s11;
	p0 =	por !p0, !p0;
	[sflag:s12] =	ssyncset.done @!p1 $0x0  }
0x2e: {  	s11 =	smov.u32 s13;
	[sflag:s12] =	ssyncadd.s32 @!p1 $0xFFFFFE00;
	s12 =	smov.u32 s2  }
.LBB2_1:
0x2f: {  	p1 =	sge.u32 s11, s7  }
0x30: {  	s13 =	sxor.u32 @!p1 $0xFFFFFFFF, s11  }
0x31: {  	s13 =	sshll.u32 @!p1 s13, $0x7  }
0x32: {  	s31 =	sadd.s32 $0xFFFFFFFF, s11;
	s14 =	simm.s32 @!p1 $0x0;
	s13 =	sand.u32 @!p1 $0x80, s13  }
0x33: {  	[tilespmem:s13], [sflag:$0x2] =	stream.linear.gather @!p1 [hbm4b:s8+s14], $0x80, $0x38;
	[tilespmem:$0x500] =	vst v63  }
0x34: {  	p1 =	sge.u32 s31, s7  }
.Ltmp2:
0x35: {  	_ = 	snop;
	(pc) =	sbr.rel @p1 .LBB2_5-.Ltmp2, $1  }
0x36: {  	_ =	sdelay $0x3  }
0x37: {  	s13 =	simm.s32 $0x1  }
0x38: {  	_ =	swait.ge [sflag:s5], $0x80;
	s13 =	simm.s32 @!p0 $0x0  }
0x39: {  	[sflag:s5] =	ssyncset.done $0x0;
	s14 =	sshll.u32 s13, $0x7  }
0x3a: {  	[sflag:s5] =	ssyncadd.s32 $0xFFFFFF80;
	s15 =	sadd.s32 $0x0, s14  }
0x3b: {  	v0 =	vld.msk [tilespmem:s15+$0x0 ss:$0x1], $0xffff;
	_ =	sdelay $0x4  }
0x3c: {  	v1 =	vshrl.u32 v0, $0x7  }
0x3d: {  	vm1 =	veq.s32 v0, $0x80000000;
	v1 =	vand.u32 $0x3FFF, v1  }
0x3e: {  	v0 =	vshll.u32 v0, $0x10;
	v1 =	vsel vm1, $0xFFFFFFFF, v1  }
0x3f: {  	v0 =	vand.u32 $0x7F0000, v0;
	v2 =	vshll.u32 v1, $0x2  }
0x40: {  	v0 =	vsel vm1, $0xFFFF0000, v0;
	v2 =	vand.u32 $0xFFFFFE00, v2  }
0x41: {  	v1 =	vand.u32 $0x7F, v1;
	v0 =	vadd.s32 v0, v2  }
0x42: {  	v0 =	vor.u32 v1, v0;
	_ =	sdelay $0x1  }
0x43: {  	s13 =	sshll.u32 s13, $0x9  }
0x44: {  	s15 =	sor.u32 $0x100, s13;
	(ifvalue) =	ssetifvalue $0x7FFFFFFF;
	v1 =	vor.u32 $0x80, v0  }
0x45: {  	s18 =	sadd.s32 $0x0, s15;
	(ifvalue) =	ssetifvalue $0x7FFFFFFF  }
0x46: {  	[tilespmem:s18], [sflag:$0x1] =	stream.indirect_vreg.gather [hbm4b:s3+s10], $0x1, v0, vm0, $0x4038;
	[tilespmem:$0x500] =	vst v63  }
0x47: {  	v2 =	vor.u32 $0x100, v0;
	(ifvalue) =	ssetifvalue $0x7FFFFFFF  }
0x48: {  	s30 =	sadd.s32 $0x80, s18;
	(ifvalue) =	ssetifvalue $0x7FFFFFFF  }
0x49: {  	[tilespmem:s30], [sflag:$0x1] =	stream.indirect_vreg.gather [hbm4b:s3+s10], $0x1, v1, vm0, $0x4038;
	[tilespmem:$0x500] =	vst v63  }
0x4a: {  	s31 =	sshll.u32 s11, $0x9;
	v0 =	vor.u32 $0x180, v0;
	(ifvalue) =	ssetifvalue $0x7FFFFFFF  }
0x4b: {  	s13 =	sand.u32 $0x200, s31;
	s16 =	sadd.s32 $0x100, s18;
	(ifvalue) =	ssetifvalue $0x7FFFFFFF  }
0x4c: {  	[tilespmem:s16], [sflag:$0x1] =	stream.indirect_vreg.gather [hbm4b:s3+s10], $0x1, v2, vm0, $0x4038;
	[tilespmem:$0x500] =	vst v63  }
0x4d: {  	s17 =	simm.s32 $0x80;
	s13 =	sor.u32 $0x100, s13;
	(ifvalue) =	ssetifvalue $0x7FFFFFFF  }
0x4e: {  	s18 =	sadd.s32 $0x180, s18;
	s16 =	simm.s32 $0x10;
	(ifvalue) =	ssetifvalue $0x7FFFFFFF  }
.LBB2_3:
0x4f: {  	[tilespmem:s18], [sflag:$0x1] =	stream.indirect_vreg.gather [hbm4b:s3+s10], $0x1, v0, vm0, $0x4038;
	[tilespmem:$0x500] =	vst v63  }
0x50: {  	s18 =	smov.u32 s17  }
0x51: {  	s19 =	sadd.s32 $0x40, s17;
	s20 =	sadd.s32 s16, s14;
	s18 =	sshra.s32 s18, $0x2  }
0x52: {  	p1 =	sne.s32 s17, $0x1C0;
	v0 =	vld.msk [tilespmem:s20+$0x0 ss:$0x1], $0xffff  }
0x53: {  	(ifvalue) =	ssetifvalue $0x7FFFFFFF;
	_ =	sdelay $0x4  }
0x54: {  	v1 =	vshrl.u32 v0, $0x7;
	v2 =	vshll.u32 v0, $0x10  }
0x55: {  	vm1 =	veq.s32 v0, $0x80000000;
	v0 =	vand.u32 $0x3FFF, v1;
	v1 =	vand.u32 $0x7F0000, v2  }
0x56: {  	v0 =	vsel vm1, $0xFFFFFFFF, v0;
	v1 =	vsel vm1, $0xFFFF0000, v1  }
0x57: {  	v2 =	vshll.u32 v0, $0x2  }
0x58: {  	v2 =	vand.u32 $0xFFFFFE00, v2  }
0x59: {  	v0 =	vand.u32 $0x7F, v0;
	v1 =	vadd.s32 v1, v2  }
0x5a: {  	v0 =	vor.u32 v0, v1;
	_ =	sdelay $0x2  }
0x5b: {  	v1 =	vor.u32 $0x80, v0  }
0x5c: {  	s17 =	sadd.s32 s16, s15;
	s16 =	smov.u32 s18;
	(ifvalue) =	ssetifvalue $0x7FFFFFFF  }
0x5d: {  	[tilespmem:s17], [sflag:$0x1] =	stream.indirect_vreg.gather [hbm4b:s3+s10], $0x1, v0, vm0, $0x4038;
	[tilespmem:$0x500] =	vst v63  }
0x5e: {  	v2 =	vor.u32 $0x100, v0;
	(ifvalue) =	ssetifvalue $0x7FFFFFFF  }
0x5f: {  	s18 =	sadd.s32 $0x80, s17;
	(ifvalue) =	ssetifvalue $0x7FFFFFFF  }
0x60: {  	[tilespmem:s18], [sflag:$0x1] =	stream.indirect_vreg.gather [hbm4b:s3+s10], $0x1, v1, vm0, $0x4038;
	[tilespmem:$0x500] =	vst v63  }
.Ltmp3:
0x61: {  	v0 =	vor.u32 $0x180, v0;
	(ifvalue) =	ssetifvalue $0x7FFFFFFF;
	(pc) =	sbr.rel @p1 .LBB2_3-.Ltmp3, $4  }
0x62: {  	s18 =	sadd.s32 $0x100, s17;
	(ifvalue) =	ssetifvalue $0x7FFFFFFF  }
0x63: {  	[tilespmem:s18], [sflag:$0x1] =	stream.indirect_vreg.gather [hbm4b:s3+s10], $0x1, v2, vm0, $0x4038;
	[tilespmem:$0x500] =	vst v63  }
0x64: {  	(ifvalue) =	ssetifvalue $0x7FFFFFFF  }
0x65: {  	s18 =	sadd.s32 $0x180, s17;
	s17 =	smov.u32 s19;
	(ifvalue) =	ssetifvalue $0x7FFFFFFF  }
.Ltmp4:
0x66: {  	_ = 	snop;
	(pc) =	sbr.rel .LBB2_4-.Ltmp4, $1  }
0x67: {  	_ =	sdelay $0x3  }
.LBB2_6:
0x68: {  	_ =	sfence.sel $0x180000  }
0x69: {  	s2 =	simm.s32 $0x2;
	[bflag:$0x0] =	sbarrier.arrive $0xFFFF  }
0x6a: {  	s30 =	simm.s32 $0x3;
	[sflag:s2] =	ssyncpa.u1 $0x1  }
0x6b: {  	s31 =	simm.s32 $0x1;
	[sflag:s30] =	ssyncpa.u1 $0x1  }
0x6c: {  	[sflag:s31] =	ssyncpa.u1 $0x1  }
0x6d: {  	p0 =	sne.s32 s0, $0x0;
	_ =	strace $0x90000050  }
0x6e: {  	s0 =	sadd.s32 @!p0 $0x100000, s1;
	[bflag:$0x2] =	sbarrier.arrive $0xFFFF  }
0x6f: {  	[sflag:s0] =	ssyncadd.tile.s32 @!p0 $0x1;
	_ =	shalt  }
.Lfunc_end2:
_tile_overlayer_lowered:
.L_overlay_start_2:
0x70: {  	(tag) =	ssettag $0x2  }
0x71: {  	s0 =	rddreg [dreg:$0x0];
	s2 =	stileid.u32  }
0x72: {  	s1 =	rddreg [dreg:$0x1];
	p0 =	sne.s32 s2, $0x0  }
0x73: {  	s3 =	rddreg [dreg:$0x2];
	[bflag:$0x3] =	sbarrier.arrive $0xFFFF;
	s2 =	simm.s32 @!p0 $0x1C01  }
0x74: {  	[timem:s3], [sflag:s2] =	dma.local @!p0 [hbm:s0], s1  }
0x75: {  	s0 =	simm.s32 @!p0 $0x1  }
0x76: {  	_ =	swait.ge @!p0 [sflag:s0], s1  }
0x77: {  	s1 =	ssub.s32 @!p0 $0x0, s1;
	[sflag:s0] =	ssyncset.done @!p0 $0x0  }
0x78: {  	[sflag:s0] =	ssyncadd.s32 @!p0 s1  }
0x79: {  	[bflag:$0x3] =	sbarrier.arrive $0xFFFF  }
0x7a: {  	_ =	shalt  }

// kernel: gather_offload_async_start.3
scs
__scs_entry_jumppad:
0x0: {  	(pc) =	sbr.rel $0x88, $3  }
0x1: {  	(tag) =	ssettag $0x0;
	lr =	simm.s32 $0x1  }
0x2: {  	[smem:$0x3F89] =	sst lr;
	_ =	strace $0xD0000000  }
0x3: {  	_ = 	snop  }
0x4: {  	_ = 	snop  }
0x5: {  	_ = 	snop  }
0x6: {  	_ = 	snop  }
0x7: {  	_ = 	snop  }
__scs_overlays_trampoline_lowered:
0x8: {  	[smem:$0x3F98] =	sst s0  }
0x9: {  	[smem:$0x3F99] =	sst s1  }
0xa: {  	[smem:$0x3F9A] =	sst s2  }
0xb: {  	[smem:$0x3F9B] =	sst s3  }
0xc: {  	[smem:$0x3F9C] =	sst s4  }
0xd: {  	[smem:$0x3F9D] =	sst s5  }
0xe: {  	[smem:$0x3F9E] =	sst s6  }
0xf: {  	[smem:$0x3F9F] =	sst s7  }
0x10: {  	[smem:$0x3FA0] =	sst s8  }
0x11: {  	[smem:$0x3FA1] =	sst s9;
	s0 =	simm.s32 @!p0 $0x0  }
0x12: {  	s1 =	sld [smem:$0x3F87];
	s0 =	simm.s32 @p0 $0x1  }
0x13: {  	[smem:$0x3FA2] =	sst s0;
	s0 =	simm.s32 @!p1 $0x0  }
0x14: {  	s2 =	sld [smem:$0x3F86];
	s0 =	simm.s32 @p1 $0x1  }
0x15: {  	[smem:$0x3FA3] =	sst s0;
	s0 =	simm.s32 @!p2 $0x0  }
0x16: {  	s3 =	sld [smem:$0x3FDB];
	s0 =	simm.s32 @p2 $0x1  }
0x17: {  	s4 =	simm.s32 $0x1BF5;
	[smem:$0x3FA5] =	sst s0  }
0x18: {  	s0 =	sld [smem:$0x3F88];
	_ =	swait.ge [sflag:s4], $0x0  }
0x19: {  	s7 =	sld [smem:$0x3F89]  }
0x1a: {  	s8 =	sadd.s32 $0xFFFFE003, lr  }
0x1b: {  	s9 =	sadd.s32 $0xFFFFFEF7, lr;
	s5 =	simm.s32 $0xFFFFFFFF;
	p2 =	slt.u32 s8, $0xFFFFF086  }
0x1c: {  	p1 =	slt.u32 s9, $0xF7A;
	s5 =	simm.s32 @!p2 $0x0  }
0x1d: {  	s5 =	simm.s32 @p1 $0x1;
	p0 =	seq.s32 s7, s2  }
0x1e: {  	s7 =	smul.u32 @!p0 $0xF7A, s2;
	p2 =	seq.s32 @!p0 s5, $0x0  }
0x1f: {  	s9 =	smul.u32 $0xF7A, s1;
	s8 =	simm.s32 @!p0 $0x1BF5;
	p2 =	por !p2, p0  }
0x20: {  	[sflag:s8] =	ssyncset.s32 @!p0 $0xFFFFF086;
	s6 =	sadd.s32 @!p0 s3, s7;
	s7 =	simm.s32 @!p0 $0x108  }
0x21: {  	s3 =	sadd.s32 s3, s9;
	s6 =	sadd.s32 @!p0 $0x88, s6;
	s7 =	simm.s32 @p2 $0x1082  }
0x22: {  	[simem:s7], [sflag:s8] =	dma.local @!p0 [hbm:s6], $0xF7A  }
0x23: {  	s9 =	sor.u32 $0xD0000000, s2;
	s6 =	simm.s32 $0x108;
	_ =	swait.ge @!p0 [sflag:s8], $0x0  }
0x24: {  	s3 =	sadd.s32 $0x88, s3;
	s6 =	simm.s32 @!p1 $0x1082;
	[sflag:s4] =	ssyncset.s32 $0xFFFFF086  }
0x25: {  	[simem:s6], [sflag:s4] =	dma.local [hbm:s3], $0xF7A  }
0x26: {  	[smem:$0x3F89] =	sst s1;
	(tag) =	ssettag s2;
	_ =	strace s9  }
0x27: {  	s1 =	sld [smem:$0x3F99]  }
0x28: {  	s2 =	sld [smem:$0x3F9A]  }
0x29: {  	s4 =	sld [smem:$0x3F9C]  }
0x2a: {  	p0 =	seq.s32 s5, $0x0;
	s5 =	sld [smem:$0x3F9D]  }
0x2b: {  	s6 =	sld [smem:$0x3F9E]  }
0x2c: {  	s7 =	sld [smem:$0x3F9F]  }
0x2d: {  	s3 =	simm.s32 $0x108;
	s8 =	sld [smem:$0x3FA0]  }
0x2e: {  	s3 =	simm.s32 @!p0 $0x1082;
	s9 =	sld [smem:$0x3FA1]  }
0x2f: {  	lr =	sadd.s32 s0, s3;
	s0 =	sld [smem:$0x3F98]  }
0x30: {  	s3 =	sld [smem:$0x3F9B]  }
0x31: {  	[smem:$0x3FA4] =	sst s10  }
0x32: {  	s10 =	sld [smem:$0x3FA2];
	_ =	sdelay $0x3  }
0x33: {  	p0 =	seq.s32 s10, $0x1;
	s10 =	sld [smem:$0x3FA4];
	_ =	sdelay $0x3  }
0x34: {  	[smem:$0x3FA4] =	sst s10  }
0x35: {  	s10 =	sld [smem:$0x3FA3];
	_ =	sdelay $0x3  }
0x36: {  	p1 =	seq.s32 s10, $0x1;
	s10 =	sld [smem:$0x3FA4];
	_ =	sdelay $0x3  }
0x37: {  	[smem:$0x3FA4] =	sst s10  }
0x38: {  	s10 =	sld [smem:$0x3FA5]  }
0x39: {  	_ = 	snop;
	(pc) =	sbr.ind lr, $3  }
0x3a: {  	_ = 	snop  }
0x3b: {  	_ = 	snop  }
0x3c: {  	p2 =	seq.s32 s10, $0x1;
	s10 =	sld [smem:$0x3FA4]  }
0x3d: {  	_ =	shalt  }
0x3e: {  	_ =	shalt  }
0x3f: {  	_ =	shalt  }
0x40: {  	_ =	shalt  }
0x41: {  	_ =	shalt  }
0x42: {  	_ =	shalt  }
0x43: {  	_ =	shalt  }
0x44: {  	_ =	shalt  }
0x45: {  	_ =	shalt  }
0x46: {  	_ =	shalt  }
0x47: {  	_ =	shalt  }
0x48: {  	_ =	shalt  }
0x49: {  	_ =	shalt  }
0x4a: {  	_ =	shalt  }
0x4b: {  	_ =	shalt  }
0x4c: {  	_ =	shalt  }
0x4d: {  	_ =	shalt  }
0x4e: {  	_ =	shalt  }
0x4f: {  	_ =	shalt  }
0x50: {  	_ =	shalt  }
0x51: {  	_ =	shalt  }
0x52: {  	_ =	shalt  }
0x53: {  	_ =	shalt  }
0x54: {  	_ =	shalt  }
0x55: {  	_ =	shalt  }
0x56: {  	_ =	shalt  }
0x57: {  	_ =	shalt  }
0x58: {  	_ =	shalt  }
0x59: {  	_ =	shalt  }
0x5a: {  	_ =	shalt  }
0x5b: {  	_ =	shalt  }
0x5c: {  	_ =	shalt  }
0x5d: {  	_ =	shalt  }
0x5e: {  	_ =	shalt  }
0x5f: {  	_ =	shalt  }
0x60: {  	_ =	shalt  }
0x61: {  	_ =	shalt  }
0x62: {  	_ =	shalt  }
0x63: {  	_ =	shalt  }
0x64: {  	_ =	shalt  }
0x65: {  	_ =	shalt  }
0x66: {  	_ =	shalt  }
0x67: {  	_ =	shalt  }
0x68: {  	_ =	shalt  }
0x69: {  	_ =	shalt  }
0x6a: {  	_ =	shalt  }
0x6b: {  	_ =	shalt  }
0x6c: {  	_ =	shalt  }
0x6d: {  	_ =	shalt  }
0x6e: {  	_ =	shalt  }
0x6f: {  	_ =	shalt  }
0x70: {  	_ =	shalt  }
0x71: {  	_ =	shalt  }
0x72: {  	_ =	shalt  }
0x73: {  	_ =	shalt  }
0x74: {  	_ =	shalt  }
0x75: {  	_ =	shalt  }
0x76: {  	_ =	shalt  }
0x77: {  	_ =	shalt  }
0x78: {  	_ =	shalt  }
0x79: {  	_ =	shalt  }
0x7a: {  	_ =	shalt  }
0x7b: {  	_ =	shalt  }
0x7c: {  	_ =	shalt  }
0x7d: {  	_ =	shalt  }
0x7e: {  	_ =	shalt  }
0x7f: {  	_ =	shalt  }
0x80: {  	_ =	shalt  }
0x81: {  	_ =	shalt  }
0x82: {  	_ =	shalt  }
0x83: {  	_ =	shalt  }
0x84: {  	_ =	shalt  }
0x85: {  	_ =	shalt  }
0x86: {  	_ =	shalt  }
0x87: {  	_ =	shalt  }
.Lfunc_end0:
.L_simem_size_0:
called_computation.5_lowered:
.L_overlay_start_0:
0x88: {  	s2 =	sld [smem:$0x3FD9]  }
0x89: {  	s3 =	sld [smem:$0x3FFE];
	_ =	sdelay $0x1  }
0x8a: {  	s1 =	srdreg.scid  }
0x8b: {  	s0 =	sand.u32 $0x1, s1  }
0x8c: {  	s17 =	sshll.u32 s0, $0xA;
	s2 =	sadd.s32 s3, s2  }
0x8d: {  	s2 =	sadd.s32 s2, s17  }
0x8e: {  	[smem:$0x3FB0] =	sst s2  }
0x8f: {  	_ = 	snop  }
0x90: {  	(tm) =	ssettm $0x1  }
0x91: {  	s18 =	sld [smem:$0x3FFB];
	_ =	sdelay $0x3  }
0x92: {  	_ =	strace s18  }
0x93: {  	s2 =	sld [smem:$0x3FFC];
	_ =	sdelay $0x3  }
0x94: {  	_ =	strace s2  }
0x95: {  	s2 =	sld [smem:$0x3FFD];
	_ =	sdelay $0x3  }
0x96: {  	_ =	strace s2  }
0x97: {  	_ =	strace $0x8FFFFFFF  }
0x98: {  	s19 =	sld [smem:$0x3FDB];
	_ =	sdelay $0x1  }
0x99: {  	s20 =	simm.s32 $_scs_section_size  }
0x9a: {  	s4 =	simm.s32 $_size__tile_overlayer_lowered;
	s5 =	simm.s32 $_tile_overlayer_lowered  }
0x9b: {  	s6 =	simm.s32 $0x1BFF;
	s21 =	sshll.u32 s5, $0x1;
	s3 =	sadd.s32 s20, s19  }
0x9c: {  	s22 =	simm.s32 $0x0;
	s4 =	sshll.u32 s4, $0x1;
	s5 =	sadd.s32 s21, s3  }
0x9d: {  	[timem:s22], [sflag:s6] =	dma.local [hbm:s5], s4  }
0x9e: {  	_ =	swait.ge [sflag:s6], s4  }
0x9f: {  	s4 =	ssub.s32 $0x0, s4;
	[sflag:s6] =	ssyncset.done $0x0  }
0xa0: {  	[sflag:s6] =	ssyncadd.s32 s4;
	_ =	sdelay $0x1  }
0xa1: {  	s23 =	simm.s32 $0x1B8B  }
0xa2: {  	_ =	swait.ge [sflag:s23], $0x1  }
0xa3: {  	[sflag:s23] =	ssyncset.done $0x0  }
0xa4: {  	[sflag:s23] =	ssyncadd.s32 $0xFFFFFFFF  }
0xa5: {  	s4 =	sld [smem:$0x0]  }
0xa6: {  	s5 =	sand.u32 $0xFFFFFFFE, s1  }
0xa7: {  	p0 =	sne.s32 s1, s5  }
0xa8: {  	s5 =	sshll.u32 @p0 s5, $0xE  }
0xa9: {  	s5 =	sadd.s32 @p0 $0x11B8D, s5;
	s6 =	sshll.u32 @p0 s4, $0x11  }
0xaa: {  	s5 =	sor.u32 @p0 s6, s5  }
0xab: {  	[sflag:s5] =	ssyncadd.remote.s32 @p0 $0x1;
	_ =	sdelay $0x1  }
0xac: {  	s5 =	simm.s32 @p0 $0x1B8D  }
0xad: {  	_ =	swait.eq @p0 [sflag:s5], $0x1  }
0xae: {  	[sflag:s5] =	ssyncadd.s32 @p0 $0xFFFFFFFF  }
0xaf: {  	s6 =	sshll.u32 @!p0 s1, $0xE  }
0xb0: {  	s6 =	sor.u32 @!p0 $0x4000, s6;
	s5 =	simm.s32 @!p0 $0x1B8D  }
0xb1: {  	s4 =	sshll.u32 @!p0 s4, $0x11;
	s6 =	sadd.s32 @!p0 $0x11B8D, s6;
	_ =	swait.eq @!p0 [sflag:s5], $0x1  }
0xb2: {  	s4 =	sor.u32 @!p0 s4, s6;
	[sflag:s5] =	ssyncadd.s32 @!p0 $0xFFFFFFFF  }
0xb3: {  	s25 =	simm.s32 $0x1B8E;
	s24 =	sld [smem:$0x3FFE];
	[sflag:s4] =	ssyncadd.remote.s32 @!p0 $0x1  }
0xb4: {  	s26 =	simm.s32 $execute0_lowered;
	[smem:$0x3FD2] =	sst s25  }
0xb5: {  	s5 =	sshll.u32 s26, $0x1;
	_ =	strace $0x80000052;
	[dreg:$0x1] =	wrdreg $0xFFFFFFFF  }
0xb6: {  	s28 =	simm.s32 $_size_execute0_lowered;
	s3 =	sadd.s32 s3, s5;
	[dreg:$0x0] =	wrdreg $0x0  }
0xb7: {  	s5 =	sshll.u32 s28, $0x1;
	[dreg:$0x2] =	wrdreg s3  }
0xb8: {  	[dreg:$0x3] =	wrdreg s5  }
0xb9: {  	[dreg:$0x4] =	wrdreg $0xC0  }
0xba: {  	_ =	task [dreg:s22], $0x5FFFF  }
0xbb: {  	[dreg:$0x1] =	wrdreg $0xFFFFFFFF  }
0xbc: {  	[dreg:$0x0] =	wrdreg $0x60  }
0xbd: {  	[dreg:$0x2] =	wrdreg s24  }
0xbe: {  	[dreg:$0x3] =	wrdreg $0x9  }
0xbf: {  	_ =	task.clear_ibuf [dreg:s22], $0x4FFFF;
	_ =	strace $0x90000052  }
0xc0: {  	s29 =	simm.s32 $0x9;
	_ =	strace $0x80000054  }
0xc1: {  	_ =	swait.ge [sflag:s29], $0x1  }
0xc2: {  	[sflag:s29] =	ssyncadd.s32 $0xFFFFFFFF  }
0xc3: {  	_ =	strace $0x90000054  }
0xc4: {  	_ =	sfence  }
0xc5: {  	s30 =	sld [smem:$0x0];
	_ =	sdelay $0x2  }
0xc6: {  	s31 =	sshll.u32 s1, $0xD;
	s1 =	sshrl.u32 s1, $0x2  }
0xc7: {  	s4 =	sand.u32 $0x4000, s31;
	s1 =	sadd.s32 s1, s30  }
0xc8: {  	s0 =	sor.u32 s4, s0;
	s1 =	sshll.u32 s1, $0x11  }
0xc9: {  	s0 =	sor.u32 s1, s0  }
0xca: {  	s0 =	sadd.s32 $0x8F2B, s0  }
0xcb: {  	[sflag:s0] =	ssyncadd.remote.s32 $0x1  }
0xcc: {  	_ =	sfence.sel $0xFFFF  }
0xcd: {  	[dreg:$0x0] =	wrdreg $0xFFFFFFFF;
	(pc) =	sbr.abs _section_cstart, $3  }
0xce: {  	[dreg:$0x1] =	wrdreg $0xFFFFFFFF  }
0xcf: {  	_ =	task.clear_ibuf [dreg:s22], $0x2FFFF;
	_ =	strace $0x9FFFFFFF  }
0xd0: {  	(tm) =	ssettm $0x7FFFFFFF  }
0xd1: {  	_ =	shalt  }
tec
execute0_lowered:
.L_overlay_start_1:
0x0: {  	(tag) =	ssettag $0x1  }
0x1: {  	s1 =	srdreg.scid  }
0x2: {  	s0 =	stileid.u32;
	s6 =	rddreg [dreg:$0x0]  }
0x3: {  	s5 =	simm.s32 $0x2;
	s10 =	simm.s32 $0x3;
	s1 =	sshll.u32 s1, $0x7  }
0x4: {  	s12 =	simm.s32 $0x0;
	s2 =	sshll.u32 s0, $0x8;
	s3 =	sand.u32 $0x80, s1  }
0x5: {  	s11 =	simm.s32 $0x0;
	s1 =	rddreg [dreg:$0x1];
	s2 =	sor.u32 s2, s3  }
0x6: {  	_ =	strace $0x80000053;
	s3 =	sadd.s32 $0x402600, s6;
	s4 =	sshrl.u32 s2, $0x3  }
0x7: {  	s7 =	ssub.s32 $0x1000, s2;
	s8 =	sadd.s32 s4, s6;
	s4 =	simm.s32 $0x1  }
.Ltmp0:
0x8: {  	s9 =	sand.u32 $0xF80, s7;
	s7 =	sshrl.u32 s7, $0xC;
	(pc) =	sbr.rel .LBB2_1-.Ltmp0, $4  }
0x9: {  	s6 =	sadd.s32 $0x102600, s6;
	p0 =	sne.s32 s9, $0x0;
	s9 =	simm.s32 $0x1  }
0xa: {  	[sflag:s4] =	ssyncpa.u1 $0x0;
	s8 =	sadd.s32 $0x1C2600, s8;
	s9 =	simm.s32 @!p0 $0x0  }
0xb: {  	[sflag:s5] =	ssyncpa.u1 $0x0;
	p0 =	por $0x0, $0x0;
	s7 =	sadd.s32 s9, s7  }
0xc: {  	vm0 =	vmmov $0xffff;
	[sflag:s10] =	ssyncpa.u1 $0x0;
	s10 =	simm.s32 $0x0;
	s9 =	sadd.s32 $0x1, s7  }
.LBB2_4:
0xd: {  	_ =	sdelay $0x3  }
0xe: {  	[tilespmem:s18], [sflag:$0x1] =	stream.indirect_vreg.gather [hbm4b:s3+s10], $0x1, v0, vm0, $0x4038;
	[tilespmem:$0x500] =	vst v63  }
0xf: {  	s14 =	sadd.s32 s16, s14  }
0x10: {  	v0 =	vld.msk [tilespmem:s14+$0x0 ss:$0x1], $0xffff;
	_ =	sdelay $0x4  }
0x11: {  	v1 =	vshrl.u32 v0, $0x7  }
0x12: {  	vm1 =	veq.s32 v0, $0x80000000;
	v1 =	vand.u32 $0x3FFF, v1  }
0x13: {  	v0 =	vshll.u32 v0, $0x10;
	v1 =	vsel vm1, $0xFFFFFFFF, v1  }
0x14: {  	v0 =	vand.u32 $0x7F0000, v0;
	v2 =	vshll.u32 v1, $0x2  }
0x15: {  	v0 =	vsel vm1, $0xFFFF0000, v0;
	v2 =	vand.u32 $0xFFFFFE00, v2  }
0x16: {  	v1 =	vand.u32 $0x7F, v1;
	v0 =	vadd.s32 v0, v2  }
0x17: {  	v0 =	vor.u32 v1, v0;
	_ =	sdelay $0x2  }
0x18: {  	(ifvalue) =	ssetifvalue $0x7FFFFFFF;
	v1 =	vor.u32 $0x80, v0  }
0x19: {  	s28 =	sadd.s32 s16, s15;
	(ifvalue) =	ssetifvalue $0x7FFFFFFF  }
0x1a: {  	[tilespmem:s28], [sflag:$0x1] =	stream.indirect_vreg.gather [hbm4b:s3+s10], $0x1, v0, vm0, $0x4038;
	[tilespmem:$0x500] =	vst v63  }
0x1b: {  	v63 =	vor.u32 $0x100, v0;
	(ifvalue) =	ssetifvalue $0x7FFFFFFF  }
0x1c: {  	s15 =	sadd.s32 $0x80, s28;
	(ifvalue) =	ssetifvalue $0x7FFFFFFF  }
0x1d: {  	[tilespmem:s15], [sflag:$0x1] =	stream.indirect_vreg.gather [hbm4b:s3+s10], $0x1, v1, vm0, $0x4038;
	[tilespmem:$0x500] =	vst v63  }
0x1e: {  	v0 =	vor.u32 $0x180, v0;
	(ifvalue) =	ssetifvalue $0x7FFFFFFF  }
0x1f: {  	s29 =	sadd.s32 $0x100, s28;
	(ifvalue) =	ssetifvalue $0x7FFFFFFF  }
0x20: {  	[tilespmem:s29], [sflag:$0x1] =	stream.indirect_vreg.gather [hbm4b:s3+s10], $0x1, v63, vm0, $0x4038;
	[tilespmem:$0x500] =	vst v63  }
0x21: {  	(ifvalue) =	ssetifvalue $0x7FFFFFFF  }
0x22: {  	s30 =	sshll.u32 s12, $0x2;
	s14 =	sadd.s32 $0x180, s28;
	(ifvalue) =	ssetifvalue $0x7FFFFFFF  }
0x23: {  	[tilespmem:s14], [sflag:$0x1] =	stream.indirect_vreg.gather [hbm4b:s3+s10], $0x1, v0, vm0, $0x4038;
	[tilespmem:$0x500] =	vst v63  }
0x24: {  	s31 =	sand.u32 $0x78, s12;
	s14 =	sand.u32 $0x7FFFFE00, s30  }
0x25: {  	_ =	swait.ge [sflag:s4], $0x200;
	s12 =	sor.u32 s31, s14  }
0x26: {  	[sflag:s4] =	ssyncset.done $0x0;
	s12 =	sshrl.u32 s12, $0x3  }
0x27: {  	[sflag:s4] =	ssyncadd.s32 $0xFFFFFE00;
	s12 =	sadd.s32 s6, s12  }
0x28: {  	[hbm:s12] =	stream.linear.scatter [tilespmem:s13], [sflag:$0x3], $0x200, $0x38;
	[tilespmem:$0x500] =	vst v63  }
.LBB2_5:
0x29: {  	p2 =	sne.s32 s11, s9  }
.Ltmp1:
0x2a: {  	p1 =	slt.u32 s11, $0x2;
	(pc) =	sbr.rel @!p2 .LBB2_6-.Ltmp1, $4  }
0x2b: {  	s12 =	simm.s32 @!p1 $0x3  }
0x2c: {  	_ =	swait.ge @!p1 [sflag:s12], $0x200  }
0x2d: {  	s13 =	sadd.s32 $0x1, s11;
	p0 =	por !p0, !p0;
	[sflag:s12] =	ssyncset.done @!p1 $0x0  }
0x2e: {  	s11 =	smov.u32 s13;
	[sflag:s12] =	ssyncadd.s32 @!p1 $0xFFFFFE00;
	s12 =	smov.u32 s2  }
.LBB2_1:
0x2f: {  	p1 =	sge.u32 s11, s7  }
0x30: {  	s13 =	sxor.u32 @!p1 $0xFFFFFFFF, s11  }
0x31: {  	s13 =	sshll.u32 @!p1 s13, $0x7  }
0x32: {  	s31 =	sadd.s32 $0xFFFFFFFF, s11;
	s14 =	simm.s32 @!p1 $0x0;
	s13 =	sand.u32 @!p1 $0x80, s13  }
0x33: {  	[tilespmem:s13], [sflag:$0x2] =	stream.linear.gather @!p1 [hbm4b:s8+s14], $0x80, $0x38;
	[tilespmem:$0x500] =	vst v63  }
0x34: {  	p1 =	sge.u32 s31, s7  }
.Ltmp2:
0x35: {  	_ = 	snop;
	(pc) =	sbr.rel @p1 .LBB2_5-.Ltmp2, $1  }
0x36: {  	_ =	sdelay $0x3  }
0x37: {  	s13 =	simm.s32 $0x1  }
0x38: {  	_ =	swait.ge [sflag:s5], $0x80;
	s13 =	simm.s32 @!p0 $0x0  }
0x39: {  	[sflag:s5] =	ssyncset.done $0x0;
	s14 =	sshll.u32 s13, $0x7  }
0x3a: {  	[sflag:s5] =	ssyncadd.s32 $0xFFFFFF80;
	s15 =	sadd.s32 $0x0, s14  }
0x3b: {  	v0 =	vld.msk [tilespmem:s15+$0x0 ss:$0x1], $0xffff;
	_ =	sdelay $0x4  }
0x3c: {  	v1 =	vshrl.u32 v0, $0x7  }
0x3d: {  	vm1 =	veq.s32 v0, $0x80000000;
	v1 =	vand.u32 $0x3FFF, v1  }
0x3e: {  	v0 =	vshll.u32 v0, $0x10;
	v1 =	vsel vm1, $0xFFFFFFFF, v1  }
0x3f: {  	v0 =	vand.u32 $0x7F0000, v0;
	v2 =	vshll.u32 v1, $0x2  }
0x40: {  	v0 =	vsel vm1, $0xFFFF0000, v0;
	v2 =	vand.u32 $0xFFFFFE00, v2  }
0x41: {  	v1 =	vand.u32 $0x7F, v1;
	v0 =	vadd.s32 v0, v2  }
0x42: {  	v0 =	vor.u32 v1, v0;
	_ =	sdelay $0x1  }
0x43: {  	s13 =	sshll.u32 s13, $0x9  }
0x44: {  	s15 =	sor.u32 $0x100, s13;
	(ifvalue) =	ssetifvalue $0x7FFFFFFF;
	v1 =	vor.u32 $0x80, v0  }
0x45: {  	s18 =	sadd.s32 $0x0, s15;
	(ifvalue) =	ssetifvalue $0x7FFFFFFF  }
0x46: {  	[tilespmem:s18], [sflag:$0x1] =	stream.indirect_vreg.gather [hbm4b:s3+s10], $0x1, v0, vm0, $0x4038;
	[tilespmem:$0x500] =	vst v63  }
0x47: {  	v2 =	vor.u32 $0x100, v0;
	(ifvalue) =	ssetifvalue $0x7FFFFFFF  }
0x48: {  	s30 =	sadd.s32 $0x80, s18;
	(ifvalue) =	ssetifvalue $0x7FFFFFFF  }
0x49: {  	[tilespmem:s30], [sflag:$0x1] =	stream.indirect_vreg.gather [hbm4b:s3+s10], $0x1, v1, vm0, $0x4038;
	[tilespmem:$0x500] =	vst v63  }
0x4a: {  	s31 =	sshll.u32 s11, $0x9;
	v0 =	vor.u32 $0x180, v0;
	(ifvalue) =	ssetifvalue $0x7FFFFFFF  }
0x4b: {  	s13 =	sand.u32 $0x200, s31;
	s16 =	sadd.s32 $0x100, s18;
	(ifvalue) =	ssetifvalue $0x7FFFFFFF  }
0x4c: {  	[tilespmem:s16], [sflag:$0x1] =	stream.indirect_vreg.gather [hbm4b:s3+s10], $0x1, v2, vm0, $0x4038;
	[tilespmem:$0x500] =	vst v63  }
0x4d: {  	s17 =	simm.s32 $0x80;
	s13 =	sor.u32 $0x100, s13;
	(ifvalue) =	ssetifvalue $0x7FFFFFFF  }
0x4e: {  	s18 =	sadd.s32 $0x180, s18;
	s16 =	simm.s32 $0x10;
	(ifvalue) =	ssetifvalue $0x7FFFFFFF  }
.LBB2_3:
0x4f: {  	[tilespmem:s18], [sflag:$0x1] =	stream.indirect_vreg.gather [hbm4b:s3+s10], $0x1, v0, vm0, $0x4038;
	[tilespmem:$0x500] =	vst v63  }
0x50: {  	s18 =	smov.u32 s17  }
0x51: {  	s19 =	sadd.s32 $0x40, s17;
	s20 =	sadd.s32 s16, s14;
	s18 =	sshra.s32 s18, $0x2  }
0x52: {  	p1 =	sne.s32 s17, $0x1C0;
	v0 =	vld.msk [tilespmem:s20+$0x0 ss:$0x1], $0xffff  }
0x53: {  	(ifvalue) =	ssetifvalue $0x7FFFFFFF;
	_ =	sdelay $0x4  }
0x54: {  	v1 =	vshrl.u32 v0, $0x7;
	v2 =	vshll.u32 v0, $0x10  }
0x55: {  	vm1 =	veq.s32 v0, $0x80000000;
	v0 =	vand.u32 $0x3FFF, v1;
	v1 =	vand.u32 $0x7F0000, v2  }
0x56: {  	v0 =	vsel vm1, $0xFFFFFFFF, v0;
	v1 =	vsel vm1, $0xFFFF0000, v1  }
0x57: {  	v2 =	vshll.u32 v0, $0x2  }
0x58: {  	v2 =	vand.u32 $0xFFFFFE00, v2  }
0x59: {  	v0 =	vand.u32 $0x7F, v0;
	v1 =	vadd.s32 v1, v2  }
0x5a: {  	v0 =	vor.u32 v0, v1;
	_ =	sdelay $0x2  }
0x5b: {  	v1 =	vor.u32 $0x80, v0  }
0x5c: {  	s17 =	sadd.s32 s16, s15;
	s16 =	smov.u32 s18;
	(ifvalue) =	ssetifvalue $0x7FFFFFFF  }
0x5d: {  	[tilespmem:s17], [sflag:$0x1] =	stream.indirect_vreg.gather [hbm4b:s3+s10], $0x1, v0, vm0, $0x4038;
	[tilespmem:$0x500] =	vst v63  }
0x5e: {  	v2 =	vor.u32 $0x100, v0;
	(ifvalue) =	ssetifvalue $0x7FFFFFFF  }
0x5f: {  	s18 =	sadd.s32 $0x80, s17;
	(ifvalue) =	ssetifvalue $0x7FFFFFFF  }
0x60: {  	[tilespmem:s18], [sflag:$0x1] =	stream.indirect_vreg.gather [hbm4b:s3+s10], $0x1, v1, vm0, $0x4038;
	[tilespmem:$0x500] =	vst v63  }
.Ltmp3:
0x61: {  	v0 =	vor.u32 $0x180, v0;
	(ifvalue) =	ssetifvalue $0x7FFFFFFF;
	(pc) =	sbr.rel @p1 .LBB2_3-.Ltmp3, $4  }
0x62: {  	s18 =	sadd.s32 $0x100, s17;
	(ifvalue) =	ssetifvalue $0x7FFFFFFF  }
0x63: {  	[tilespmem:s18], [sflag:$0x1] =	stream.indirect_vreg.gather [hbm4b:s3+s10], $0x1, v2, vm0, $0x4038;
	[tilespmem:$0x500] =	vst v63  }
0x64: {  	(ifvalue) =	ssetifvalue $0x7FFFFFFF  }
0x65: {  	s18 =	sadd.s32 $0x180, s17;
	s17 =	smov.u32 s19;
	(ifvalue) =	ssetifvalue $0x7FFFFFFF  }
.Ltmp4:
0x66: {  	_ = 	snop;
	(pc) =	sbr.rel .LBB2_4-.Ltmp4, $1  }
0x67: {  	_ =	sdelay $0x3  }
.LBB2_6:
0x68: {  	_ =	sfence.sel $0x180000  }
0x69: {  	s2 =	simm.s32 $0x2;
	[bflag:$0x0] =	sbarrier.arrive $0xFFFF  }
0x6a: {  	s30 =	simm.s32 $0x3;
	[sflag:s2] =	ssyncpa.u1 $0x1  }
0x6b: {  	s31 =	simm.s32 $0x1;
	[sflag:s30] =	ssyncpa.u1 $0x1  }
0x6c: {  	[sflag:s31] =	ssyncpa.u1 $0x1  }
0x6d: {  	p0 =	sne.s32 s0, $0x0;
	_ =	strace $0x90000053  }
0x6e: {  	s0 =	sadd.s32 @!p0 $0x100000, s1;
	[bflag:$0x2] =	sbarrier.arrive $0xFFFF  }
0x6f: {  	[sflag:s0] =	ssyncadd.tile.s32 @!p0 $0x1;
	_ =	shalt  }
.Lfunc_end2:
_tile_overlayer_lowered:
.L_overlay_start_2:
0x70: {  	(tag) =	ssettag $0x2  }
0x71: {  	s0 =	rddreg [dreg:$0x0];
	s2 =	stileid.u32  }
0x72: {  	s1 =	rddreg [dreg:$0x1];
	p0 =	sne.s32 s2, $0x0  }
0x73: {  	s3 =	rddreg [dreg:$0x2];
	[bflag:$0x3] =	sbarrier.arrive $0xFFFF;
	s2 =	simm.s32 @!p0 $0x1C01  }
0x74: {  	[timem:s3], [sflag:s2] =	dma.local @!p0 [hbm:s0], s1  }
0x75: {  	s0 =	simm.s32 @!p0 $0x1  }
0x76: {  	_ =	swait.ge @!p0 [sflag:s0], s1  }
0x77: {  	s1 =	ssub.s32 @!p0 $0x0, s1;
	[sflag:s0] =	ssyncset.done @!p0 $0x0  }
0x78: {  	[sflag:s0] =	ssyncadd.s32 @!p0 s1  }
0x79: {  	[bflag:$0x3] =	sbarrier.arrive $0xFFFF  }
0x7a: {  	_ =	shalt  }

// kernel: gather_offload_async_start.4
scs
__scs_entry_jumppad:
0x0: {  	(pc) =	sbr.rel $0x88, $3  }
0x1: {  	(tag) =	ssettag $0x0;
	lr =	simm.s32 $0x1  }
0x2: {  	[smem:$0x3F89] =	sst lr;
	_ =	strace $0xD0000000  }
0x3: {  	_ = 	snop  }
0x4: {  	_ = 	snop  }
0x5: {  	_ = 	snop  }
0x6: {  	_ = 	snop  }
0x7: {  	_ = 	snop  }
__scs_overlays_trampoline_lowered:
0x8: {  	[smem:$0x3F98] =	sst s0  }
0x9: {  	[smem:$0x3F99] =	sst s1  }
0xa: {  	[smem:$0x3F9A] =	sst s2  }
0xb: {  	[smem:$0x3F9B] =	sst s3  }
0xc: {  	[smem:$0x3F9C] =	sst s4  }
0xd: {  	[smem:$0x3F9D] =	sst s5  }
0xe: {  	[smem:$0x3F9E] =	sst s6  }
0xf: {  	[smem:$0x3F9F] =	sst s7  }
0x10: {  	[smem:$0x3FA0] =	sst s8  }
0x11: {  	[smem:$0x3FA1] =	sst s9;
	s0 =	simm.s32 @!p0 $0x0  }
0x12: {  	s1 =	sld [smem:$0x3F87];
	s0 =	simm.s32 @p0 $0x1  }
0x13: {  	[smem:$0x3FA2] =	sst s0;
	s0 =	simm.s32 @!p1 $0x0  }
0x14: {  	s2 =	sld [smem:$0x3F86];
	s0 =	simm.s32 @p1 $0x1  }
0x15: {  	[smem:$0x3FA3] =	sst s0;
	s0 =	simm.s32 @!p2 $0x0  }
0x16: {  	s3 =	sld [smem:$0x3FDB];
	s0 =	simm.s32 @p2 $0x1  }
0x17: {  	s4 =	simm.s32 $0x1BF5;
	[smem:$0x3FA5] =	sst s0  }
0x18: {  	s0 =	sld [smem:$0x3F88];
	_ =	swait.ge [sflag:s4], $0x0  }
0x19: {  	s7 =	sld [smem:$0x3F89]  }
0x1a: {  	s8 =	sadd.s32 $0xFFFFE003, lr  }
0x1b: {  	s9 =	sadd.s32 $0xFFFFFEF7, lr;
	s5 =	simm.s32 $0xFFFFFFFF;
	p2 =	slt.u32 s8, $0xFFFFF086  }
0x1c: {  	p1 =	slt.u32 s9, $0xF7A;
	s5 =	simm.s32 @!p2 $0x0  }
0x1d: {  	s5 =	simm.s32 @p1 $0x1;
	p0 =	seq.s32 s7, s2  }
0x1e: {  	s7 =	smul.u32 @!p0 $0xF7A, s2;
	p2 =	seq.s32 @!p0 s5, $0x0  }
0x1f: {  	s9 =	smul.u32 $0xF7A, s1;
	s8 =	simm.s32 @!p0 $0x1BF5;
	p2 =	por !p2, p0  }
0x20: {  	[sflag:s8] =	ssyncset.s32 @!p0 $0xFFFFF086;
	s6 =	sadd.s32 @!p0 s3, s7;
	s7 =	simm.s32 @!p0 $0x108  }
0x21: {  	s3 =	sadd.s32 s3, s9;
	s6 =	sadd.s32 @!p0 $0x88, s6;
	s7 =	simm.s32 @p2 $0x1082  }
0x22: {  	[simem:s7], [sflag:s8] =	dma.local @!p0 [hbm:s6], $0xF7A  }
0x23: {  	s9 =	sor.u32 $0xD0000000, s2;
	s6 =	simm.s32 $0x108;
	_ =	swait.ge @!p0 [sflag:s8], $0x0  }
0x24: {  	s3 =	sadd.s32 $0x88, s3;
	s6 =	simm.s32 @!p1 $0x1082;
	[sflag:s4] =	ssyncset.s32 $0xFFFFF086  }
0x25: {  	[simem:s6], [sflag:s4] =	dma.local [hbm:s3], $0xF7A  }
0x26: {  	[smem:$0x3F89] =	sst s1;
	(tag) =	ssettag s2;
	_ =	strace s9  }
0x27: {  	s1 =	sld [smem:$0x3F99]  }
0x28: {  	s2 =	sld [smem:$0x3F9A]  }
0x29: {  	s4 =	sld [smem:$0x3F9C]  }
0x2a: {  	p0 =	seq.s32 s5, $0x0;
	s5 =	sld [smem:$0x3F9D]  }
0x2b: {  	s6 =	sld [smem:$0x3F9E]  }
0x2c: {  	s7 =	sld [smem:$0x3F9F]  }
0x2d: {  	s3 =	simm.s32 $0x108;
	s8 =	sld [smem:$0x3FA0]  }
0x2e: {  	s3 =	simm.s32 @!p0 $0x1082;
	s9 =	sld [smem:$0x3FA1]  }
0x2f: {  	lr =	sadd.s32 s0, s3;
	s0 =	sld [smem:$0x3F98]  }
0x30: {  	s3 =	sld [smem:$0x3F9B]  }
0x31: {  	[smem:$0x3FA4] =	sst s10  }
0x32: {  	s10 =	sld [smem:$0x3FA2];
	_ =	sdelay $0x3  }
0x33: {  	p0 =	seq.s32 s10, $0x1;
	s10 =	sld [smem:$0x3FA4];
	_ =	sdelay $0x3  }
0x34: {  	[smem:$0x3FA4] =	sst s10  }
0x35: {  	s10 =	sld [smem:$0x3FA3];
	_ =	sdelay $0x3  }
0x36: {  	p1 =	seq.s32 s10, $0x1;
	s10 =	sld [smem:$0x3FA4];
	_ =	sdelay $0x3  }
0x37: {  	[smem:$0x3FA4] =	sst s10  }
0x38: {  	s10 =	sld [smem:$0x3FA5]  }
0x39: {  	_ = 	snop;
	(pc) =	sbr.ind lr, $3  }
0x3a: {  	_ = 	snop  }
0x3b: {  	_ = 	snop  }
0x3c: {  	p2 =	seq.s32 s10, $0x1;
	s10 =	sld [smem:$0x3FA4]  }
0x3d: {  	_ =	shalt  }
0x3e: {  	_ =	shalt  }
0x3f: {  	_ =	shalt  }
0x40: {  	_ =	shalt  }
0x41: {  	_ =	shalt  }
0x42: {  	_ =	shalt  }
0x43: {  	_ =	shalt  }
0x44: {  	_ =	shalt  }
0x45: {  	_ =	shalt  }
0x46: {  	_ =	shalt  }
0x47: {  	_ =	shalt  }
0x48: {  	_ =	shalt  }
0x49: {  	_ =	shalt  }
0x4a: {  	_ =	shalt  }
0x4b: {  	_ =	shalt  }
0x4c: {  	_ =	shalt  }
0x4d: {  	_ =	shalt  }
0x4e: {  	_ =	shalt  }
0x4f: {  	_ =	shalt  }
0x50: {  	_ =	shalt  }
0x51: {  	_ =	shalt  }
0x52: {  	_ =	shalt  }
0x53: {  	_ =	shalt  }
0x54: {  	_ =	shalt  }
0x55: {  	_ =	shalt  }
0x56: {  	_ =	shalt  }
0x57: {  	_ =	shalt  }
0x58: {  	_ =	shalt  }
0x59: {  	_ =	shalt  }
0x5a: {  	_ =	shalt  }
0x5b: {  	_ =	shalt  }
0x5c: {  	_ =	shalt  }
0x5d: {  	_ =	shalt  }
0x5e: {  	_ =	shalt  }
0x5f: {  	_ =	shalt  }
0x60: {  	_ =	shalt  }
0x61: {  	_ =	shalt  }
0x62: {  	_ =	shalt  }
0x63: {  	_ =	shalt  }
0x64: {  	_ =	shalt  }
0x65: {  	_ =	shalt  }
0x66: {  	_ =	shalt  }
0x67: {  	_ =	shalt  }
0x68: {  	_ =	shalt  }
0x69: {  	_ =	shalt  }
0x6a: {  	_ =	shalt  }
0x6b: {  	_ =	shalt  }
0x6c: {  	_ =	shalt  }
0x6d: {  	_ =	shalt  }
0x6e: {  	_ =	shalt  }
0x6f: {  	_ =	shalt  }
0x70: {  	_ =	shalt  }
0x71: {  	_ =	shalt  }
0x72: {  	_ =	shalt  }
0x73: {  	_ =	shalt  }
0x74: {  	_ =	shalt  }
0x75: {  	_ =	shalt  }
0x76: {  	_ =	shalt  }
0x77: {  	_ =	shalt  }
0x78: {  	_ =	shalt  }
0x79: {  	_ =	shalt  }
0x7a: {  	_ =	shalt  }
0x7b: {  	_ =	shalt  }
0x7c: {  	_ =	shalt  }
0x7d: {  	_ =	shalt  }
0x7e: {  	_ =	shalt  }
0x7f: {  	_ =	shalt  }
0x80: {  	_ =	shalt  }
0x81: {  	_ =	shalt  }
0x82: {  	_ =	shalt  }
0x83: {  	_ =	shalt  }
0x84: {  	_ =	shalt  }
0x85: {  	_ =	shalt  }
0x86: {  	_ =	shalt  }
0x87: {  	_ =	shalt  }
.Lfunc_end0:
.L_simem_size_0:
called_computation.6_lowered:
.L_overlay_start_0:
0x88: {  	s2 =	sld [smem:$0x3FD9]  }
0x89: {  	s3 =	sld [smem:$0x3FFE];
	_ =	sdelay $0x1  }
0x8a: {  	s1 =	srdreg.scid  }
0x8b: {  	s0 =	sand.u32 $0x1, s1  }
0x8c: {  	s17 =	sshll.u32 s0, $0xA;
	s2 =	sadd.s32 s3, s2  }
0x8d: {  	s2 =	sadd.s32 s2, s17  }
0x8e: {  	[smem:$0x3FB0] =	sst s2  }
0x8f: {  	_ = 	snop  }
0x90: {  	(tm) =	ssettm $0x1  }
0x91: {  	s18 =	sld [smem:$0x3FFB];
	_ =	sdelay $0x3  }
0x92: {  	_ =	strace s18  }
0x93: {  	s2 =	sld [smem:$0x3FFC];
	_ =	sdelay $0x3  }
0x94: {  	_ =	strace s2  }
0x95: {  	s2 =	sld [smem:$0x3FFD];
	_ =	sdelay $0x3  }
0x96: {  	_ =	strace s2  }
0x97: {  	_ =	strace $0x8FFFFFFF  }
0x98: {  	s19 =	sld [smem:$0x3FDB];
	_ =	sdelay $0x1  }
0x99: {  	s20 =	simm.s32 $_scs_section_size  }
0x9a: {  	s4 =	simm.s32 $_size__tile_overlayer_lowered;
	s5 =	simm.s32 $_tile_overlayer_lowered  }
0x9b: {  	s6 =	simm.s32 $0x1BFF;
	s21 =	sshll.u32 s5, $0x1;
	s3 =	sadd.s32 s20, s19  }
0x9c: {  	s22 =	simm.s32 $0x0;
	s4 =	sshll.u32 s4, $0x1;
	s5 =	sadd.s32 s21, s3  }
0x9d: {  	[timem:s22], [sflag:s6] =	dma.local [hbm:s5], s4  }
0x9e: {  	_ =	swait.ge [sflag:s6], s4  }
0x9f: {  	s4 =	ssub.s32 $0x0, s4;
	[sflag:s6] =	ssyncset.done $0x0  }
0xa0: {  	[sflag:s6] =	ssyncadd.s32 s4;
	_ =	sdelay $0x1  }
0xa1: {  	s23 =	simm.s32 $0x1B8B  }
0xa2: {  	_ =	swait.ge [sflag:s23], $0x1  }
0xa3: {  	[sflag:s23] =	ssyncset.done $0x0  }
0xa4: {  	[sflag:s23] =	ssyncadd.s32 $0xFFFFFFFF  }
0xa5: {  	s4 =	sld [smem:$0x0]  }
0xa6: {  	s5 =	sand.u32 $0xFFFFFFFE, s1  }
0xa7: {  	p0 =	sne.s32 s1, s5  }
0xa8: {  	s5 =	sshll.u32 @p0 s5, $0xE  }
0xa9: {  	s5 =	sadd.s32 @p0 $0x11B8D, s5;
	s6 =	sshll.u32 @p0 s4, $0x11  }
0xaa: {  	s5 =	sor.u32 @p0 s6, s5  }
0xab: {  	[sflag:s5] =	ssyncadd.remote.s32 @p0 $0x1;
	_ =	sdelay $0x1  }
0xac: {  	s5 =	simm.s32 @p0 $0x1B8D  }
0xad: {  	_ =	swait.eq @p0 [sflag:s5], $0x1  }
0xae: {  	[sflag:s5] =	ssyncadd.s32 @p0 $0xFFFFFFFF  }
0xaf: {  	s6 =	sshll.u32 @!p0 s1, $0xE  }
0xb0: {  	s6 =	sor.u32 @!p0 $0x4000, s6;
	s5 =	simm.s32 @!p0 $0x1B8D  }
0xb1: {  	s4 =	sshll.u32 @!p0 s4, $0x11;
	s6 =	sadd.s32 @!p0 $0x11B8D, s6;
	_ =	swait.eq @!p0 [sflag:s5], $0x1  }
0xb2: {  	s4 =	sor.u32 @!p0 s4, s6;
	[sflag:s5] =	ssyncadd.s32 @!p0 $0xFFFFFFFF  }
0xb3: {  	s25 =	simm.s32 $0x1B8E;
	s24 =	sld [smem:$0x3FFE];
	[sflag:s4] =	ssyncadd.remote.s32 @!p0 $0x1  }
0xb4: {  	s26 =	simm.s32 $execute0_lowered;
	[smem:$0x3FD2] =	sst s25  }
0xb5: {  	s5 =	sshll.u32 s26, $0x1;
	_ =	strace $0x80000058;
	[dreg:$0x1] =	wrdreg $0xFFFFFFFF  }
0xb6: {  	s28 =	simm.s32 $_size_execute0_lowered;
	s3 =	sadd.s32 s3, s5;
	[dreg:$0x0] =	wrdreg $0x0  }
0xb7: {  	s5 =	sshll.u32 s28, $0x1;
	[dreg:$0x2] =	wrdreg s3  }
0xb8: {  	[dreg:$0x3] =	wrdreg s5  }
0xb9: {  	[dreg:$0x4] =	wrdreg $0xC0  }
0xba: {  	_ =	task [dreg:s22], $0x5FFFF  }
0xbb: {  	[dreg:$0x1] =	wrdreg $0xFFFFFFFF  }
0xbc: {  	[dreg:$0x0] =	wrdreg $0x60  }
0xbd: {  	[dreg:$0x2] =	wrdreg s24  }
0xbe: {  	[dreg:$0x3] =	wrdreg $0x9  }
0xbf: {  	_ =	task.clear_ibuf [dreg:s22], $0x4FFFF;
	_ =	strace $0x90000058  }
0xc0: {  	s29 =	simm.s32 $0x9;
	_ =	strace $0x8000005A  }
0xc1: {  	_ =	swait.ge [sflag:s29], $0x1  }
0xc2: {  	[sflag:s29] =	ssyncadd.s32 $0xFFFFFFFF  }
0xc3: {  	_ =	strace $0x9000005A  }
0xc4: {  	_ =	sfence  }
0xc5: {  	s30 =	sld [smem:$0x0];
	_ =	sdelay $0x2  }
0xc6: {  	s31 =	sshll.u32 s1, $0xD;
	s1 =	sshrl.u32 s1, $0x2  }
0xc7: {  	s4 =	sand.u32 $0x4000, s31;
	s1 =	sadd.s32 s1, s30  }
0xc8: {  	s0 =	sor.u32 s4, s0;
	s1 =	sshll.u32 s1, $0x11  }
0xc9: {  	s0 =	sor.u32 s1, s0  }
0xca: {  	s0 =	sadd.s32 $0x8F2B, s0  }
0xcb: {  	[sflag:s0] =	ssyncadd.remote.s32 $0x1  }
0xcc: {  	_ =	sfence.sel $0xFFFF  }
0xcd: {  	[dreg:$0x0] =	wrdreg $0xFFFFFFFF;
	(pc) =	sbr.abs _section_cstart, $3  }
0xce: {  	[dreg:$0x1] =	wrdreg $0xFFFFFFFF  }
0xcf: {  	_ =	task.clear_ibuf [dreg:s22], $0x2FFFF;
	_ =	strace $0x9FFFFFFF  }
0xd0: {  	(tm) =	ssettm $0x7FFFFFFF  }
0xd1: {  	_ =	shalt  }
tec
execute0_lowered:
.L_overlay_start_1:
0x0: {  	(tag) =	ssettag $0x1  }
0x1: {  	s0 =	srdreg.scid;
	s5 =	rddreg [dreg:$0x0]  }
0x2: {  	s1 =	stileid.u32;
	s6 =	simm.s32 $0x1;
	s9 =	simm.s32 $0x1  }
0x3: {  	s10 =	simm.s32 $0x3;
	s13 =	simm.s32 $0x0;
	s2 =	sshll.u32 s0, $0x6  }
0x4: {  	s12 =	simm.s32 $0x0;
	s3 =	sshll.u32 s1, $0x7;
	s4 =	sand.u32 $0x40, s2  }
0x5: {  	s0 =	rddreg [dreg:$0x1];
	_ =	strace $0x80000059;
	s3 =	sor.u32 s3, s4  }
0x6: {  	s2 =	sadd.s32 $0x102600, s5;
	[sflag:s6] =	ssyncpa.u1 $0x0;
	s8 =	ssub.s32 $0x1000, s3  }
.Ltmp0:
0x7: {  	s4 =	sadd.s32 $0x182A00, s5;
	s7 =	sand.u32 $0x7C0, s8;
	(pc) =	sbr.rel .LBB2_1-.Ltmp0, $4  }
0x8: {  	s5 =	sadd.s32 $0x182E00, s5;
	s11 =	smov.u32 s3;
	p0 =	sne.s32 s7, $0x0  }
0x9: {  	s8 =	sshrl.u32 s8, $0xB;
	s7 =	simm.s32 $0x2;
	s9 =	simm.s32 @!p0 $0x0  }
0xa: {  	[sflag:s7] =	ssyncpa.u1 $0x0;
	p0 =	por $0x0, $0x0;
	s8 =	sadd.s32 s9, s8  }
0xb: {  	vm0 =	vmmov $0xffff;
	[sflag:s10] =	ssyncpa.u1 $0x0;
	s10 =	simm.s32 $0x0;
	s9 =	sadd.s32 $0x1, s8  }
.LBB2_4:
0xc: {  	vm1 =	veq.s32 v1, $0x80000000;
	v5 =	vand.u32 $0x7F, v1;
	v60 =	vand.u32 $0x1FFF80, v1  }
0xd: {  	v5 =	vsel vm1, $0xFFFFFFFF, v5;
	v1 =	vsel vm1, $0xFFFFFF80, v60  }
0xe: {  	v3 =	vor.u32 v4, v3;
	v61 =	vand.u32 $0xFFFFFC00, v1;
	v6 =	vand.u32 $0xFFFFFC00, v5  }
0xf: {  	v2 =	vor.u32 v2, v3;
	v1 =	vand.u32 $0x380, v1;
	v62 =	vadd.s32 v6, v61  }
0x10: {  	v63 =	vand.u32 $0x7F, v5;
	v1 =	vor.u32 v1, v62  }
0x11: {  	v1 =	vor.u32 v63, v1  }
0x12: {  	[tilespmem:s16], [sflag:$0x1] =	stream.indirect_vreg.gather [hbm4b:s2+s10], $0x1, v0, vm0, $0x4038;
	[tilespmem:$0x100] =	vst v63  }
0x13: {  	(ifvalue) =	ssetifvalue $0x7FFFFFFF  }
0x14: {  	[tilespmem:s15], [sflag:$0x1] =	stream.indirect_vreg.gather [hbm4b:s2+s10], $0x1, v2, vm0, $0x4038;
	[tilespmem:$0x100] =	vst v63  }
0x15: {  	s29 =	sadd.s32 $0x10, s15;
	(ifvalue) =	ssetifvalue $0x7FFFFFFF  }
0x16: {  	[tilespmem:s29], [sflag:$0x1] =	stream.indirect_vreg.gather [hbm4b:s2+s10], $0x1, v1, vm0, $0x4038;
	[tilespmem:$0x100] =	vst v63  }
0x17: {  	_ =	swait.ge [sflag:s6], $0x40  }
0x18: {  	s30 =	sshrl.u32 s13, $0x3;
	[sflag:s6] =	ssyncset.done $0x0  }
0x19: {  	s31 =	sand.u32 $0x7, s13;
	s15 =	sadd.s32 s5, s30;
	[sflag:s6] =	ssyncadd.s32 $0xFFFFFFC0  }
0x1a: {  	[hbm4b:s15+s31] =	stream.linear.scatter [tilespmem:s14], [sflag:$0x3], $0x40, $0x38;
	[tilespmem:$0x100] =	vst v63  }
.LBB2_5:
0x1b: {  	s15 =	sadd.s32 $0x800, s11  }
0x1c: {  	p2 =	sgt.s32 s15, $0xFFF  }
0x1d: {  	s15 =	smov.u32 @p2 s3;
	p2 =	sne.s32 s12, s9  }
.Ltmp1:
0x1e: {  	p1 =	slt.u32 s12, $0x2;
	(pc) =	sbr.rel @!p2 .LBB2_6-.Ltmp1, $4  }
0x1f: {  	s14 =	simm.s32 @!p1 $0x3  }
0x20: {  	s16 =	sadd.s32 $0x1, s12;
	_ =	swait.ge @!p1 [sflag:s14], $0x40  }
0x21: {  	s13 =	smov.u32 s11;
	p0 =	por !p0, !p0;
	[sflag:s14] =	ssyncset.done @!p1 $0x0  }
0x22: {  	s12 =	smov.u32 s16;
	s11 =	smov.u32 s15;
	[sflag:s14] =	ssyncadd.s32 @!p1 $0xFFFFFFC0  }
.LBB2_1:
0x23: {  	p1 =	sge.u32 s12, s8  }
0x24: {  	s14 =	sxor.u32 @!p1 $0xFFFFFFFF, s12  }
0x25: {  	s31 =	sadd.s32 $0xFFFFFFFF, s12;
	s15 =	sshrl.u32 @!p1 s11, $0x3;
	s14 =	sshll.u32 @!p1 s14, $0x6  }
0x26: {  	s16 =	sand.u32 @!p1 $0x7, s11;
	s15 =	sadd.s32 @!p1 s4, s15;
	s14 =	sand.u32 @!p1 $0x40, s14  }
0x27: {  	[tilespmem:s14], [sflag:$0x2] =	stream.linear.gather @!p1 [hbm4b:s15+s16], $0x40, $0x38;
	[tilespmem:$0x100] =	vst v63  }
0x28: {  	p1 =	sge.u32 s31, s8  }
.Ltmp2:
0x29: {  	_ = 	snop;
	(pc) =	sbr.rel @p1 .LBB2_5-.Ltmp2, $1  }
0x2a: {  	_ =	sdelay $0x3  }
0x2b: {  	s14 =	simm.s32 $0x1  }
0x2c: {  	_ =	swait.ge [sflag:s7], $0x40;
	s14 =	simm.s32 @!p0 $0x0  }
0x2d: {  	[sflag:s7] =	ssyncset.done $0x0;
	s14 =	sshll.u32 s14, $0x6  }
0x2e: {  	[sflag:s7] =	ssyncadd.s32 $0xFFFFFFC0;
	(ifvalue) =	ssetifvalue $0x7FFFFFFF;
	v0 =	vld.msk [tilespmem:s14+$0x0 ss:$0x1], $0xffff;
	_ =	sdelay $0x4  }
0x2f: {  	s15 =	sadd.s32 $0x10, s14;
	vm1 =	veq.s32 v0, $0x80000000;
	v2 =	vand.u32 $0x7F, v0;
	v0 =	vand.u32 $0x1FFF80, v0  }
0x30: {  	v1 =	vld.msk [tilespmem:s15+$0x0 ss:$0x1], $0xffff;
	v2 =	vsel vm1, $0xFFFFFFFF, v2;
	v0 =	vsel vm1, $0xFFFFFF80, v0  }
0x31: {  	v3 =	vand.u32 $0xFFFFFC00, v0;
	v4 =	vand.u32 $0xFFFFFC00, v2  }
0x32: {  	v0 =	vand.u32 $0x380, v0;
	v3 =	vadd.s32 v4, v3  }
0x33: {  	v2 =	vand.u32 $0x7F, v2;
	v0 =	vor.u32 v0, v3  }
0x34: {  	v0 =	vor.u32 v2, v0  }
0x35: {  	s16 =	sshll.u32 s12, $0x6;
	vm1 =	veq.s32 v1, $0x80000000;
	v4 =	vand.u32 $0x7F, v1;
	v1 =	vand.u32 $0x1FFF80, v1  }
0x36: {  	s18 =	sand.u32 $0x40, s16;
	v3 =	vsel vm1, $0xFFFFFFFF, v4;
	v4 =	vsel vm1, $0xFFFFFF80, v1  }
0x37: {  	s16 =	sor.u32 $0x80, s14;
	s14 =	sor.u32 $0x80, s18;
	s17 =	sadd.s32 $0x10, s15;
	v5 =	vand.u32 $0xFFFFFC00, v4;
	v6 =	vand.u32 $0xFFFFFC00, v3  }
0x38: {  	s18 =	simm.s32 $0x20;
	s15 =	sadd.s32 $0x10, s16;
	v1 =	vld.msk [tilespmem:s17+$0x0 ss:$0x1], $0xffff;
	(ifvalue) =	ssetifvalue $0x7FFFFFFF;
	v2 =	vand.u32 $0x7F, v3;
	v4 =	vand.u32 $0x380, v4;
	v3 =	vadd.s32 v6, v5  }
.LBB2_3:
0x39: {  	[tilespmem:s16], [sflag:$0x1] =	stream.indirect_vreg.gather [hbm4b:s2+s10], $0x1, v0, vm0, $0x4038;
	[tilespmem:$0x100] =	vst v63  }
0x3a: {  	s18 =	sadd.s32 $0x10, s18  }
0x3b: {  	v3 =	vor.u32 v4, v3;
	p1 =	slt.u32 s18, $0x30  }
.Ltmp3:
0x3c: {  	s17 =	sadd.s32 $0x10, s17;
	v0 =	vor.u32 v2, v3;
	(pc) =	sbr.rel @p1 .LBB2_3-.Ltmp3, $4  }
0x3d: {  	vm1 =	veq.s32 v1, $0x80000000;
	s16 =	smov.u32 s15;
	v2 =	vand.u32 $0x7F, v1;
	v3 =	vand.u32 $0x1FFF80, v1;
	v1 =	vld.msk [tilespmem:s17+$0x0 ss:$0x1], $0xffff  }
0x3e: {  	v4 =	vsel vm1, $0xFFFFFFFF, v2;
	v5 =	vsel vm1, $0xFFFFFF80, v3  }
0x3f: {  	v2 =	vand.u32 $0x7F, v4;
	v3 =	vand.u32 $0xFFFFFC00, v5;
	v4 =	vand.u32 $0xFFFFFC00, v4  }
0x40: {  	s15 =	sadd.s32 $0x10, s15;
	v3 =	vadd.s32 v4, v3;
	v4 =	vand.u32 $0x380, v5;
	(ifvalue) =	ssetifvalue $0x7FFFFFFF  }
.Ltmp4:
0x41: {  	_ = 	snop;
	(pc) =	sbr.rel .LBB2_4-.Ltmp4, $1  }
0x42: {  	_ =	sdelay $0x3  }
.LBB2_6:
0x43: {  	_ =	sfence.sel $0x180000  }
0x44: {  	s2 =	simm.s32 $0x2;
	[bflag:$0x0] =	sbarrier.arrive $0xFFFF  }
0x45: {  	s30 =	simm.s32 $0x3;
	[sflag:s2] =	ssyncpa.u1 $0x1  }
0x46: {  	s31 =	simm.s32 $0x1;
	[sflag:s30] =	ssyncpa.u1 $0x1  }
0x47: {  	[sflag:s31] =	ssyncpa.u1 $0x1  }
0x48: {  	p0 =	sne.s32 s1, $0x0;
	_ =	strace $0x90000059  }
0x49: {  	s0 =	sadd.s32 @!p0 $0x100000, s0;
	[bflag:$0x2] =	sbarrier.arrive $0xFFFF  }
0x4a: {  	[sflag:s0] =	ssyncadd.tile.s32 @!p0 $0x1;
	_ =	shalt  }
.Lfunc_end2:
_tile_overlayer_lowered:
.L_overlay_start_2:
0x4b: {  	(tag) =	ssettag $0x2  }
0x4c: {  	s0 =	rddreg [dreg:$0x0];
	s2 =	stileid.u32  }
0x4d: {  	s1 =	rddreg [dreg:$0x1];
	p0 =	sne.s32 s2, $0x0  }
0x4e: {  	s3 =	rddreg [dreg:$0x2];
	[bflag:$0x3] =	sbarrier.arrive $0xFFFF;
	s2 =	simm.s32 @!p0 $0x1C01  }
0x4f: {  	[timem:s3], [sflag:s2] =	dma.local @!p0 [hbm:s0], s1  }
0x50: {  	s0 =	simm.s32 @!p0 $0x1  }
0x51: {  	_ =	swait.ge @!p0 [sflag:s0], s1  }
0x52: {  	s1 =	ssub.s32 @!p0 $0x0, s1;
	[sflag:s0] =	ssyncset.done @!p0 $0x0  }
0x53: {  	[sflag:s0] =	ssyncadd.s32 @!p0 s1  }
0x54: {  	[bflag:$0x3] =	sbarrier.arrive $0xFFFF  }
0x55: {  	_ =	shalt  }

// kernel: gather_offload_async_start.5
scs
__scs_entry_jumppad:
0x0: {  	(pc) =	sbr.rel $0x88, $3  }
0x1: {  	(tag) =	ssettag $0x0;
	lr =	simm.s32 $0x1  }
0x2: {  	[smem:$0x3F89] =	sst lr;
	_ =	strace $0xD0000000  }
0x3: {  	_ = 	snop  }
0x4: {  	_ = 	snop  }
0x5: {  	_ = 	snop  }
0x6: {  	_ = 	snop  }
0x7: {  	_ = 	snop  }
__scs_overlays_trampoline_lowered:
0x8: {  	[smem:$0x3F98] =	sst s0  }
0x9: {  	[smem:$0x3F99] =	sst s1  }
0xa: {  	[smem:$0x3F9A] =	sst s2  }
0xb: {  	[smem:$0x3F9B] =	sst s3  }
0xc: {  	[smem:$0x3F9C] =	sst s4  }
0xd: {  	[smem:$0x3F9D] =	sst s5  }
0xe: {  	[smem:$0x3F9E] =	sst s6  }
0xf: {  	[smem:$0x3F9F] =	sst s7  }
0x10: {  	[smem:$0x3FA0] =	sst s8  }
0x11: {  	[smem:$0x3FA1] =	sst s9;
	s0 =	simm.s32 @!p0 $0x0  }
0x12: {  	s1 =	sld [smem:$0x3F87];
	s0 =	simm.s32 @p0 $0x1  }
0x13: {  	[smem:$0x3FA2] =	sst s0;
	s0 =	simm.s32 @!p1 $0x0  }
0x14: {  	s2 =	sld [smem:$0x3F86];
	s0 =	simm.s32 @p1 $0x1  }
0x15: {  	[smem:$0x3FA3] =	sst s0;
	s0 =	simm.s32 @!p2 $0x0  }
0x16: {  	s3 =	sld [smem:$0x3FDB];
	s0 =	simm.s32 @p2 $0x1  }
0x17: {  	s4 =	simm.s32 $0x1BF5;
	[smem:$0x3FA5] =	sst s0  }
0x18: {  	s0 =	sld [smem:$0x3F88];
	_ =	swait.ge [sflag:s4], $0x0  }
0x19: {  	s7 =	sld [smem:$0x3F89]  }
0x1a: {  	s8 =	sadd.s32 $0xFFFFE003, lr  }
0x1b: {  	s9 =	sadd.s32 $0xFFFFFEF7, lr;
	s5 =	simm.s32 $0xFFFFFFFF;
	p2 =	slt.u32 s8, $0xFFFFF086  }
0x1c: {  	p1 =	slt.u32 s9, $0xF7A;
	s5 =	simm.s32 @!p2 $0x0  }
0x1d: {  	s5 =	simm.s32 @p1 $0x1;
	p0 =	seq.s32 s7, s2  }
0x1e: {  	s7 =	smul.u32 @!p0 $0xF7A, s2;
	p2 =	seq.s32 @!p0 s5, $0x0  }
0x1f: {  	s9 =	smul.u32 $0xF7A, s1;
	s8 =	simm.s32 @!p0 $0x1BF5;
	p2 =	por !p2, p0  }
0x20: {  	[sflag:s8] =	ssyncset.s32 @!p0 $0xFFFFF086;
	s6 =	sadd.s32 @!p0 s3, s7;
	s7 =	simm.s32 @!p0 $0x108  }
0x21: {  	s3 =	sadd.s32 s3, s9;
	s6 =	sadd.s32 @!p0 $0x88, s6;
	s7 =	simm.s32 @p2 $0x1082  }
0x22: {  	[simem:s7], [sflag:s8] =	dma.local @!p0 [hbm:s6], $0xF7A  }
0x23: {  	s9 =	sor.u32 $0xD0000000, s2;
	s6 =	simm.s32 $0x108;
	_ =	swait.ge @!p0 [sflag:s8], $0x0  }
0x24: {  	s3 =	sadd.s32 $0x88, s3;
	s6 =	simm.s32 @!p1 $0x1082;
	[sflag:s4] =	ssyncset.s32 $0xFFFFF086  }
0x25: {  	[simem:s6], [sflag:s4] =	dma.local [hbm:s3], $0xF7A  }
0x26: {  	[smem:$0x3F89] =	sst s1;
	(tag) =	ssettag s2;
	_ =	strace s9  }
0x27: {  	s1 =	sld [smem:$0x3F99]  }
0x28: {  	s2 =	sld [smem:$0x3F9A]  }
0x29: {  	s4 =	sld [smem:$0x3F9C]  }
0x2a: {  	p0 =	seq.s32 s5, $0x0;
	s5 =	sld [smem:$0x3F9D]  }
0x2b: {  	s6 =	sld [smem:$0x3F9E]  }
0x2c: {  	s7 =	sld [smem:$0x3F9F]  }
0x2d: {  	s3 =	simm.s32 $0x108;
	s8 =	sld [smem:$0x3FA0]  }
0x2e: {  	s3 =	simm.s32 @!p0 $0x1082;
	s9 =	sld [smem:$0x3FA1]  }
0x2f: {  	lr =	sadd.s32 s0, s3;
	s0 =	sld [smem:$0x3F98]  }
0x30: {  	s3 =	sld [smem:$0x3F9B]  }
0x31: {  	[smem:$0x3FA4] =	sst s10  }
0x32: {  	s10 =	sld [smem:$0x3FA2];
	_ =	sdelay $0x3  }
0x33: {  	p0 =	seq.s32 s10, $0x1;
	s10 =	sld [smem:$0x3FA4];
	_ =	sdelay $0x3  }
0x34: {  	[smem:$0x3FA4] =	sst s10  }
0x35: {  	s10 =	sld [smem:$0x3FA3];
	_ =	sdelay $0x3  }
0x36: {  	p1 =	seq.s32 s10, $0x1;
	s10 =	sld [smem:$0x3FA4];
	_ =	sdelay $0x3  }
0x37: {  	[smem:$0x3FA4] =	sst s10  }
0x38: {  	s10 =	sld [smem:$0x3FA5]  }
0x39: {  	_ = 	snop;
	(pc) =	sbr.ind lr, $3  }
0x3a: {  	_ = 	snop  }
0x3b: {  	_ = 	snop  }
0x3c: {  	p2 =	seq.s32 s10, $0x1;
	s10 =	sld [smem:$0x3FA4]  }
0x3d: {  	_ =	shalt  }
0x3e: {  	_ =	shalt  }
0x3f: {  	_ =	shalt  }
0x40: {  	_ =	shalt  }
0x41: {  	_ =	shalt  }
0x42: {  	_ =	shalt  }
0x43: {  	_ =	shalt  }
0x44: {  	_ =	shalt  }
0x45: {  	_ =	shalt  }
0x46: {  	_ =	shalt  }
0x47: {  	_ =	shalt  }
0x48: {  	_ =	shalt  }
0x49: {  	_ =	shalt  }
0x4a: {  	_ =	shalt  }
0x4b: {  	_ =	shalt  }
0x4c: {  	_ =	shalt  }
0x4d: {  	_ =	shalt  }
0x4e: {  	_ =	shalt  }
0x4f: {  	_ =	shalt  }
0x50: {  	_ =	shalt  }
0x51: {  	_ =	shalt  }
0x52: {  	_ =	shalt  }
0x53: {  	_ =	shalt  }
0x54: {  	_ =	shalt  }
0x55: {  	_ =	shalt  }
0x56: {  	_ =	shalt  }
0x57: {  	_ =	shalt  }
0x58: {  	_ =	shalt  }
0x59: {  	_ =	shalt  }
0x5a: {  	_ =	shalt  }
0x5b: {  	_ =	shalt  }
0x5c: {  	_ =	shalt  }
0x5d: {  	_ =	shalt  }
0x5e: {  	_ =	shalt  }
0x5f: {  	_ =	shalt  }
0x60: {  	_ =	shalt  }
0x61: {  	_ =	shalt  }
0x62: {  	_ =	shalt  }
0x63: {  	_ =	shalt  }
0x64: {  	_ =	shalt  }
0x65: {  	_ =	shalt  }
0x66: {  	_ =	shalt  }
0x67: {  	_ =	shalt  }
0x68: {  	_ =	shalt  }
0x69: {  	_ =	shalt  }
0x6a: {  	_ =	shalt  }
0x6b: {  	_ =	shalt  }
0x6c: {  	_ =	shalt  }
0x6d: {  	_ =	shalt  }
0x6e: {  	_ =	shalt  }
0x6f: {  	_ =	shalt  }
0x70: {  	_ =	shalt  }
0x71: {  	_ =	shalt  }
0x72: {  	_ =	shalt  }
0x73: {  	_ =	shalt  }
0x74: {  	_ =	shalt  }
0x75: {  	_ =	shalt  }
0x76: {  	_ =	shalt  }
0x77: {  	_ =	shalt  }
0x78: {  	_ =	shalt  }
0x79: {  	_ =	shalt  }
0x7a: {  	_ =	shalt  }
0x7b: {  	_ =	shalt  }
0x7c: {  	_ =	shalt  }
0x7d: {  	_ =	shalt  }
0x7e: {  	_ =	shalt  }
0x7f: {  	_ =	shalt  }
0x80: {  	_ =	shalt  }
0x81: {  	_ =	shalt  }
0x82: {  	_ =	shalt  }
0x83: {  	_ =	shalt  }
0x84: {  	_ =	shalt  }
0x85: {  	_ =	shalt  }
0x86: {  	_ =	shalt  }
0x87: {  	_ =	shalt  }
.Lfunc_end0:
.L_simem_size_0:
called_computation.7_lowered:
.L_overlay_start_0:
0x88: {  	s2 =	sld [smem:$0x3FD9]  }
0x89: {  	s3 =	sld [smem:$0x3FFE];
	_ =	sdelay $0x1  }
0x8a: {  	s1 =	srdreg.scid  }
0x8b: {  	s0 =	sand.u32 $0x1, s1  }
0x8c: {  	s17 =	sshll.u32 s0, $0xA;
	s2 =	sadd.s32 s3, s2  }
0x8d: {  	s2 =	sadd.s32 s2, s17  }
0x8e: {  	[smem:$0x3FB0] =	sst s2  }
0x8f: {  	_ = 	snop  }
0x90: {  	(tm) =	ssettm $0x1  }
0x91: {  	s18 =	sld [smem:$0x3FFB];
	_ =	sdelay $0x3  }
0x92: {  	_ =	strace s18  }
0x93: {  	s2 =	sld [smem:$0x3FFC];
	_ =	sdelay $0x3  }
0x94: {  	_ =	strace s2  }
0x95: {  	s2 =	sld [smem:$0x3FFD];
	_ =	sdelay $0x3  }
0x96: {  	_ =	strace s2  }
0x97: {  	_ =	strace $0x8FFFFFFF  }
0x98: {  	s19 =	sld [smem:$0x3FDB];
	_ =	sdelay $0x1  }
0x99: {  	s20 =	simm.s32 $_scs_section_size  }
0x9a: {  	s4 =	simm.s32 $_size__tile_overlayer_lowered;
	s5 =	simm.s32 $_tile_overlayer_lowered  }
0x9b: {  	s6 =	simm.s32 $0x1BFF;
	s21 =	sshll.u32 s5, $0x1;
	s3 =	sadd.s32 s20, s19  }
0x9c: {  	s22 =	simm.s32 $0x0;
	s4 =	sshll.u32 s4, $0x1;
	s5 =	sadd.s32 s21, s3  }
0x9d: {  	[timem:s22], [sflag:s6] =	dma.local [hbm:s5], s4  }
0x9e: {  	_ =	swait.ge [sflag:s6], s4  }
0x9f: {  	s4 =	ssub.s32 $0x0, s4;
	[sflag:s6] =	ssyncset.done $0x0  }
0xa0: {  	[sflag:s6] =	ssyncadd.s32 s4;
	_ =	sdelay $0x1  }
0xa1: {  	s23 =	simm.s32 $0x1B8B  }
0xa2: {  	_ =	swait.ge [sflag:s23], $0x1  }
0xa3: {  	[sflag:s23] =	ssyncset.done $0x0  }
0xa4: {  	[sflag:s23] =	ssyncadd.s32 $0xFFFFFFFF  }
0xa5: {  	s4 =	sld [smem:$0x0]  }
0xa6: {  	s5 =	sand.u32 $0xFFFFFFFE, s1  }
0xa7: {  	p0 =	sne.s32 s1, s5  }
0xa8: {  	s5 =	sshll.u32 @p0 s5, $0xE  }
0xa9: {  	s5 =	sadd.s32 @p0 $0x11B8D, s5;
	s6 =	sshll.u32 @p0 s4, $0x11  }
0xaa: {  	s5 =	sor.u32 @p0 s6, s5  }
0xab: {  	[sflag:s5] =	ssyncadd.remote.s32 @p0 $0x1;
	_ =	sdelay $0x1  }
0xac: {  	s5 =	simm.s32 @p0 $0x1B8D  }
0xad: {  	_ =	swait.eq @p0 [sflag:s5], $0x1  }
0xae: {  	[sflag:s5] =	ssyncadd.s32 @p0 $0xFFFFFFFF  }
0xaf: {  	s6 =	sshll.u32 @!p0 s1, $0xE  }
0xb0: {  	s6 =	sor.u32 @!p0 $0x4000, s6;
	s5 =	simm.s32 @!p0 $0x1B8D  }
0xb1: {  	s4 =	sshll.u32 @!p0 s4, $0x11;
	s6 =	sadd.s32 @!p0 $0x11B8D, s6;
	_ =	swait.eq @!p0 [sflag:s5], $0x1  }
0xb2: {  	s4 =	sor.u32 @!p0 s4, s6;
	[sflag:s5] =	ssyncadd.s32 @!p0 $0xFFFFFFFF  }
0xb3: {  	s25 =	simm.s32 $0x1B8E;
	s24 =	sld [smem:$0x3FFE];
	[sflag:s4] =	ssyncadd.remote.s32 @!p0 $0x1  }
0xb4: {  	s26 =	simm.s32 $execute0_lowered;
	[smem:$0x3FD2] =	sst s25  }
0xb5: {  	s5 =	sshll.u32 s26, $0x1;
	_ =	strace $0x8000005B;
	[dreg:$0x1] =	wrdreg $0xFFFFFFFF  }
0xb6: {  	s28 =	simm.s32 $_size_execute0_lowered;
	s3 =	sadd.s32 s3, s5;
	[dreg:$0x0] =	wrdreg $0x0  }
0xb7: {  	s5 =	sshll.u32 s28, $0x1;
	[dreg:$0x2] =	wrdreg s3  }
0xb8: {  	[dreg:$0x3] =	wrdreg s5  }
0xb9: {  	[dreg:$0x4] =	wrdreg $0xC0  }
0xba: {  	_ =	task [dreg:s22], $0x5FFFF  }
0xbb: {  	[dreg:$0x1] =	wrdreg $0xFFFFFFFF  }
0xbc: {  	[dreg:$0x0] =	wrdreg $0x60  }
0xbd: {  	[dreg:$0x2] =	wrdreg s24  }
0xbe: {  	[dreg:$0x3] =	wrdreg $0xA  }
0xbf: {  	_ =	task.clear_ibuf [dreg:s22], $0x4FFFF;
	_ =	strace $0x9000005B  }
0xc0: {  	s29 =	simm.s32 $0xA;
	_ =	strace $0x8000005D  }
0xc1: {  	_ =	swait.ge [sflag:s29], $0x1  }
0xc2: {  	[sflag:s29] =	ssyncadd.s32 $0xFFFFFFFF  }
0xc3: {  	_ =	strace $0x9000005D  }
0xc4: {  	_ =	sfence  }
0xc5: {  	s30 =	sld [smem:$0x0];
	_ =	sdelay $0x2  }
0xc6: {  	s31 =	sshll.u32 s1, $0xD;
	s1 =	sshrl.u32 s1, $0x2  }
0xc7: {  	s4 =	sand.u32 $0x4000, s31;
	s1 =	sadd.s32 s1, s30  }
0xc8: {  	s0 =	sor.u32 s4, s0;
	s1 =	sshll.u32 s1, $0x11  }
0xc9: {  	s0 =	sor.u32 s1, s0  }
0xca: {  	s0 =	sadd.s32 $0x8F2B, s0  }
0xcb: {  	[sflag:s0] =	ssyncadd.remote.s32 $0x1  }
0xcc: {  	_ =	sfence.sel $0xFFFF  }
0xcd: {  	[dreg:$0x0] =	wrdreg $0xFFFFFFFF;
	(pc) =	sbr.abs _section_cstart, $3  }
0xce: {  	[dreg:$0x1] =	wrdreg $0xFFFFFFFF  }
0xcf: {  	_ =	task.clear_ibuf [dreg:s22], $0x2FFFF;
	_ =	strace $0x9FFFFFFF  }
0xd0: {  	(tm) =	ssettm $0x7FFFFFFF  }
0xd1: {  	_ =	shalt  }
tec
execute0_lowered:
.L_overlay_start_1:
0x0: {  	(tag) =	ssettag $0x1  }
0x1: {  	s0 =	srdreg.scid;
	s5 =	rddreg [dreg:$0x0]  }
0x2: {  	s1 =	stileid.u32;
	s6 =	simm.s32 $0x1;
	s9 =	simm.s32 $0x1  }
0x3: {  	s10 =	simm.s32 $0x3;
	s13 =	simm.s32 $0x0;
	s2 =	sshll.u32 s0, $0x6  }
0x4: {  	s12 =	simm.s32 $0x0;
	s3 =	sshll.u32 s1, $0x7;
	s4 =	sand.u32 $0x40, s2  }
0x5: {  	s0 =	rddreg [dreg:$0x1];
	_ =	strace $0x8000005C;
	s3 =	sor.u32 s3, s4  }
0x6: {  	s2 =	sadd.s32 $0x102600, s5;
	[sflag:s6] =	ssyncpa.u1 $0x0;
	s8 =	ssub.s32 $0x1000, s3  }
.Ltmp0:
0x7: {  	s4 =	sadd.s32 $0x182C00, s5;
	s7 =	sand.u32 $0x7C0, s8;
	(pc) =	sbr.rel .LBB2_1-.Ltmp0, $4  }
0x8: {  	s5 =	sadd.s32 $0x183000, s5;
	s11 =	smov.u32 s3;
	p0 =	sne.s32 s7, $0x0  }
0x9: {  	s8 =	sshrl.u32 s8, $0xB;
	s7 =	simm.s32 $0x2;
	s9 =	simm.s32 @!p0 $0x0  }
0xa: {  	[sflag:s7] =	ssyncpa.u1 $0x0;
	p0 =	por $0x0, $0x0;
	s8 =	sadd.s32 s9, s8  }
0xb: {  	vm0 =	vmmov $0xffff;
	[sflag:s10] =	ssyncpa.u1 $0x0;
	s10 =	simm.s32 $0x0;
	s9 =	sadd.s32 $0x1, s8  }
.LBB2_4:
0xc: {  	vm1 =	veq.s32 v1, $0x80000000;
	v5 =	vand.u32 $0x7F, v1;
	v60 =	vand.u32 $0x1FFF80, v1  }
0xd: {  	v5 =	vsel vm1, $0xFFFFFFFF, v5;
	v1 =	vsel vm1, $0xFFFFFF80, v60  }
0xe: {  	v3 =	vor.u32 v4, v3;
	v61 =	vand.u32 $0xFFFFFC00, v1;
	v6 =	vand.u32 $0xFFFFFC00, v5  }
0xf: {  	v2 =	vor.u32 v2, v3;
	v1 =	vand.u32 $0x380, v1;
	v62 =	vadd.s32 v6, v61  }
0x10: {  	v63 =	vand.u32 $0x7F, v5;
	v1 =	vor.u32 v1, v62  }
0x11: {  	v1 =	vor.u32 v63, v1  }
0x12: {  	[tilespmem:s16], [sflag:$0x1] =	stream.indirect_vreg.gather [hbm4b:s2+s10], $0x1, v0, vm0, $0x4038;
	[tilespmem:$0x100] =	vst v63  }
0x13: {  	(ifvalue) =	ssetifvalue $0x7FFFFFFF  }
0x14: {  	[tilespmem:s15], [sflag:$0x1] =	stream.indirect_vreg.gather [hbm4b:s2+s10], $0x1, v2, vm0, $0x4038;
	[tilespmem:$0x100] =	vst v63  }
0x15: {  	s29 =	sadd.s32 $0x10, s15;
	(ifvalue) =	ssetifvalue $0x7FFFFFFF  }
0x16: {  	[tilespmem:s29], [sflag:$0x1] =	stream.indirect_vreg.gather [hbm4b:s2+s10], $0x1, v1, vm0, $0x4038;
	[tilespmem:$0x100] =	vst v63  }
0x17: {  	_ =	swait.ge [sflag:s6], $0x40  }
0x18: {  	s30 =	sshrl.u32 s13, $0x3;
	[sflag:s6] =	ssyncset.done $0x0  }
0x19: {  	s31 =	sand.u32 $0x7, s13;
	s15 =	sadd.s32 s5, s30;
	[sflag:s6] =	ssyncadd.s32 $0xFFFFFFC0  }
0x1a: {  	[hbm4b:s15+s31] =	stream.linear.scatter [tilespmem:s14], [sflag:$0x3], $0x40, $0x38;
	[tilespmem:$0x100] =	vst v63  }
.LBB2_5:
0x1b: {  	s15 =	sadd.s32 $0x800, s11  }
0x1c: {  	p2 =	sgt.s32 s15, $0xFFF  }
0x1d: {  	s15 =	smov.u32 @p2 s3;
	p2 =	sne.s32 s12, s9  }
.Ltmp1:
0x1e: {  	p1 =	slt.u32 s12, $0x2;
	(pc) =	sbr.rel @!p2 .LBB2_6-.Ltmp1, $4  }
0x1f: {  	s14 =	simm.s32 @!p1 $0x3  }
0x20: {  	s16 =	sadd.s32 $0x1, s12;
	_ =	swait.ge @!p1 [sflag:s14], $0x40  }
0x21: {  	s13 =	smov.u32 s11;
	p0 =	por !p0, !p0;
	[sflag:s14] =	ssyncset.done @!p1 $0x0  }
0x22: {  	s12 =	smov.u32 s16;
	s11 =	smov.u32 s15;
	[sflag:s14] =	ssyncadd.s32 @!p1 $0xFFFFFFC0  }
.LBB2_1:
0x23: {  	p1 =	sge.u32 s12, s8  }
0x24: {  	s14 =	sxor.u32 @!p1 $0xFFFFFFFF, s12  }
0x25: {  	s31 =	sadd.s32 $0xFFFFFFFF, s12;
	s15 =	sshrl.u32 @!p1 s11, $0x3;
	s14 =	sshll.u32 @!p1 s14, $0x6  }
0x26: {  	s16 =	sand.u32 @!p1 $0x7, s11;
	s15 =	sadd.s32 @!p1 s4, s15;
	s14 =	sand.u32 @!p1 $0x40, s14  }
0x27: {  	[tilespmem:s14], [sflag:$0x2] =	stream.linear.gather @!p1 [hbm4b:s15+s16], $0x40, $0x38;
	[tilespmem:$0x100] =	vst v63  }
0x28: {  	p1 =	sge.u32 s31, s8  }
.Ltmp2:
0x29: {  	_ = 	snop;
	(pc) =	sbr.rel @p1 .LBB2_5-.Ltmp2, $1  }
0x2a: {  	_ =	sdelay $0x3  }
0x2b: {  	s14 =	simm.s32 $0x1  }
0x2c: {  	_ =	swait.ge [sflag:s7], $0x40;
	s14 =	simm.s32 @!p0 $0x0  }
0x2d: {  	[sflag:s7] =	ssyncset.done $0x0;
	s14 =	sshll.u32 s14, $0x6  }
0x2e: {  	[sflag:s7] =	ssyncadd.s32 $0xFFFFFFC0;
	(ifvalue) =	ssetifvalue $0x7FFFFFFF;
	v0 =	vld.msk [tilespmem:s14+$0x0 ss:$0x1], $0xffff;
	_ =	sdelay $0x4  }
0x2f: {  	s15 =	sadd.s32 $0x10, s14;
	vm1 =	veq.s32 v0, $0x80000000;
	v2 =	vand.u32 $0x7F, v0;
	v0 =	vand.u32 $0x1FFF80, v0  }
0x30: {  	v1 =	vld.msk [tilespmem:s15+$0x0 ss:$0x1], $0xffff;
	v2 =	vsel vm1, $0xFFFFFFFF, v2;
	v0 =	vsel vm1, $0xFFFFFF80, v0  }
0x31: {  	v3 =	vand.u32 $0xFFFFFC00, v0;
	v4 =	vand.u32 $0xFFFFFC00, v2  }
0x32: {  	v0 =	vand.u32 $0x380, v0;
	v3 =	vadd.s32 v4, v3  }
0x33: {  	v2 =	vand.u32 $0x7F, v2;
	v0 =	vor.u32 v0, v3  }
0x34: {  	v0 =	vor.u32 v2, v0  }
0x35: {  	s16 =	sshll.u32 s12, $0x6;
	vm1 =	veq.s32 v1, $0x80000000;
	v4 =	vand.u32 $0x7F, v1;
	v1 =	vand.u32 $0x1FFF80, v1  }
0x36: {  	s18 =	sand.u32 $0x40, s16;
	v3 =	vsel vm1, $0xFFFFFFFF, v4;
	v4 =	vsel vm1, $0xFFFFFF80, v1  }
0x37: {  	s16 =	sor.u32 $0x80, s14;
	s14 =	sor.u32 $0x80, s18;
	s17 =	sadd.s32 $0x10, s15;
	v5 =	vand.u32 $0xFFFFFC00, v4;
	v6 =	vand.u32 $0xFFFFFC00, v3  }
0x38: {  	s18 =	simm.s32 $0x20;
	s15 =	sadd.s32 $0x10, s16;
	v1 =	vld.msk [tilespmem:s17+$0x0 ss:$0x1], $0xffff;
	(ifvalue) =	ssetifvalue $0x7FFFFFFF;
	v2 =	vand.u32 $0x7F, v3;
	v4 =	vand.u32 $0x380, v4;
	v3 =	vadd.s32 v6, v5  }
.LBB2_3:
0x39: {  	[tilespmem:s16], [sflag:$0x1] =	stream.indirect_vreg.gather [hbm4b:s2+s10], $0x1, v0, vm0, $0x4038;
	[tilespmem:$0x100] =	vst v63  }
0x3a: {  	s18 =	sadd.s32 $0x10, s18  }
0x3b: {  	v3 =	vor.u32 v4, v3;
	p1 =	slt.u32 s18, $0x30  }
.Ltmp3:
0x3c: {  	s17 =	sadd.s32 $0x10, s17;
	v0 =	vor.u32 v2, v3;
	(pc) =	sbr.rel @p1 .LBB2_3-.Ltmp3, $4  }
0x3d: {  	vm1 =	veq.s32 v1, $0x80000000;
	s16 =	smov.u32 s15;
	v2 =	vand.u32 $0x7F, v1;
	v3 =	vand.u32 $0x1FFF80, v1;
	v1 =	vld.msk [tilespmem:s17+$0x0 ss:$0x1], $0xffff  }
0x3e: {  	v4 =	vsel vm1, $0xFFFFFFFF, v2;
	v5 =	vsel vm1, $0xFFFFFF80, v3  }
0x3f: {  	v2 =	vand.u32 $0x7F, v4;
	v3 =	vand.u32 $0xFFFFFC00, v5;
	v4 =	vand.u32 $0xFFFFFC00, v4  }
0x40: {  	s15 =	sadd.s32 $0x10, s15;
	v3 =	vadd.s32 v4, v3;
	v4 =	vand.u32 $0x380, v5;
	(ifvalue) =	ssetifvalue $0x7FFFFFFF  }
.Ltmp4:
0x41: {  	_ = 	snop;
	(pc) =	sbr.rel .LBB2_4-.Ltmp4, $1  }
0x42: {  	_ =	sdelay $0x3  }
.LBB2_6:
0x43: {  	_ =	sfence.sel $0x180000  }
0x44: {  	s2 =	simm.s32 $0x2;
	[bflag:$0x0] =	sbarrier.arrive $0xFFFF  }
0x45: {  	s30 =	simm.s32 $0x3;
	[sflag:s2] =	ssyncpa.u1 $0x1  }
0x46: {  	s31 =	simm.s32 $0x1;
	[sflag:s30] =	ssyncpa.u1 $0x1  }
0x47: {  	[sflag:s31] =	ssyncpa.u1 $0x1  }
0x48: {  	p0 =	sne.s32 s1, $0x0;
	_ =	strace $0x9000005C  }
0x49: {  	s0 =	sadd.s32 @!p0 $0x100000, s0;
	[bflag:$0x2] =	sbarrier.arrive $0xFFFF  }
0x4a: {  	[sflag:s0] =	ssyncadd.tile.s32 @!p0 $0x1;
	_ =	shalt  }
.Lfunc_end2:
_tile_overlayer_lowered:
.L_overlay_start_2:
0x4b: {  	(tag) =	ssettag $0x2  }
0x4c: {  	s0 =	rddreg [dreg:$0x0];
	s2 =	stileid.u32  }
0x4d: {  	s1 =	rddreg [dreg:$0x1];
	p0 =	sne.s32 s2, $0x0  }
0x4e: {  	s3 =	rddreg [dreg:$0x2];
	[bflag:$0x3] =	sbarrier.arrive $0xFFFF;
	s2 =	simm.s32 @!p0 $0x1C01  }
0x4f: {  	[timem:s3], [sflag:s2] =	dma.local @!p0 [hbm:s0], s1  }
0x50: {  	s0 =	simm.s32 @!p0 $0x1  }
0x51: {  	_ =	swait.ge @!p0 [sflag:s0], s1  }
0x52: {  	s1 =	ssub.s32 @!p0 $0x0, s1;
	[sflag:s0] =	ssyncset.done @!p0 $0x0  }
0x53: {  	[sflag:s0] =	ssyncadd.s32 @!p0 s1  }
0x54: {  	[bflag:$0x3] =	sbarrier.arrive $0xFFFF  }
0x55: {  	_ =	shalt  }

// kernel: gather_offload_async_start.6
scs
__scs_entry_jumppad:
0x0: {  	(pc) =	sbr.rel $0x88, $3  }
0x1: {  	(tag) =	ssettag $0x0;
	lr =	simm.s32 $0x1  }
0x2: {  	[smem:$0x3F89] =	sst lr;
	_ =	strace $0xD0000000  }
0x3: {  	_ = 	snop  }
0x4: {  	_ = 	snop  }
0x5: {  	_ = 	snop  }
0x6: {  	_ = 	snop  }
0x7: {  	_ = 	snop  }
__scs_overlays_trampoline_lowered:
0x8: {  	[smem:$0x3F98] =	sst s0  }
0x9: {  	[smem:$0x3F99] =	sst s1  }
0xa: {  	[smem:$0x3F9A] =	sst s2  }
0xb: {  	[smem:$0x3F9B] =	sst s3  }
0xc: {  	[smem:$0x3F9C] =	sst s4  }
0xd: {  	[smem:$0x3F9D] =	sst s5  }
0xe: {  	[smem:$0x3F9E] =	sst s6  }
0xf: {  	[smem:$0x3F9F] =	sst s7  }
0x10: {  	[smem:$0x3FA0] =	sst s8  }
0x11: {  	[smem:$0x3FA1] =	sst s9;
	s0 =	simm.s32 @!p0 $0x0  }
0x12: {  	s1 =	sld [smem:$0x3F87];
	s0 =	simm.s32 @p0 $0x1  }
0x13: {  	[smem:$0x3FA2] =	sst s0;
	s0 =	simm.s32 @!p1 $0x0  }
0x14: {  	s2 =	sld [smem:$0x3F86];
	s0 =	simm.s32 @p1 $0x1  }
0x15: {  	[smem:$0x3FA3] =	sst s0;
	s0 =	simm.s32 @!p2 $0x0  }
0x16: {  	s3 =	sld [smem:$0x3FDB];
	s0 =	simm.s32 @p2 $0x1  }
0x17: {  	s4 =	simm.s32 $0x1BF5;
	[smem:$0x3FA5] =	sst s0  }
0x18: {  	s0 =	sld [smem:$0x3F88];
	_ =	swait.ge [sflag:s4], $0x0  }
0x19: {  	s7 =	sld [smem:$0x3F89]  }
0x1a: {  	s8 =	sadd.s32 $0xFFFFE003, lr  }
0x1b: {  	s9 =	sadd.s32 $0xFFFFFEF7, lr;
	s5 =	simm.s32 $0xFFFFFFFF;
	p2 =	slt.u32 s8, $0xFFFFF086  }
0x1c: {  	p1 =	slt.u32 s9, $0xF7A;
	s5 =	simm.s32 @!p2 $0x0  }
0x1d: {  	s5 =	simm.s32 @p1 $0x1;
	p0 =	seq.s32 s7, s2  }
0x1e: {  	s7 =	smul.u32 @!p0 $0xF7A, s2;
	p2 =	seq.s32 @!p0 s5, $0x0  }
0x1f: {  	s9 =	smul.u32 $0xF7A, s1;
	s8 =	simm.s32 @!p0 $0x1BF5;
	p2 =	por !p2, p0  }
0x20: {  	[sflag:s8] =	ssyncset.s32 @!p0 $0xFFFFF086;
	s6 =	sadd.s32 @!p0 s3, s7;
	s7 =	simm.s32 @!p0 $0x108  }
0x21: {  	s3 =	sadd.s32 s3, s9;
	s6 =	sadd.s32 @!p0 $0x88, s6;
	s7 =	simm.s32 @p2 $0x1082  }
0x22: {  	[simem:s7], [sflag:s8] =	dma.local @!p0 [hbm:s6], $0xF7A  }
0x23: {  	s9 =	sor.u32 $0xD0000000, s2;
	s6 =	simm.s32 $0x108;
	_ =	swait.ge @!p0 [sflag:s8], $0x0  }
0x24: {  	s3 =	sadd.s32 $0x88, s3;
	s6 =	simm.s32 @!p1 $0x1082;
	[sflag:s4] =	ssyncset.s32 $0xFFFFF086  }
0x25: {  	[simem:s6], [sflag:s4] =	dma.local [hbm:s3], $0xF7A  }
0x26: {  	[smem:$0x3F89] =	sst s1;
	(tag) =	ssettag s2;
	_ =	strace s9  }
0x27: {  	s1 =	sld [smem:$0x3F99]  }
0x28: {  	s2 =	sld [smem:$0x3F9A]  }
0x29: {  	s4 =	sld [smem:$0x3F9C]  }
0x2a: {  	p0 =	seq.s32 s5, $0x0;
	s5 =	sld [smem:$0x3F9D]  }
0x2b: {  	s6 =	sld [smem:$0x3F9E]  }
0x2c: {  	s7 =	sld [smem:$0x3F9F]  }
0x2d: {  	s3 =	simm.s32 $0x108;
	s8 =	sld [smem:$0x3FA0]  }
0x2e: {  	s3 =	simm.s32 @!p0 $0x1082;
	s9 =	sld [smem:$0x3FA1]  }
0x2f: {  	lr =	sadd.s32 s0, s3;
	s0 =	sld [smem:$0x3F98]  }
0x30: {  	s3 =	sld [smem:$0x3F9B]  }
0x31: {  	[smem:$0x3FA4] =	sst s10  }
0x32: {  	s10 =	sld [smem:$0x3FA2];
	_ =	sdelay $0x3  }
0x33: {  	p0 =	seq.s32 s10, $0x1;
	s10 =	sld [smem:$0x3FA4];
	_ =	sdelay $0x3  }
0x34: {  	[smem:$0x3FA4] =	sst s10  }
0x35: {  	s10 =	sld [smem:$0x3FA3];
	_ =	sdelay $0x3  }
0x36: {  	p1 =	seq.s32 s10, $0x1;
	s10 =	sld [smem:$0x3FA4];
	_ =	sdelay $0x3  }
0x37: {  	[smem:$0x3FA4] =	sst s10  }
0x38: {  	s10 =	sld [smem:$0x3FA5]  }
0x39: {  	_ = 	snop;
	(pc) =	sbr.ind lr, $3  }
0x3a: {  	_ = 	snop  }
0x3b: {  	_ = 	snop  }
0x3c: {  	p2 =	seq.s32 s10, $0x1;
	s10 =	sld [smem:$0x3FA4]  }
0x3d: {  	_ =	shalt  }
0x3e: {  	_ =	shalt  }
0x3f: {  	_ =	shalt  }
0x40: {  	_ =	shalt  }
0x41: {  	_ =	shalt  }
0x42: {  	_ =	shalt  }
0x43: {  	_ =	shalt  }
0x44: {  	_ =	shalt  }
0x45: {  	_ =	shalt  }
0x46: {  	_ =	shalt  }
0x47: {  	_ =	shalt  }
0x48: {  	_ =	shalt  }
0x49: {  	_ =	shalt  }
0x4a: {  	_ =	shalt  }
0x4b: {  	_ =	shalt  }
0x4c: {  	_ =	shalt  }
0x4d: {  	_ =	shalt  }
0x4e: {  	_ =	shalt  }
0x4f: {  	_ =	shalt  }
0x50: {  	_ =	shalt  }
0x51: {  	_ =	shalt  }
0x52: {  	_ =	shalt  }
0x53: {  	_ =	shalt  }
0x54: {  	_ =	shalt  }
0x55: {  	_ =	shalt  }
0x56: {  	_ =	shalt  }
0x57: {  	_ =	shalt  }
0x58: {  	_ =	shalt  }
0x59: {  	_ =	shalt  }
0x5a: {  	_ =	shalt  }
0x5b: {  	_ =	shalt  }
0x5c: {  	_ =	shalt  }
0x5d: {  	_ =	shalt  }
0x5e: {  	_ =	shalt  }
0x5f: {  	_ =	shalt  }
0x60: {  	_ =	shalt  }
0x61: {  	_ =	shalt  }
0x62: {  	_ =	shalt  }
0x63: {  	_ =	shalt  }
0x64: {  	_ =	shalt  }
0x65: {  	_ =	shalt  }
0x66: {  	_ =	shalt  }
0x67: {  	_ =	shalt  }
0x68: {  	_ =	shalt  }
0x69: {  	_ =	shalt  }
0x6a: {  	_ =	shalt  }
0x6b: {  	_ =	shalt  }
0x6c: {  	_ =	shalt  }
0x6d: {  	_ =	shalt  }
0x6e: {  	_ =	shalt  }
0x6f: {  	_ =	shalt  }
0x70: {  	_ =	shalt  }
0x71: {  	_ =	shalt  }
0x72: {  	_ =	shalt  }
0x73: {  	_ =	shalt  }
0x74: {  	_ =	shalt  }
0x75: {  	_ =	shalt  }
0x76: {  	_ =	shalt  }
0x77: {  	_ =	shalt  }
0x78: {  	_ =	shalt  }
0x79: {  	_ =	shalt  }
0x7a: {  	_ =	shalt  }
0x7b: {  	_ =	shalt  }
0x7c: {  	_ =	shalt  }
0x7d: {  	_ =	shalt  }
0x7e: {  	_ =	shalt  }
0x7f: {  	_ =	shalt  }
0x80: {  	_ =	shalt  }
0x81: {  	_ =	shalt  }
0x82: {  	_ =	shalt  }
0x83: {  	_ =	shalt  }
0x84: {  	_ =	shalt  }
0x85: {  	_ =	shalt  }
0x86: {  	_ =	shalt  }
0x87: {  	_ =	shalt  }
.Lfunc_end0:
.L_simem_size_0:
called_computation.8_lowered:
.L_overlay_start_0:
0x88: {  	s2 =	sld [smem:$0x3FD9]  }
0x89: {  	s3 =	sld [smem:$0x3FFE];
	_ =	sdelay $0x1  }
0x8a: {  	s1 =	srdreg.scid  }
0x8b: {  	s0 =	sand.u32 $0x1, s1  }
0x8c: {  	s17 =	sshll.u32 s0, $0xA;
	s2 =	sadd.s32 s3, s2  }
0x8d: {  	s2 =	sadd.s32 s2, s17  }
0x8e: {  	[smem:$0x3FB0] =	sst s2  }
0x8f: {  	_ = 	snop  }
0x90: {  	(tm) =	ssettm $0x1  }
0x91: {  	s18 =	sld [smem:$0x3FFB];
	_ =	sdelay $0x3  }
0x92: {  	_ =	strace s18  }
0x93: {  	s2 =	sld [smem:$0x3FFC];
	_ =	sdelay $0x3  }
0x94: {  	_ =	strace s2  }
0x95: {  	s2 =	sld [smem:$0x3FFD];
	_ =	sdelay $0x3  }
0x96: {  	_ =	strace s2  }
0x97: {  	_ =	strace $0x8FFFFFFF  }
0x98: {  	s19 =	sld [smem:$0x3FDB];
	_ =	sdelay $0x1  }
0x99: {  	s20 =	simm.s32 $_scs_section_size  }
0x9a: {  	s4 =	simm.s32 $_size__tile_overlayer_lowered;
	s5 =	simm.s32 $_tile_overlayer_lowered  }
0x9b: {  	s6 =	simm.s32 $0x1BFF;
	s21 =	sshll.u32 s5, $0x1;
	s3 =	sadd.s32 s20, s19  }
0x9c: {  	s22 =	simm.s32 $0x0;
	s4 =	sshll.u32 s4, $0x1;
	s5 =	sadd.s32 s21, s3  }
0x9d: {  	[timem:s22], [sflag:s6] =	dma.local [hbm:s5], s4  }
0x9e: {  	_ =	swait.ge [sflag:s6], s4  }
0x9f: {  	s4 =	ssub.s32 $0x0, s4;
	[sflag:s6] =	ssyncset.done $0x0  }
0xa0: {  	[sflag:s6] =	ssyncadd.s32 s4;
	_ =	sdelay $0x1  }
0xa1: {  	s23 =	simm.s32 $0x1B8B  }
0xa2: {  	_ =	swait.ge [sflag:s23], $0x1  }
0xa3: {  	[sflag:s23] =	ssyncset.done $0x0  }
0xa4: {  	[sflag:s23] =	ssyncadd.s32 $0xFFFFFFFF  }
0xa5: {  	s4 =	sld [smem:$0x0]  }
0xa6: {  	s5 =	sand.u32 $0xFFFFFFFE, s1  }
0xa7: {  	p0 =	sne.s32 s1, s5  }
0xa8: {  	s5 =	sshll.u32 @p0 s5, $0xE  }
0xa9: {  	s5 =	sadd.s32 @p0 $0x11B8D, s5;
	s6 =	sshll.u32 @p0 s4, $0x11  }
0xaa: {  	s5 =	sor.u32 @p0 s6, s5  }
0xab: {  	[sflag:s5] =	ssyncadd.remote.s32 @p0 $0x1;
	_ =	sdelay $0x1  }
0xac: {  	s5 =	simm.s32 @p0 $0x1B8D  }
0xad: {  	_ =	swait.eq @p0 [sflag:s5], $0x1  }
0xae: {  	[sflag:s5] =	ssyncadd.s32 @p0 $0xFFFFFFFF  }
0xaf: {  	s6 =	sshll.u32 @!p0 s1, $0xE  }
0xb0: {  	s6 =	sor.u32 @!p0 $0x4000, s6;
	s5 =	simm.s32 @!p0 $0x1B8D  }
0xb1: {  	s4 =	sshll.u32 @!p0 s4, $0x11;
	s6 =	sadd.s32 @!p0 $0x11B8D, s6;
	_ =	swait.eq @!p0 [sflag:s5], $0x1  }
0xb2: {  	s4 =	sor.u32 @!p0 s4, s6;
	[sflag:s5] =	ssyncadd.s32 @!p0 $0xFFFFFFFF  }
0xb3: {  	s25 =	simm.s32 $0x1B8E;
	s24 =	sld [smem:$0x3FFE];
	[sflag:s4] =	ssyncadd.remote.s32 @!p0 $0x1  }
0xb4: {  	s26 =	simm.s32 $execute0_lowered;
	[smem:$0x3FD2] =	sst s25  }
0xb5: {  	s5 =	sshll.u32 s26, $0x1;
	_ =	strace $0x80000061;
	[dreg:$0x1] =	wrdreg $0xFFFFFFFF  }
0xb6: {  	s28 =	simm.s32 $_size_execute0_lowered;
	s3 =	sadd.s32 s3, s5;
	[dreg:$0x0] =	wrdreg $0x0  }
0xb7: {  	s5 =	sshll.u32 s28, $0x1;
	[dreg:$0x2] =	wrdreg s3  }
0xb8: {  	[dreg:$0x3] =	wrdreg s5  }
0xb9: {  	[dreg:$0x4] =	wrdreg $0xC0  }
0xba: {  	_ =	task [dreg:s22], $0x5FFFF  }
0xbb: {  	[dreg:$0x1] =	wrdreg $0xFFFFFFFF  }
0xbc: {  	[dreg:$0x0] =	wrdreg $0x60  }
0xbd: {  	[dreg:$0x2] =	wrdreg s24  }
0xbe: {  	[dreg:$0x3] =	wrdreg $0x9  }
0xbf: {  	_ =	task.clear_ibuf [dreg:s22], $0x4FFFF;
	_ =	strace $0x90000061  }
0xc0: {  	s29 =	simm.s32 $0x9;
	_ =	strace $0x80000063  }
0xc1: {  	_ =	swait.ge [sflag:s29], $0x1  }
0xc2: {  	[sflag:s29] =	ssyncadd.s32 $0xFFFFFFFF  }
0xc3: {  	_ =	strace $0x90000063  }
0xc4: {  	_ =	sfence  }
0xc5: {  	s30 =	sld [smem:$0x0];
	_ =	sdelay $0x2  }
0xc6: {  	s31 =	sshll.u32 s1, $0xD;
	s1 =	sshrl.u32 s1, $0x2  }
0xc7: {  	s4 =	sand.u32 $0x4000, s31;
	s1 =	sadd.s32 s1, s30  }
0xc8: {  	s0 =	sor.u32 s4, s0;
	s1 =	sshll.u32 s1, $0x11  }
0xc9: {  	s0 =	sor.u32 s1, s0  }
0xca: {  	s0 =	sadd.s32 $0x8F2B, s0  }
0xcb: {  	[sflag:s0] =	ssyncadd.remote.s32 $0x1  }
0xcc: {  	_ =	sfence.sel $0xFFFF  }
0xcd: {  	[dreg:$0x0] =	wrdreg $0xFFFFFFFF;
	(pc) =	sbr.abs _section_cstart, $3  }
0xce: {  	[dreg:$0x1] =	wrdreg $0xFFFFFFFF  }
0xcf: {  	_ =	task.clear_ibuf [dreg:s22], $0x2FFFF;
	_ =	strace $0x9FFFFFFF  }
0xd0: {  	(tm) =	ssettm $0x7FFFFFFF  }
0xd1: {  	_ =	shalt  }
tec
execute0_lowered:
.L_overlay_start_1:
0x0: {  	(tag) =	ssettag $0x1  }
0x1: {  	s1 =	srdreg.scid  }
0x2: {  	s0 =	stileid.u32;
	s6 =	rddreg [dreg:$0x0]  }
0x3: {  	s5 =	simm.s32 $0x2;
	s10 =	simm.s32 $0x3;
	s1 =	sshll.u32 s1, $0x7  }
0x4: {  	s12 =	simm.s32 $0x0;
	s2 =	sshll.u32 s0, $0x8;
	s3 =	sand.u32 $0x80, s1  }
0x5: {  	s11 =	simm.s32 $0x0;
	s1 =	rddreg [dreg:$0x1];
	s2 =	sor.u32 s2, s3  }
0x6: {  	_ =	strace $0x80000062;
	s3 =	sadd.s32 $0x333E00, s6;
	s4 =	sshrl.u32 s2, $0x3  }
0x7: {  	s7 =	ssub.s32 $0x1000, s2;
	s8 =	sadd.s32 s4, s6;
	s4 =	simm.s32 $0x1  }
.Ltmp0:
0x8: {  	s9 =	sand.u32 $0xF80, s7;
	s7 =	sshrl.u32 s7, $0xC;
	(pc) =	sbr.rel .LBB2_1-.Ltmp0, $4  }
0x9: {  	s6 =	sadd.s32 $0x183E00, s6;
	p0 =	sne.s32 s9, $0x0;
	s9 =	simm.s32 $0x1  }
0xa: {  	[sflag:s4] =	ssyncpa.u1 $0x0;
	s8 =	sadd.s32 $0x182600, s8;
	s9 =	simm.s32 @!p0 $0x0  }
0xb: {  	[sflag:s5] =	ssyncpa.u1 $0x0;
	p0 =	por $0x0, $0x0;
	s7 =	sadd.s32 s9, s7  }
0xc: {  	vm0 =	vmmov $0xffff;
	[sflag:s10] =	ssyncpa.u1 $0x0;
	s10 =	simm.s32 $0x0;
	s9 =	sadd.s32 $0x1, s7  }
.LBB2_4:
0xd: {  	_ =	sdelay $0x3  }
0xe: {  	[tilespmem:s18], [sflag:$0x1] =	stream.indirect_vreg.gather [hbm4b:s3+s10], $0x1, v0, vm0, $0x4038;
	[tilespmem:$0x500] =	vst v63  }
0xf: {  	s14 =	sadd.s32 s16, s14  }
0x10: {  	v0 =	vld.msk [tilespmem:s14+$0x0 ss:$0x1], $0xffff;
	_ =	sdelay $0x4  }
0x11: {  	v1 =	vshrl.u32 v0, $0x7  }
0x12: {  	vm1 =	veq.s32 v0, $0x80000000;
	v1 =	vand.u32 $0x3FFF, v1  }
0x13: {  	v0 =	vshll.u32 v0, $0x10;
	v1 =	vsel vm1, $0xFFFFFFFF, v1  }
0x14: {  	v0 =	vand.u32 $0x7F0000, v0;
	v2 =	vshll.u32 v1, $0x2  }
0x15: {  	v0 =	vsel vm1, $0xFFFF0000, v0;
	v2 =	vand.u32 $0xFFFFFE00, v2  }
0x16: {  	v1 =	vand.u32 $0x7F, v1;
	v0 =	vadd.s32 v0, v2  }
0x17: {  	v0 =	vor.u32 v1, v0;
	_ =	sdelay $0x2  }
0x18: {  	(ifvalue) =	ssetifvalue $0x7FFFFFFF;
	v1 =	vor.u32 $0x80, v0  }
0x19: {  	s28 =	sadd.s32 s16, s15;
	(ifvalue) =	ssetifvalue $0x7FFFFFFF  }
0x1a: {  	[tilespmem:s28], [sflag:$0x1] =	stream.indirect_vreg.gather [hbm4b:s3+s10], $0x1, v0, vm0, $0x4038;
	[tilespmem:$0x500] =	vst v63  }
0x1b: {  	v63 =	vor.u32 $0x100, v0;
	(ifvalue) =	ssetifvalue $0x7FFFFFFF  }
0x1c: {  	s15 =	sadd.s32 $0x80, s28;
	(ifvalue) =	ssetifvalue $0x7FFFFFFF  }
0x1d: {  	[tilespmem:s15], [sflag:$0x1] =	stream.indirect_vreg.gather [hbm4b:s3+s10], $0x1, v1, vm0, $0x4038;
	[tilespmem:$0x500] =	vst v63  }
0x1e: {  	v0 =	vor.u32 $0x180, v0;
	(ifvalue) =	ssetifvalue $0x7FFFFFFF  }
0x1f: {  	s29 =	sadd.s32 $0x100, s28;
	(ifvalue) =	ssetifvalue $0x7FFFFFFF  }
0x20: {  	[tilespmem:s29], [sflag:$0x1] =	stream.indirect_vreg.gather [hbm4b:s3+s10], $0x1, v63, vm0, $0x4038;
	[tilespmem:$0x500] =	vst v63  }
0x21: {  	(ifvalue) =	ssetifvalue $0x7FFFFFFF  }
0x22: {  	s30 =	sshll.u32 s12, $0x2;
	s14 =	sadd.s32 $0x180, s28;
	(ifvalue) =	ssetifvalue $0x7FFFFFFF  }
0x23: {  	[tilespmem:s14], [sflag:$0x1] =	stream.indirect_vreg.gather [hbm4b:s3+s10], $0x1, v0, vm0, $0x4038;
	[tilespmem:$0x500] =	vst v63  }
0x24: {  	s31 =	sand.u32 $0x78, s12;
	s14 =	sand.u32 $0x7FFFFE00, s30  }
0x25: {  	_ =	swait.ge [sflag:s4], $0x200;
	s12 =	sor.u32 s31, s14  }
0x26: {  	[sflag:s4] =	ssyncset.done $0x0;
	s12 =	sshrl.u32 s12, $0x3  }
0x27: {  	[sflag:s4] =	ssyncadd.s32 $0xFFFFFE00;
	s12 =	sadd.s32 s6, s12  }
0x28: {  	[hbm:s12] =	stream.linear.scatter [tilespmem:s13], [sflag:$0x3], $0x200, $0x38;
	[tilespmem:$0x500] =	vst v63  }
.LBB2_5:
0x29: {  	p2 =	sne.s32 s11, s9  }
.Ltmp1:
0x2a: {  	p1 =	slt.u32 s11, $0x2;
	(pc) =	sbr.rel @!p2 .LBB2_6-.Ltmp1, $4  }
0x2b: {  	s12 =	simm.s32 @!p1 $0x3  }
0x2c: {  	_ =	swait.ge @!p1 [sflag:s12], $0x200  }
0x2d: {  	s13 =	sadd.s32 $0x1, s11;
	p0 =	por !p0, !p0;
	[sflag:s12] =	ssyncset.done @!p1 $0x0  }
0x2e: {  	s11 =	smov.u32 s13;
	[sflag:s12] =	ssyncadd.s32 @!p1 $0xFFFFFE00;
	s12 =	smov.u32 s2  }
.LBB2_1:
0x2f: {  	p1 =	sge.u32 s11, s7  }
0x30: {  	s13 =	sxor.u32 @!p1 $0xFFFFFFFF, s11  }
0x31: {  	s13 =	sshll.u32 @!p1 s13, $0x7  }
0x32: {  	s31 =	sadd.s32 $0xFFFFFFFF, s11;
	s14 =	simm.s32 @!p1 $0x0;
	s13 =	sand.u32 @!p1 $0x80, s13  }
0x33: {  	[tilespmem:s13], [sflag:$0x2] =	stream.linear.gather @!p1 [hbm4b:s8+s14], $0x80, $0x38;
	[tilespmem:$0x500] =	vst v63  }
0x34: {  	p1 =	sge.u32 s31, s7  }
.Ltmp2:
0x35: {  	_ = 	snop;
	(pc) =	sbr.rel @p1 .LBB2_5-.Ltmp2, $1  }
0x36: {  	_ =	sdelay $0x3  }
0x37: {  	s13 =	simm.s32 $0x1  }
0x38: {  	_ =	swait.ge [sflag:s5], $0x80;
	s13 =	simm.s32 @!p0 $0x0  }
0x39: {  	[sflag:s5] =	ssyncset.done $0x0;
	s14 =	sshll.u32 s13, $0x7  }
0x3a: {  	[sflag:s5] =	ssyncadd.s32 $0xFFFFFF80;
	s15 =	sadd.s32 $0x0, s14  }
0x3b: {  	v0 =	vld.msk [tilespmem:s15+$0x0 ss:$0x1], $0xffff;
	_ =	sdelay $0x4  }
0x3c: {  	v1 =	vshrl.u32 v0, $0x7  }
0x3d: {  	vm1 =	veq.s32 v0, $0x80000000;
	v1 =	vand.u32 $0x3FFF, v1  }
0x3e: {  	v0 =	vshll.u32 v0, $0x10;
	v1 =	vsel vm1, $0xFFFFFFFF, v1  }
0x3f: {  	v0 =	vand.u32 $0x7F0000, v0;
	v2 =	vshll.u32 v1, $0x2  }
0x40: {  	v0 =	vsel vm1, $0xFFFF0000, v0;
	v2 =	vand.u32 $0xFFFFFE00, v2  }
0x41: {  	v1 =	vand.u32 $0x7F, v1;
	v0 =	vadd.s32 v0, v2  }
0x42: {  	v0 =	vor.u32 v1, v0;
	_ =	sdelay $0x1  }
0x43: {  	s13 =	sshll.u32 s13, $0x9  }
0x44: {  	s15 =	sor.u32 $0x100, s13;
	(ifvalue) =	ssetifvalue $0x7FFFFFFF;
	v1 =	vor.u32 $0x80, v0  }
0x45: {  	s18 =	sadd.s32 $0x0, s15;
	(ifvalue) =	ssetifvalue $0x7FFFFFFF  }
0x46: {  	[tilespmem:s18], [sflag:$0x1] =	stream.indirect_vreg.gather [hbm4b:s3+s10], $0x1, v0, vm0, $0x4038;
	[tilespmem:$0x500] =	vst v63  }
0x47: {  	v2 =	vor.u32 $0x100, v0;
	(ifvalue) =	ssetifvalue $0x7FFFFFFF  }
0x48: {  	s30 =	sadd.s32 $0x80, s18;
	(ifvalue) =	ssetifvalue $0x7FFFFFFF  }
0x49: {  	[tilespmem:s30], [sflag:$0x1] =	stream.indirect_vreg.gather [hbm4b:s3+s10], $0x1, v1, vm0, $0x4038;
	[tilespmem:$0x500] =	vst v63  }
0x4a: {  	s31 =	sshll.u32 s11, $0x9;
	v0 =	vor.u32 $0x180, v0;
	(ifvalue) =	ssetifvalue $0x7FFFFFFF  }
0x4b: {  	s13 =	sand.u32 $0x200, s31;
	s16 =	sadd.s32 $0x100, s18;
	(ifvalue) =	ssetifvalue $0x7FFFFFFF  }
0x4c: {  	[tilespmem:s16], [sflag:$0x1] =	stream.indirect_vreg.gather [hbm4b:s3+s10], $0x1, v2, vm0, $0x4038;
	[tilespmem:$0x500] =	vst v63  }
0x4d: {  	s17 =	simm.s32 $0x80;
	s13 =	sor.u32 $0x100, s13;
	(ifvalue) =	ssetifvalue $0x7FFFFFFF  }
0x4e: {  	s18 =	sadd.s32 $0x180, s18;
	s16 =	simm.s32 $0x10;
	(ifvalue) =	ssetifvalue $0x7FFFFFFF  }
.LBB2_3:
0x4f: {  	[tilespmem:s18], [sflag:$0x1] =	stream.indirect_vreg.gather [hbm4b:s3+s10], $0x1, v0, vm0, $0x4038;
	[tilespmem:$0x500] =	vst v63  }
0x50: {  	s18 =	smov.u32 s17  }
0x51: {  	s19 =	sadd.s32 $0x40, s17;
	s20 =	sadd.s32 s16, s14;
	s18 =	sshra.s32 s18, $0x2  }
0x52: {  	p1 =	sne.s32 s17, $0x1C0;
	v0 =	vld.msk [tilespmem:s20+$0x0 ss:$0x1], $0xffff  }
0x53: {  	(ifvalue) =	ssetifvalue $0x7FFFFFFF;
	_ =	sdelay $0x4  }
0x54: {  	v1 =	vshrl.u32 v0, $0x7;
	v2 =	vshll.u32 v0, $0x10  }
0x55: {  	vm1 =	veq.s32 v0, $0x80000000;
	v0 =	vand.u32 $0x3FFF, v1;
	v1 =	vand.u32 $0x7F0000, v2  }
0x56: {  	v0 =	vsel vm1, $0xFFFFFFFF, v0;
	v1 =	vsel vm1, $0xFFFF0000, v1  }
0x57: {  	v2 =	vshll.u32 v0, $0x2  }
0x58: {  	v2 =	vand.u32 $0xFFFFFE00, v2  }
0x59: {  	v0 =	vand.u32 $0x7F, v0;
	v1 =	vadd.s32 v1, v2  }
0x5a: {  	v0 =	vor.u32 v0, v1;
	_ =	sdelay $0x2  }
0x5b: {  	v1 =	vor.u32 $0x80, v0  }
0x5c: {  	s17 =	sadd.s32 s16, s15;
	s16 =	smov.u32 s18;
	(ifvalue) =	ssetifvalue $0x7FFFFFFF  }
0x5d: {  	[tilespmem:s17], [sflag:$0x1] =	stream.indirect_vreg.gather [hbm4b:s3+s10], $0x1, v0, vm0, $0x4038;
	[tilespmem:$0x500] =	vst v63  }
0x5e: {  	v2 =	vor.u32 $0x100, v0;
	(ifvalue) =	ssetifvalue $0x7FFFFFFF  }
0x5f: {  	s18 =	sadd.s32 $0x80, s17;
	(ifvalue) =	ssetifvalue $0x7FFFFFFF  }
0x60: {  	[tilespmem:s18], [sflag:$0x1] =	stream.indirect_vreg.gather [hbm4b:s3+s10], $0x1, v1, vm0, $0x4038;
	[tilespmem:$0x500] =	vst v63  }
.Ltmp3:
0x61: {  	v0 =	vor.u32 $0x180, v0;
	(ifvalue) =	ssetifvalue $0x7FFFFFFF;
	(pc) =	sbr.rel @p1 .LBB2_3-.Ltmp3, $4  }
0x62: {  	s18 =	sadd.s32 $0x100, s17;
	(ifvalue) =	ssetifvalue $0x7FFFFFFF  }
0x63: {  	[tilespmem:s18], [sflag:$0x1] =	stream.indirect_vreg.gather [hbm4b:s3+s10], $0x1, v2, vm0, $0x4038;
	[tilespmem:$0x500] =	vst v63  }
0x64: {  	(ifvalue) =	ssetifvalue $0x7FFFFFFF  }
0x65: {  	s18 =	sadd.s32 $0x180, s17;
	s17 =	smov.u32 s19;
	(ifvalue) =	ssetifvalue $0x7FFFFFFF  }
.Ltmp4:
0x66: {  	_ = 	snop;
	(pc) =	sbr.rel .LBB2_4-.Ltmp4, $1  }
0x67: {  	_ =	sdelay $0x3  }
.LBB2_6:
0x68: {  	_ =	sfence.sel $0x180000  }
0x69: {  	s2 =	simm.s32 $0x2;
	[bflag:$0x0] =	sbarrier.arrive $0xFFFF  }
0x6a: {  	s30 =	simm.s32 $0x3;
	[sflag:s2] =	ssyncpa.u1 $0x1  }
0x6b: {  	s31 =	simm.s32 $0x1;
	[sflag:s30] =	ssyncpa.u1 $0x1  }
0x6c: {  	[sflag:s31] =	ssyncpa.u1 $0x1  }
0x6d: {  	p0 =	sne.s32 s0, $0x0;
	_ =	strace $0x90000062  }
0x6e: {  	s0 =	sadd.s32 @!p0 $0x100000, s1;
	[bflag:$0x2] =	sbarrier.arrive $0xFFFF  }
0x6f: {  	[sflag:s0] =	ssyncadd.tile.s32 @!p0 $0x1;
	_ =	shalt  }
.Lfunc_end2:
_tile_overlayer_lowered:
.L_overlay_start_2:
0x70: {  	(tag) =	ssettag $0x2  }
0x71: {  	s0 =	rddreg [dreg:$0x0];
	s2 =	stileid.u32  }
0x72: {  	s1 =	rddreg [dreg:$0x1];
	p0 =	sne.s32 s2, $0x0  }
0x73: {  	s3 =	rddreg [dreg:$0x2];
	[bflag:$0x3] =	sbarrier.arrive $0xFFFF;
	s2 =	simm.s32 @!p0 $0x1C01  }
0x74: {  	[timem:s3], [sflag:s2] =	dma.local @!p0 [hbm:s0], s1  }
0x75: {  	s0 =	simm.s32 @!p0 $0x1  }
0x76: {  	_ =	swait.ge @!p0 [sflag:s0], s1  }
0x77: {  	s1 =	ssub.s32 @!p0 $0x0, s1;
	[sflag:s0] =	ssyncset.done @!p0 $0x0  }
0x78: {  	[sflag:s0] =	ssyncadd.s32 @!p0 s1  }
0x79: {  	[bflag:$0x3] =	sbarrier.arrive $0xFFFF  }
0x7a: {  	_ =	shalt  }

// kernel: gather_offload_async_start.7
scs
__scs_entry_jumppad:
0x0: {  	(pc) =	sbr.rel $0x88, $3  }
0x1: {  	(tag) =	ssettag $0x0;
	lr =	simm.s32 $0x1  }
0x2: {  	[smem:$0x3F89] =	sst lr;
	_ =	strace $0xD0000000  }
0x3: {  	_ = 	snop  }
0x4: {  	_ = 	snop  }
0x5: {  	_ = 	snop  }
0x6: {  	_ = 	snop  }
0x7: {  	_ = 	snop  }
__scs_overlays_trampoline_lowered:
0x8: {  	[smem:$0x3F98] =	sst s0  }
0x9: {  	[smem:$0x3F99] =	sst s1  }
0xa: {  	[smem:$0x3F9A] =	sst s2  }
0xb: {  	[smem:$0x3F9B] =	sst s3  }
0xc: {  	[smem:$0x3F9C] =	sst s4  }
0xd: {  	[smem:$0x3F9D] =	sst s5  }
0xe: {  	[smem:$0x3F9E] =	sst s6  }
0xf: {  	[smem:$0x3F9F] =	sst s7  }
0x10: {  	[smem:$0x3FA0] =	sst s8  }
0x11: {  	[smem:$0x3FA1] =	sst s9;
	s0 =	simm.s32 @!p0 $0x0  }
0x12: {  	s1 =	sld [smem:$0x3F87];
	s0 =	simm.s32 @p0 $0x1  }
0x13: {  	[smem:$0x3FA2] =	sst s0;
	s0 =	simm.s32 @!p1 $0x0  }
0x14: {  	s2 =	sld [smem:$0x3F86];
	s0 =	simm.s32 @p1 $0x1  }
0x15: {  	[smem:$0x3FA3] =	sst s0;
	s0 =	simm.s32 @!p2 $0x0  }
0x16: {  	s3 =	sld [smem:$0x3FDB];
	s0 =	simm.s32 @p2 $0x1  }
0x17: {  	s4 =	simm.s32 $0x1BF5;
	[smem:$0x3FA5] =	sst s0  }
0x18: {  	s0 =	sld [smem:$0x3F88];
	_ =	swait.ge [sflag:s4], $0x0  }
0x19: {  	s7 =	sld [smem:$0x3F89]  }
0x1a: {  	s8 =	sadd.s32 $0xFFFFE003, lr  }
0x1b: {  	s9 =	sadd.s32 $0xFFFFFEF7, lr;
	s5 =	simm.s32 $0xFFFFFFFF;
	p2 =	slt.u32 s8, $0xFFFFF086  }
0x1c: {  	p1 =	slt.u32 s9, $0xF7A;
	s5 =	simm.s32 @!p2 $0x0  }
0x1d: {  	s5 =	simm.s32 @p1 $0x1;
	p0 =	seq.s32 s7, s2  }
0x1e: {  	s7 =	smul.u32 @!p0 $0xF7A, s2;
	p2 =	seq.s32 @!p0 s5, $0x0  }
0x1f: {  	s9 =	smul.u32 $0xF7A, s1;
	s8 =	simm.s32 @!p0 $0x1BF5;
	p2 =	por !p2, p0  }
0x20: {  	[sflag:s8] =	ssyncset.s32 @!p0 $0xFFFFF086;
	s6 =	sadd.s32 @!p0 s3, s7;
	s7 =	simm.s32 @!p0 $0x108  }
0x21: {  	s3 =	sadd.s32 s3, s9;
	s6 =	sadd.s32 @!p0 $0x88, s6;
	s7 =	simm.s32 @p2 $0x1082  }
0x22: {  	[simem:s7], [sflag:s8] =	dma.local @!p0 [hbm:s6], $0xF7A  }
0x23: {  	s9 =	sor.u32 $0xD0000000, s2;
	s6 =	simm.s32 $0x108;
	_ =	swait.ge @!p0 [sflag:s8], $0x0  }
0x24: {  	s3 =	sadd.s32 $0x88, s3;
	s6 =	simm.s32 @!p1 $0x1082;
	[sflag:s4] =	ssyncset.s32 $0xFFFFF086  }
0x25: {  	[simem:s6], [sflag:s4] =	dma.local [hbm:s3], $0xF7A  }
0x26: {  	[smem:$0x3F89] =	sst s1;
	(tag) =	ssettag s2;
	_ =	strace s9  }
0x27: {  	s1 =	sld [smem:$0x3F99]  }
0x28: {  	s2 =	sld [smem:$0x3F9A]  }
0x29: {  	s4 =	sld [smem:$0x3F9C]  }
0x2a: {  	p0 =	seq.s32 s5, $0x0;
	s5 =	sld [smem:$0x3F9D]  }
0x2b: {  	s6 =	sld [smem:$0x3F9E]  }
0x2c: {  	s7 =	sld [smem:$0x3F9F]  }
0x2d: {  	s3 =	simm.s32 $0x108;
	s8 =	sld [smem:$0x3FA0]  }
0x2e: {  	s3 =	simm.s32 @!p0 $0x1082;
	s9 =	sld [smem:$0x3FA1]  }
0x2f: {  	lr =	sadd.s32 s0, s3;
	s0 =	sld [smem:$0x3F98]  }
0x30: {  	s3 =	sld [smem:$0x3F9B]  }
0x31: {  	[smem:$0x3FA4] =	sst s10  }
0x32: {  	s10 =	sld [smem:$0x3FA2];
	_ =	sdelay $0x3  }
0x33: {  	p0 =	seq.s32 s10, $0x1;
	s10 =	sld [smem:$0x3FA4];
	_ =	sdelay $0x3  }
0x34: {  	[smem:$0x3FA4] =	sst s10  }
0x35: {  	s10 =	sld [smem:$0x3FA3];
	_ =	sdelay $0x3  }
0x36: {  	p1 =	seq.s32 s10, $0x1;
	s10 =	sld [smem:$0x3FA4];
	_ =	sdelay $0x3  }
0x37: {  	[smem:$0x3FA4] =	sst s10  }
0x38: {  	s10 =	sld [smem:$0x3FA5]  }
0x39: {  	_ = 	snop;
	(pc) =	sbr.ind lr, $3  }
0x3a: {  	_ = 	snop  }
0x3b: {  	_ = 	snop  }
0x3c: {  	p2 =	seq.s32 s10, $0x1;
	s10 =	sld [smem:$0x3FA4]  }
0x3d: {  	_ =	shalt  }
0x3e: {  	_ =	shalt  }
0x3f: {  	_ =	shalt  }
0x40: {  	_ =	shalt  }
0x41: {  	_ =	shalt  }
0x42: {  	_ =	shalt  }
0x43: {  	_ =	shalt  }
0x44: {  	_ =	shalt  }
0x45: {  	_ =	shalt  }
0x46: {  	_ =	shalt  }
0x47: {  	_ =	shalt  }
0x48: {  	_ =	shalt  }
0x49: {  	_ =	shalt  }
0x4a: {  	_ =	shalt  }
0x4b: {  	_ =	shalt  }
0x4c: {  	_ =	shalt  }
0x4d: {  	_ =	shalt  }
0x4e: {  	_ =	shalt  }
0x4f: {  	_ =	shalt  }
0x50: {  	_ =	shalt  }
0x51: {  	_ =	shalt  }
0x52: {  	_ =	shalt  }
0x53: {  	_ =	shalt  }
0x54: {  	_ =	shalt  }
0x55: {  	_ =	shalt  }
0x56: {  	_ =	shalt  }
0x57: {  	_ =	shalt  }
0x58: {  	_ =	shalt  }
0x59: {  	_ =	shalt  }
0x5a: {  	_ =	shalt  }
0x5b: {  	_ =	shalt  }
0x5c: {  	_ =	shalt  }
0x5d: {  	_ =	shalt  }
0x5e: {  	_ =	shalt  }
0x5f: {  	_ =	shalt  }
0x60: {  	_ =	shalt  }
0x61: {  	_ =	shalt  }
0x62: {  	_ =	shalt  }
0x63: {  	_ =	shalt  }
0x64: {  	_ =	shalt  }
0x65: {  	_ =	shalt  }
0x66: {  	_ =	shalt  }
0x67: {  	_ =	shalt  }
0x68: {  	_ =	shalt  }
0x69: {  	_ =	shalt  }
0x6a: {  	_ =	shalt  }
0x6b: {  	_ =	shalt  }
0x6c: {  	_ =	shalt  }
0x6d: {  	_ =	shalt  }
0x6e: {  	_ =	shalt  }
0x6f: {  	_ =	shalt  }
0x70: {  	_ =	shalt  }
0x71: {  	_ =	shalt  }
0x72: {  	_ =	shalt  }
0x73: {  	_ =	shalt  }
0x74: {  	_ =	shalt  }
0x75: {  	_ =	shalt  }
0x76: {  	_ =	shalt  }
0x77: {  	_ =	shalt  }
0x78: {  	_ =	shalt  }
0x79: {  	_ =	shalt  }
0x7a: {  	_ =	shalt  }
0x7b: {  	_ =	shalt  }
0x7c: {  	_ =	shalt  }
0x7d: {  	_ =	shalt  }
0x7e: {  	_ =	shalt  }
0x7f: {  	_ =	shalt  }
0x80: {  	_ =	shalt  }
0x81: {  	_ =	shalt  }
0x82: {  	_ =	shalt  }
0x83: {  	_ =	shalt  }
0x84: {  	_ =	shalt  }
0x85: {  	_ =	shalt  }
0x86: {  	_ =	shalt  }
0x87: {  	_ =	shalt  }
.Lfunc_end0:
.L_simem_size_0:
called_computation.9_lowered:
.L_overlay_start_0:
0x88: {  	s2 =	sld [smem:$0x3FD9]  }
0x89: {  	s3 =	sld [smem:$0x3FFE];
	_ =	sdelay $0x1  }
0x8a: {  	s1 =	srdreg.scid  }
0x8b: {  	s0 =	sand.u32 $0x1, s1  }
0x8c: {  	s17 =	sshll.u32 s0, $0xA;
	s2 =	sadd.s32 s3, s2  }
0x8d: {  	s2 =	sadd.s32 s2, s17  }
0x8e: {  	[smem:$0x3FB0] =	sst s2  }
0x8f: {  	_ = 	snop  }
0x90: {  	(tm) =	ssettm $0x1  }
0x91: {  	s18 =	sld [smem:$0x3FFB];
	_ =	sdelay $0x3  }
0x92: {  	_ =	strace s18  }
0x93: {  	s2 =	sld [smem:$0x3FFC];
	_ =	sdelay $0x3  }
0x94: {  	_ =	strace s2  }
0x95: {  	s2 =	sld [smem:$0x3FFD];
	_ =	sdelay $0x3  }
0x96: {  	_ =	strace s2  }
0x97: {  	_ =	strace $0x8FFFFFFF  }
0x98: {  	s19 =	sld [smem:$0x3FDB];
	_ =	sdelay $0x1  }
0x99: {  	s20 =	simm.s32 $_scs_section_size  }
0x9a: {  	s4 =	simm.s32 $_size__tile_overlayer_lowered;
	s5 =	simm.s32 $_tile_overlayer_lowered  }
0x9b: {  	s6 =	simm.s32 $0x1BFF;
	s21 =	sshll.u32 s5, $0x1;
	s3 =	sadd.s32 s20, s19  }
0x9c: {  	s22 =	simm.s32 $0x0;
	s4 =	sshll.u32 s4, $0x1;
	s5 =	sadd.s32 s21, s3  }
0x9d: {  	[timem:s22], [sflag:s6] =	dma.local [hbm:s5], s4  }
0x9e: {  	_ =	swait.ge [sflag:s6], s4  }
0x9f: {  	s4 =	ssub.s32 $0x0, s4;
	[sflag:s6] =	ssyncset.done $0x0  }
0xa0: {  	[sflag:s6] =	ssyncadd.s32 s4;
	_ =	sdelay $0x1  }
0xa1: {  	s23 =	simm.s32 $0x1B8B  }
0xa2: {  	_ =	swait.ge [sflag:s23], $0x1  }
0xa3: {  	[sflag:s23] =	ssyncset.done $0x0  }
0xa4: {  	[sflag:s23] =	ssyncadd.s32 $0xFFFFFFFF  }
0xa5: {  	s4 =	sld [smem:$0x0]  }
0xa6: {  	s5 =	sand.u32 $0xFFFFFFFE, s1  }
0xa7: {  	p0 =	sne.s32 s1, s5  }
0xa8: {  	s5 =	sshll.u32 @p0 s5, $0xE  }
0xa9: {  	s5 =	sadd.s32 @p0 $0x11B8D, s5;
	s6 =	sshll.u32 @p0 s4, $0x11  }
0xaa: {  	s5 =	sor.u32 @p0 s6, s5  }
0xab: {  	[sflag:s5] =	ssyncadd.remote.s32 @p0 $0x1;
	_ =	sdelay $0x1  }
0xac: {  	s5 =	simm.s32 @p0 $0x1B8D  }
0xad: {  	_ =	swait.eq @p0 [sflag:s5], $0x1  }
0xae: {  	[sflag:s5] =	ssyncadd.s32 @p0 $0xFFFFFFFF  }
0xaf: {  	s6 =	sshll.u32 @!p0 s1, $0xE  }
0xb0: {  	s6 =	sor.u32 @!p0 $0x4000, s6;
	s5 =	simm.s32 @!p0 $0x1B8D  }
0xb1: {  	s4 =	sshll.u32 @!p0 s4, $0x11;
	s6 =	sadd.s32 @!p0 $0x11B8D, s6;
	_ =	swait.eq @!p0 [sflag:s5], $0x1  }
0xb2: {  	s4 =	sor.u32 @!p0 s4, s6;
	[sflag:s5] =	ssyncadd.s32 @!p0 $0xFFFFFFFF  }
0xb3: {  	s25 =	simm.s32 $0x1B8E;
	s24 =	sld [smem:$0x3FFE];
	[sflag:s4] =	ssyncadd.remote.s32 @!p0 $0x1  }
0xb4: {  	s26 =	simm.s32 $execute0_lowered;
	[smem:$0x3FD2] =	sst s25  }
0xb5: {  	s5 =	sshll.u32 s26, $0x1;
	_ =	strace $0x8000005E;
	[dreg:$0x1] =	wrdreg $0xFFFFFFFF  }
0xb6: {  	s28 =	simm.s32 $_size_execute0_lowered;
	s3 =	sadd.s32 s3, s5;
	[dreg:$0x0] =	wrdreg $0x0  }
0xb7: {  	s5 =	sshll.u32 s28, $0x1;
	[dreg:$0x2] =	wrdreg s3  }
0xb8: {  	[dreg:$0x3] =	wrdreg s5  }
0xb9: {  	[dreg:$0x4] =	wrdreg $0xC0  }
0xba: {  	_ =	task [dreg:s22], $0x5FFFF  }
0xbb: {  	[dreg:$0x1] =	wrdreg $0xFFFFFFFF  }
0xbc: {  	[dreg:$0x0] =	wrdreg $0x60  }
0xbd: {  	[dreg:$0x2] =	wrdreg s24  }
0xbe: {  	[dreg:$0x3] =	wrdreg $0xB  }
0xbf: {  	_ =	task.clear_ibuf [dreg:s22], $0x4FFFF;
	_ =	strace $0x9000005E  }
0xc0: {  	s29 =	simm.s32 $0xB;
	_ =	strace $0x80000060  }
0xc1: {  	_ =	swait.ge [sflag:s29], $0x1  }
0xc2: {  	[sflag:s29] =	ssyncadd.s32 $0xFFFFFFFF  }
0xc3: {  	_ =	strace $0x90000060  }
0xc4: {  	_ =	sfence  }
0xc5: {  	s30 =	sld [smem:$0x0];
	_ =	sdelay $0x2  }
0xc6: {  	s31 =	sshll.u32 s1, $0xD;
	s1 =	sshrl.u32 s1, $0x2  }
0xc7: {  	s4 =	sand.u32 $0x4000, s31;
	s1 =	sadd.s32 s1, s30  }
0xc8: {  	s0 =	sor.u32 s4, s0;
	s1 =	sshll.u32 s1, $0x11  }
0xc9: {  	s0 =	sor.u32 s1, s0  }
0xca: {  	s0 =	sadd.s32 $0x8F2B, s0  }
0xcb: {  	[sflag:s0] =	ssyncadd.remote.s32 $0x1  }
0xcc: {  	_ =	sfence.sel $0xFFFF  }
0xcd: {  	[dreg:$0x0] =	wrdreg $0xFFFFFFFF;
	(pc) =	sbr.abs _section_cstart, $3  }
0xce: {  	[dreg:$0x1] =	wrdreg $0xFFFFFFFF  }
0xcf: {  	_ =	task.clear_ibuf [dreg:s22], $0x2FFFF;
	_ =	strace $0x9FFFFFFF  }
0xd0: {  	(tm) =	ssettm $0x7FFFFFFF  }
0xd1: {  	_ =	shalt  }
tec
execute0_lowered:
.L_overlay_start_1:
0x0: {  	(tag) =	ssettag $0x1  }
0x1: {  	s1 =	srdreg.scid  }
0x2: {  	s0 =	stileid.u32;
	s6 =	rddreg [dreg:$0x0]  }
0x3: {  	s5 =	simm.s32 $0x2;
	s10 =	simm.s32 $0x3;
	s1 =	sshll.u32 s1, $0x7  }
0x4: {  	s12 =	simm.s32 $0x0;
	s2 =	sshll.u32 s0, $0x8;
	s3 =	sand.u32 $0x80, s1  }
0x5: {  	s11 =	simm.s32 $0x0;
	s1 =	rddreg [dreg:$0x1];
	s2 =	sor.u32 s2, s3  }
0x6: {  	_ =	strace $0x8000005F;
	s3 =	sadd.s32 $0x333E00, s6;
	s4 =	sshrl.u32 s2, $0x3  }
0x7: {  	s7 =	ssub.s32 $0x1000, s2;
	s8 =	sadd.s32 s4, s6;
	s4 =	simm.s32 $0x1  }
.Ltmp0:
0x8: {  	s9 =	sand.u32 $0xF80, s7;
	s7 =	sshrl.u32 s7, $0xC;
	(pc) =	sbr.rel .LBB2_1-.Ltmp0, $4  }
0x9: {  	s6 =	sadd.s32 $0x183200, s6;
	p0 =	sne.s32 s9, $0x0;
	s9 =	simm.s32 $0x1  }
0xa: {  	[sflag:s4] =	ssyncpa.u1 $0x0;
	s8 =	sadd.s32 $0x182800, s8;
	s9 =	simm.s32 @!p0 $0x0  }
0xb: {  	[sflag:s5] =	ssyncpa.u1 $0x0;
	p0 =	por $0x0, $0x0;
	s7 =	sadd.s32 s9, s7  }
0xc: {  	vm0 =	vmmov $0xffff;
	[sflag:s10] =	ssyncpa.u1 $0x0;
	s10 =	simm.s32 $0x0;
	s9 =	sadd.s32 $0x1, s7  }
.LBB2_4:
0xd: {  	_ =	sdelay $0x3  }
0xe: {  	[tilespmem:s18], [sflag:$0x1] =	stream.indirect_vreg.gather [hbm4b:s3+s10], $0x1, v0, vm0, $0x4038;
	[tilespmem:$0x500] =	vst v63  }
0xf: {  	s14 =	sadd.s32 s16, s14  }
0x10: {  	v0 =	vld.msk [tilespmem:s14+$0x0 ss:$0x1], $0xffff;
	_ =	sdelay $0x4  }
0x11: {  	v1 =	vshrl.u32 v0, $0x7  }
0x12: {  	vm1 =	veq.s32 v0, $0x80000000;
	v1 =	vand.u32 $0x3FFF, v1  }
0x13: {  	v0 =	vshll.u32 v0, $0x10;
	v1 =	vsel vm1, $0xFFFFFFFF, v1  }
0x14: {  	v0 =	vand.u32 $0x7F0000, v0;
	v2 =	vshll.u32 v1, $0x2  }
0x15: {  	v0 =	vsel vm1, $0xFFFF0000, v0;
	v2 =	vand.u32 $0xFFFFFE00, v2  }
0x16: {  	v1 =	vand.u32 $0x7F, v1;
	v0 =	vadd.s32 v0, v2  }
0x17: {  	v0 =	vor.u32 v1, v0;
	_ =	sdelay $0x2  }
0x18: {  	(ifvalue) =	ssetifvalue $0x7FFFFFFF;
	v1 =	vor.u32 $0x80, v0  }
0x19: {  	s28 =	sadd.s32 s16, s15;
	(ifvalue) =	ssetifvalue $0x7FFFFFFF  }
0x1a: {  	[tilespmem:s28], [sflag:$0x1] =	stream.indirect_vreg.gather [hbm4b:s3+s10], $0x1, v0, vm0, $0x4038;
	[tilespmem:$0x500] =	vst v63  }
0x1b: {  	v63 =	vor.u32 $0x100, v0;
	(ifvalue) =	ssetifvalue $0x7FFFFFFF  }
0x1c: {  	s15 =	sadd.s32 $0x80, s28;
	(ifvalue) =	ssetifvalue $0x7FFFFFFF  }
0x1d: {  	[tilespmem:s15], [sflag:$0x1] =	stream.indirect_vreg.gather [hbm4b:s3+s10], $0x1, v1, vm0, $0x4038;
	[tilespmem:$0x500] =	vst v63  }
0x1e: {  	v0 =	vor.u32 $0x180, v0;
	(ifvalue) =	ssetifvalue $0x7FFFFFFF  }
0x1f: {  	s29 =	sadd.s32 $0x100, s28;
	(ifvalue) =	ssetifvalue $0x7FFFFFFF  }
0x20: {  	[tilespmem:s29], [sflag:$0x1] =	stream.indirect_vreg.gather [hbm4b:s3+s10], $0x1, v63, vm0, $0x4038;
	[tilespmem:$0x500] =	vst v63  }
0x21: {  	(ifvalue) =	ssetifvalue $0x7FFFFFFF  }
0x22: {  	s30 =	sshll.u32 s12, $0x2;
	s14 =	sadd.s32 $0x180, s28;
	(ifvalue) =	ssetifvalue $0x7FFFFFFF  }
0x23: {  	[tilespmem:s14], [sflag:$0x1] =	stream.indirect_vreg.gather [hbm4b:s3+s10], $0x1, v0, vm0, $0x4038;
	[tilespmem:$0x500] =	vst v63  }
0x24: {  	s31 =	sand.u32 $0x78, s12;
	s14 =	sand.u32 $0x7FFFFE00, s30  }
0x25: {  	_ =	swait.ge [sflag:s4], $0x200;
	s12 =	sor.u32 s31, s14  }
0x26: {  	[sflag:s4] =	ssyncset.done $0x0;
	s12 =	sshrl.u32 s12, $0x3  }
0x27: {  	[sflag:s4] =	ssyncadd.s32 $0xFFFFFE00;
	s12 =	sadd.s32 s6, s12  }
0x28: {  	[hbm:s12] =	stream.linear.scatter [tilespmem:s13], [sflag:$0x3], $0x200, $0x38;
	[tilespmem:$0x500] =	vst v63  }
.LBB2_5:
0x29: {  	p2 =	sne.s32 s11, s9  }
.Ltmp1:
0x2a: {  	p1 =	slt.u32 s11, $0x2;
	(pc) =	sbr.rel @!p2 .LBB2_6-.Ltmp1, $4  }
0x2b: {  	s12 =	simm.s32 @!p1 $0x3  }
0x2c: {  	_ =	swait.ge @!p1 [sflag:s12], $0x200  }
0x2d: {  	s13 =	sadd.s32 $0x1, s11;
	p0 =	por !p0, !p0;
	[sflag:s12] =	ssyncset.done @!p1 $0x0  }
0x2e: {  	s11 =	smov.u32 s13;
	[sflag:s12] =	ssyncadd.s32 @!p1 $0xFFFFFE00;
	s12 =	smov.u32 s2  }
.LBB2_1:
0x2f: {  	p1 =	sge.u32 s11, s7  }
0x30: {  	s13 =	sxor.u32 @!p1 $0xFFFFFFFF, s11  }
0x31: {  	s13 =	sshll.u32 @!p1 s13, $0x7  }
0x32: {  	s31 =	sadd.s32 $0xFFFFFFFF, s11;
	s14 =	simm.s32 @!p1 $0x0;
	s13 =	sand.u32 @!p1 $0x80, s13  }
0x33: {  	[tilespmem:s13], [sflag:$0x2] =	stream.linear.gather @!p1 [hbm4b:s8+s14], $0x80, $0x38;
	[tilespmem:$0x500] =	vst v63  }
0x34: {  	p1 =	sge.u32 s31, s7  }
.Ltmp2:
0x35: {  	_ = 	snop;
	(pc) =	sbr.rel @p1 .LBB2_5-.Ltmp2, $1  }
0x36: {  	_ =	sdelay $0x3  }
0x37: {  	s13 =	simm.s32 $0x1  }
0x38: {  	_ =	swait.ge [sflag:s5], $0x80;
	s13 =	simm.s32 @!p0 $0x0  }
0x39: {  	[sflag:s5] =	ssyncset.done $0x0;
	s14 =	sshll.u32 s13, $0x7  }
0x3a: {  	[sflag:s5] =	ssyncadd.s32 $0xFFFFFF80;
	s15 =	sadd.s32 $0x0, s14  }
0x3b: {  	v0 =	vld.msk [tilespmem:s15+$0x0 ss:$0x1], $0xffff;
	_ =	sdelay $0x4  }
0x3c: {  	v1 =	vshrl.u32 v0, $0x7  }
0x3d: {  	vm1 =	veq.s32 v0, $0x80000000;
	v1 =	vand.u32 $0x3FFF, v1  }
0x3e: {  	v0 =	vshll.u32 v0, $0x10;
	v1 =	vsel vm1, $0xFFFFFFFF, v1  }
0x3f: {  	v0 =	vand.u32 $0x7F0000, v0;
	v2 =	vshll.u32 v1, $0x2  }
0x40: {  	v0 =	vsel vm1, $0xFFFF0000, v0;
	v2 =	vand.u32 $0xFFFFFE00, v2  }
0x41: {  	v1 =	vand.u32 $0x7F, v1;
	v0 =	vadd.s32 v0, v2  }
0x42: {  	v0 =	vor.u32 v1, v0;
	_ =	sdelay $0x1  }
0x43: {  	s13 =	sshll.u32 s13, $0x9  }
0x44: {  	s15 =	sor.u32 $0x100, s13;
	(ifvalue) =	ssetifvalue $0x7FFFFFFF;
	v1 =	vor.u32 $0x80, v0  }
0x45: {  	s18 =	sadd.s32 $0x0, s15;
	(ifvalue) =	ssetifvalue $0x7FFFFFFF  }
0x46: {  	[tilespmem:s18], [sflag:$0x1] =	stream.indirect_vreg.gather [hbm4b:s3+s10], $0x1, v0, vm0, $0x4038;
	[tilespmem:$0x500] =	vst v63  }
0x47: {  	v2 =	vor.u32 $0x100, v0;
	(ifvalue) =	ssetifvalue $0x7FFFFFFF  }
0x48: {  	s30 =	sadd.s32 $0x80, s18;
	(ifvalue) =	ssetifvalue $0x7FFFFFFF  }
0x49: {  	[tilespmem:s30], [sflag:$0x1] =	stream.indirect_vreg.gather [hbm4b:s3+s10], $0x1, v1, vm0, $0x4038;
	[tilespmem:$0x500] =	vst v63  }
0x4a: {  	s31 =	sshll.u32 s11, $0x9;
	v0 =	vor.u32 $0x180, v0;
	(ifvalue) =	ssetifvalue $0x7FFFFFFF  }
0x4b: {  	s13 =	sand.u32 $0x200, s31;
	s16 =	sadd.s32 $0x100, s18;
	(ifvalue) =	ssetifvalue $0x7FFFFFFF  }
0x4c: {  	[tilespmem:s16], [sflag:$0x1] =	stream.indirect_vreg.gather [hbm4b:s3+s10], $0x1, v2, vm0, $0x4038;
	[tilespmem:$0x500] =	vst v63  }
0x4d: {  	s17 =	simm.s32 $0x80;
	s13 =	sor.u32 $0x100, s13;
	(ifvalue) =	ssetifvalue $0x7FFFFFFF  }
0x4e: {  	s18 =	sadd.s32 $0x180, s18;
	s16 =	simm.s32 $0x10;
	(ifvalue) =	ssetifvalue $0x7FFFFFFF  }
.LBB2_3:
0x4f: {  	[tilespmem:s18], [sflag:$0x1] =	stream.indirect_vreg.gather [hbm4b:s3+s10], $0x1, v0, vm0, $0x4038;
	[tilespmem:$0x500] =	vst v63  }
0x50: {  	s18 =	smov.u32 s17  }
0x51: {  	s19 =	sadd.s32 $0x40, s17;
	s20 =	sadd.s32 s16, s14;
	s18 =	sshra.s32 s18, $0x2  }
0x52: {  	p1 =	sne.s32 s17, $0x1C0;
	v0 =	vld.msk [tilespmem:s20+$0x0 ss:$0x1], $0xffff  }
0x53: {  	(ifvalue) =	ssetifvalue $0x7FFFFFFF;
	_ =	sdelay $0x4  }
0x54: {  	v1 =	vshrl.u32 v0, $0x7;
	v2 =	vshll.u32 v0, $0x10  }
0x55: {  	vm1 =	veq.s32 v0, $0x80000000;
	v0 =	vand.u32 $0x3FFF, v1;
	v1 =	vand.u32 $0x7F0000, v2  }
0x56: {  	v0 =	vsel vm1, $0xFFFFFFFF, v0;
	v1 =	vsel vm1, $0xFFFF0000, v1  }
0x57: {  	v2 =	vshll.u32 v0, $0x2  }
0x58: {  	v2 =	vand.u32 $0xFFFFFE00, v2  }
0x59: {  	v0 =	vand.u32 $0x7F, v0;
	v1 =	vadd.s32 v1, v2  }
0x5a: {  	v0 =	vor.u32 v0, v1;
	_ =	sdelay $0x2  }
0x5b: {  	v1 =	vor.u32 $0x80, v0  }
0x5c: {  	s17 =	sadd.s32 s16, s15;
	s16 =	smov.u32 s18;
	(ifvalue) =	ssetifvalue $0x7FFFFFFF  }
0x5d: {  	[tilespmem:s17], [sflag:$0x1] =	stream.indirect_vreg.gather [hbm4b:s3+s10], $0x1, v0, vm0, $0x4038;
	[tilespmem:$0x500] =	vst v63  }
0x5e: {  	v2 =	vor.u32 $0x100, v0;
	(ifvalue) =	ssetifvalue $0x7FFFFFFF  }
0x5f: {  	s18 =	sadd.s32 $0x80, s17;
	(ifvalue) =	ssetifvalue $0x7FFFFFFF  }
0x60: {  	[tilespmem:s18], [sflag:$0x1] =	stream.indirect_vreg.gather [hbm4b:s3+s10], $0x1, v1, vm0, $0x4038;
	[tilespmem:$0x500] =	vst v63  }
.Ltmp3:
0x61: {  	v0 =	vor.u32 $0x180, v0;
	(ifvalue) =	ssetifvalue $0x7FFFFFFF;
	(pc) =	sbr.rel @p1 .LBB2_3-.Ltmp3, $4  }
0x62: {  	s18 =	sadd.s32 $0x100, s17;
	(ifvalue) =	ssetifvalue $0x7FFFFFFF  }
0x63: {  	[tilespmem:s18], [sflag:$0x1] =	stream.indirect_vreg.gather [hbm4b:s3+s10], $0x1, v2, vm0, $0x4038;
	[tilespmem:$0x500] =	vst v63  }
0x64: {  	(ifvalue) =	ssetifvalue $0x7FFFFFFF  }
0x65: {  	s18 =	sadd.s32 $0x180, s17;
	s17 =	smov.u32 s19;
	(ifvalue) =	ssetifvalue $0x7FFFFFFF  }
.Ltmp4:
0x66: {  	_ = 	snop;
	(pc) =	sbr.rel .LBB2_4-.Ltmp4, $1  }
0x67: {  	_ =	sdelay $0x3  }
.LBB2_6:
0x68: {  	_ =	sfence.sel $0x180000  }
0x69: {  	s2 =	simm.s32 $0x2;
	[bflag:$0x0] =	sbarrier.arrive $0xFFFF  }
0x6a: {  	s30 =	simm.s32 $0x3;
	[sflag:s2] =	ssyncpa.u1 $0x1  }
0x6b: {  	s31 =	simm.s32 $0x1;
	[sflag:s30] =	ssyncpa.u1 $0x1  }
0x6c: {  	[sflag:s31] =	ssyncpa.u1 $0x1  }
0x6d: {  	p0 =	sne.s32 s0, $0x0;
	_ =	strace $0x9000005F  }
0x6e: {  	s0 =	sadd.s32 @!p0 $0x100000, s1;
	[bflag:$0x2] =	sbarrier.arrive $0xFFFF  }
0x6f: {  	[sflag:s0] =	ssyncadd.tile.s32 @!p0 $0x1;
	_ =	shalt  }
.Lfunc_end2:
_tile_overlayer_lowered:
.L_overlay_start_2:
0x70: {  	(tag) =	ssettag $0x2  }
0x71: {  	s0 =	rddreg [dreg:$0x0];
	s2 =	stileid.u32  }
0x72: {  	s1 =	rddreg [dreg:$0x1];
	p0 =	sne.s32 s2, $0x0  }
0x73: {  	s3 =	rddreg [dreg:$0x2];
	[bflag:$0x3] =	sbarrier.arrive $0xFFFF;
	s2 =	simm.s32 @!p0 $0x1C01  }
0x74: {  	[timem:s3], [sflag:s2] =	dma.local @!p0 [hbm:s0], s1  }
0x75: {  	s0 =	simm.s32 @!p0 $0x1  }
0x76: {  	_ =	swait.ge @!p0 [sflag:s0], s1  }
0x77: {  	s1 =	ssub.s32 @!p0 $0x0, s1;
	[sflag:s0] =	ssyncset.done @!p0 $0x0  }
0x78: {  	[sflag:s0] =	ssyncadd.s32 @!p0 s1  }
0x79: {  	[bflag:$0x3] =	sbarrier.arrive $0xFFFF  }
0x7a: {  	_ =	shalt  }

// kernel: gather_offload_async_start
scs
__scs_entry_jumppad:
0x0: {  	(pc) =	sbr.rel $0x88, $3  }
0x1: {  	(tag) =	ssettag $0x0;
	lr =	simm.s32 $0x1  }
0x2: {  	[smem:$0x3F89] =	sst lr;
	_ =	strace $0xD0000000  }
0x3: {  	_ = 	snop  }
0x4: {  	_ = 	snop  }
0x5: {  	_ = 	snop  }
0x6: {  	_ = 	snop  }
0x7: {  	_ = 	snop  }
__scs_overlays_trampoline_lowered:
0x8: {  	[smem:$0x3F98] =	sst s0  }
0x9: {  	[smem:$0x3F99] =	sst s1  }
0xa: {  	[smem:$0x3F9A] =	sst s2  }
0xb: {  	[smem:$0x3F9B] =	sst s3  }
0xc: {  	[smem:$0x3F9C] =	sst s4  }
0xd: {  	[smem:$0x3F9D] =	sst s5  }
0xe: {  	[smem:$0x3F9E] =	sst s6  }
0xf: {  	[smem:$0x3F9F] =	sst s7  }
0x10: {  	[smem:$0x3FA0] =	sst s8  }
0x11: {  	[smem:$0x3FA1] =	sst s9;
	s0 =	simm.s32 @!p0 $0x0  }
0x12: {  	s1 =	sld [smem:$0x3F87];
	s0 =	simm.s32 @p0 $0x1  }
0x13: {  	[smem:$0x3FA2] =	sst s0;
	s0 =	simm.s32 @!p1 $0x0  }
0x14: {  	s2 =	sld [smem:$0x3F86];
	s0 =	simm.s32 @p1 $0x1  }
0x15: {  	[smem:$0x3FA3] =	sst s0;
	s0 =	simm.s32 @!p2 $0x0  }
0x16: {  	s3 =	sld [smem:$0x3FDB];
	s0 =	simm.s32 @p2 $0x1  }
0x17: {  	s4 =	simm.s32 $0x1BF5;
	[smem:$0x3FA5] =	sst s0  }
0x18: {  	s0 =	sld [smem:$0x3F88];
	_ =	swait.ge [sflag:s4], $0x0  }
0x19: {  	s7 =	sld [smem:$0x3F89]  }
0x1a: {  	s8 =	sadd.s32 $0xFFFFE003, lr  }
0x1b: {  	s9 =	sadd.s32 $0xFFFFFEF7, lr;
	s5 =	simm.s32 $0xFFFFFFFF;
	p2 =	slt.u32 s8, $0xFFFFF086  }
0x1c: {  	p1 =	slt.u32 s9, $0xF7A;
	s5 =	simm.s32 @!p2 $0x0  }
0x1d: {  	s5 =	simm.s32 @p1 $0x1;
	p0 =	seq.s32 s7, s2  }
0x1e: {  	s7 =	smul.u32 @!p0 $0xF7A, s2;
	p2 =	seq.s32 @!p0 s5, $0x0  }
0x1f: {  	s9 =	smul.u32 $0xF7A, s1;
	s8 =	simm.s32 @!p0 $0x1BF5;
	p2 =	por !p2, p0  }
0x20: {  	[sflag:s8] =	ssyncset.s32 @!p0 $0xFFFFF086;
	s6 =	sadd.s32 @!p0 s3, s7;
	s7 =	simm.s32 @!p0 $0x108  }
0x21: {  	s3 =	sadd.s32 s3, s9;
	s6 =	sadd.s32 @!p0 $0x88, s6;
	s7 =	simm.s32 @p2 $0x1082  }
0x22: {  	[simem:s7], [sflag:s8] =	dma.local @!p0 [hbm:s6], $0xF7A  }
0x23: {  	s9 =	sor.u32 $0xD0000000, s2;
	s6 =	simm.s32 $0x108;
	_ =	swait.ge @!p0 [sflag:s8], $0x0  }
0x24: {  	s3 =	sadd.s32 $0x88, s3;
	s6 =	simm.s32 @!p1 $0x1082;
	[sflag:s4] =	ssyncset.s32 $0xFFFFF086  }
0x25: {  	[simem:s6], [sflag:s4] =	dma.local [hbm:s3], $0xF7A  }
0x26: {  	[smem:$0x3F89] =	sst s1;
	(tag) =	ssettag s2;
	_ =	strace s9  }
0x27: {  	s1 =	sld [smem:$0x3F99]  }
0x28: {  	s2 =	sld [smem:$0x3F9A]  }
0x29: {  	s4 =	sld [smem:$0x3F9C]  }
0x2a: {  	p0 =	seq.s32 s5, $0x0;
	s5 =	sld [smem:$0x3F9D]  }
0x2b: {  	s6 =	sld [smem:$0x3F9E]  }
0x2c: {  	s7 =	sld [smem:$0x3F9F]  }
0x2d: {  	s3 =	simm.s32 $0x108;
	s8 =	sld [smem:$0x3FA0]  }
0x2e: {  	s3 =	simm.s32 @!p0 $0x1082;
	s9 =	sld [smem:$0x3FA1]  }
0x2f: {  	lr =	sadd.s32 s0, s3;
	s0 =	sld [smem:$0x3F98]  }
0x30: {  	s3 =	sld [smem:$0x3F9B]  }
0x31: {  	[smem:$0x3FA4] =	sst s10  }
0x32: {  	s10 =	sld [smem:$0x3FA2];
	_ =	sdelay $0x3  }
0x33: {  	p0 =	seq.s32 s10, $0x1;
	s10 =	sld [smem:$0x3FA4];
	_ =	sdelay $0x3  }
0x34: {  	[smem:$0x3FA4] =	sst s10  }
0x35: {  	s10 =	sld [smem:$0x3FA3];
	_ =	sdelay $0x3  }
0x36: {  	p1 =	seq.s32 s10, $0x1;
	s10 =	sld [smem:$0x3FA4];
	_ =	sdelay $0x3  }
0x37: {  	[smem:$0x3FA4] =	sst s10  }
0x38: {  	s10 =	sld [smem:$0x3FA5]  }
0x39: {  	_ = 	snop;
	(pc) =	sbr.ind lr, $3  }
0x3a: {  	_ = 	snop  }
0x3b: {  	_ = 	snop  }
0x3c: {  	p2 =	seq.s32 s10, $0x1;
	s10 =	sld [smem:$0x3FA4]  }
0x3d: {  	_ =	shalt  }
0x3e: {  	_ =	shalt  }
0x3f: {  	_ =	shalt  }
0x40: {  	_ =	shalt  }
0x41: {  	_ =	shalt  }
0x42: {  	_ =	shalt  }
0x43: {  	_ =	shalt  }
0x44: {  	_ =	shalt  }
0x45: {  	_ =	shalt  }
0x46: {  	_ =	shalt  }
0x47: {  	_ =	shalt  }
0x48: {  	_ =	shalt  }
0x49: {  	_ =	shalt  }
0x4a: {  	_ =	shalt  }
0x4b: {  	_ =	shalt  }
0x4c: {  	_ =	shalt  }
0x4d: {  	_ =	shalt  }
0x4e: {  	_ =	shalt  }
0x4f: {  	_ =	shalt  }
0x50: {  	_ =	shalt  }
0x51: {  	_ =	shalt  }
0x52: {  	_ =	shalt  }
0x53: {  	_ =	shalt  }
0x54: {  	_ =	shalt  }
0x55: {  	_ =	shalt  }
0x56: {  	_ =	shalt  }
0x57: {  	_ =	shalt  }
0x58: {  	_ =	shalt  }
0x59: {  	_ =	shalt  }
0x5a: {  	_ =	shalt  }
0x5b: {  	_ =	shalt  }
0x5c: {  	_ =	shalt  }
0x5d: {  	_ =	shalt  }
0x5e: {  	_ =	shalt  }
0x5f: {  	_ =	shalt  }
0x60: {  	_ =	shalt  }
0x61: {  	_ =	shalt  }
0x62: {  	_ =	shalt  }
0x63: {  	_ =	shalt  }
0x64: {  	_ =	shalt  }
0x65: {  	_ =	shalt  }
0x66: {  	_ =	shalt  }
0x67: {  	_ =	shalt  }
0x68: {  	_ =	shalt  }
0x69: {  	_ =	shalt  }
0x6a: {  	_ =	shalt  }
0x6b: {  	_ =	shalt  }
0x6c: {  	_ =	shalt  }
0x6d: {  	_ =	shalt  }
0x6e: {  	_ =	shalt  }
0x6f: {  	_ =	shalt  }
0x70: {  	_ =	shalt  }
0x71: {  	_ =	shalt  }
0x72: {  	_ =	shalt  }
0x73: {  	_ =	shalt  }
0x74: {  	_ =	shalt  }
0x75: {  	_ =	shalt  }
0x76: {  	_ =	shalt  }
0x77: {  	_ =	shalt  }
0x78: {  	_ =	shalt  }
0x79: {  	_ =	shalt  }
0x7a: {  	_ =	shalt  }
0x7b: {  	_ =	shalt  }
0x7c: {  	_ =	shalt  }
0x7d: {  	_ =	shalt  }
0x7e: {  	_ =	shalt  }
0x7f: {  	_ =	shalt  }
0x80: {  	_ =	shalt  }
0x81: {  	_ =	shalt  }
0x82: {  	_ =	shalt  }
0x83: {  	_ =	shalt  }
0x84: {  	_ =	shalt  }
0x85: {  	_ =	shalt  }
0x86: {  	_ =	shalt  }
0x87: {  	_ =	shalt  }
.Lfunc_end0:
.L_simem_size_0:
called_computation.2_lowered:
.L_overlay_start_0:
0x88: {  	s2 =	sld [smem:$0x3FD9]  }
0x89: {  	s3 =	sld [smem:$0x3FFE];
	_ =	sdelay $0x1  }
0x8a: {  	s1 =	srdreg.scid  }
0x8b: {  	s0 =	sand.u32 $0x1, s1  }
0x8c: {  	s17 =	sshll.u32 s0, $0xA;
	s2 =	sadd.s32 s3, s2  }
0x8d: {  	s2 =	sadd.s32 s2, s17  }
0x8e: {  	[smem:$0x3FB0] =	sst s2  }
0x8f: {  	_ = 	snop  }
0x90: {  	(tm) =	ssettm $0x1  }
0x91: {  	s18 =	sld [smem:$0x3FFB];
	_ =	sdelay $0x3  }
0x92: {  	_ =	strace s18  }
0x93: {  	s2 =	sld [smem:$0x3FFC];
	_ =	sdelay $0x3  }
0x94: {  	_ =	strace s2  }
0x95: {  	s2 =	sld [smem:$0x3FFD];
	_ =	sdelay $0x3  }
0x96: {  	_ =	strace s2  }
0x97: {  	_ =	strace $0x8FFFFFFF  }
0x98: {  	s19 =	sld [smem:$0x3FDB];
	_ =	sdelay $0x1  }
0x99: {  	s20 =	simm.s32 $_scs_section_size  }
0x9a: {  	s4 =	simm.s32 $_size__tile_overlayer_lowered;
	s5 =	simm.s32 $_tile_overlayer_lowered  }
0x9b: {  	s6 =	simm.s32 $0x1BFF;
	s21 =	sshll.u32 s5, $0x1;
	s3 =	sadd.s32 s20, s19  }
0x9c: {  	s22 =	simm.s32 $0x0;
	s4 =	sshll.u32 s4, $0x1;
	s5 =	sadd.s32 s21, s3  }
0x9d: {  	[timem:s22], [sflag:s6] =	dma.local [hbm:s5], s4  }
0x9e: {  	_ =	swait.ge [sflag:s6], s4  }
0x9f: {  	s4 =	ssub.s32 $0x0, s4;
	[sflag:s6] =	ssyncset.done $0x0  }
0xa0: {  	[sflag:s6] =	ssyncadd.s32 s4;
	_ =	sdelay $0x1  }
0xa1: {  	s23 =	simm.s32 $0x1B8B  }
0xa2: {  	_ =	swait.ge [sflag:s23], $0x1  }
0xa3: {  	[sflag:s23] =	ssyncset.done $0x0  }
0xa4: {  	[sflag:s23] =	ssyncadd.s32 $0xFFFFFFFF  }
0xa5: {  	s4 =	sld [smem:$0x0]  }
0xa6: {  	s5 =	sand.u32 $0xFFFFFFFE, s1  }
0xa7: {  	p0 =	sne.s32 s1, s5  }
0xa8: {  	s5 =	sshll.u32 @p0 s5, $0xE  }
0xa9: {  	s5 =	sadd.s32 @p0 $0x11B8D, s5;
	s6 =	sshll.u32 @p0 s4, $0x11  }
0xaa: {  	s5 =	sor.u32 @p0 s6, s5  }
0xab: {  	[sflag:s5] =	ssyncadd.remote.s32 @p0 $0x1;
	_ =	sdelay $0x1  }
0xac: {  	s5 =	simm.s32 @p0 $0x1B8D  }
0xad: {  	_ =	swait.eq @p0 [sflag:s5], $0x1  }
0xae: {  	[sflag:s5] =	ssyncadd.s32 @p0 $0xFFFFFFFF  }
0xaf: {  	s6 =	sshll.u32 @!p0 s1, $0xE  }
0xb0: {  	s6 =	sor.u32 @!p0 $0x4000, s6;
	s5 =	simm.s32 @!p0 $0x1B8D  }
0xb1: {  	s4 =	sshll.u32 @!p0 s4, $0x11;
	s6 =	sadd.s32 @!p0 $0x11B8D, s6;
	_ =	swait.eq @!p0 [sflag:s5], $0x1  }
0xb2: {  	s4 =	sor.u32 @!p0 s4, s6;
	[sflag:s5] =	ssyncadd.s32 @!p0 $0xFFFFFFFF  }
0xb3: {  	s25 =	simm.s32 $0x1B8E;
	s24 =	sld [smem:$0x3FFE];
	[sflag:s4] =	ssyncadd.remote.s32 @!p0 $0x1  }
0xb4: {  	s26 =	simm.s32 $execute0_lowered;
	[smem:$0x3FD2] =	sst s25  }
0xb5: {  	s5 =	sshll.u32 s26, $0x1;
	_ =	strace $0x80000049;
	[dreg:$0x1] =	wrdreg $0xFFFFFFFF  }
0xb6: {  	s28 =	simm.s32 $_size_execute0_lowered;
	s3 =	sadd.s32 s3, s5;
	[dreg:$0x0] =	wrdreg $0x0  }
0xb7: {  	s5 =	sshll.u32 s28, $0x1;
	[dreg:$0x2] =	wrdreg s3  }
0xb8: {  	[dreg:$0x3] =	wrdreg s5  }
0xb9: {  	[dreg:$0x4] =	wrdreg $0xC0  }
0xba: {  	_ =	task [dreg:s22], $0x5FFFF  }
0xbb: {  	[dreg:$0x1] =	wrdreg $0xFFFFFFFF  }
0xbc: {  	[dreg:$0x0] =	wrdreg $0x60  }
0xbd: {  	[dreg:$0x2] =	wrdreg s24  }
0xbe: {  	[dreg:$0x3] =	wrdreg $0x9  }
0xbf: {  	_ =	task.clear_ibuf [dreg:s22], $0x4FFFF;
	_ =	strace $0x90000049  }
0xc0: {  	s29 =	simm.s32 $0x9;
	_ =	strace $0x8000004B  }
0xc1: {  	_ =	swait.ge [sflag:s29], $0x1  }
0xc2: {  	[sflag:s29] =	ssyncadd.s32 $0xFFFFFFFF  }
0xc3: {  	_ =	strace $0x9000004B  }
0xc4: {  	_ =	sfence  }
0xc5: {  	s30 =	sld [smem:$0x0];
	_ =	sdelay $0x2  }
0xc6: {  	s31 =	sshll.u32 s1, $0xD;
	s1 =	sshrl.u32 s1, $0x2  }
0xc7: {  	s4 =	sand.u32 $0x4000, s31;
	s1 =	sadd.s32 s1, s30  }
0xc8: {  	s0 =	sor.u32 s4, s0;
	s1 =	sshll.u32 s1, $0x11  }
0xc9: {  	s0 =	sor.u32 s1, s0  }
0xca: {  	s0 =	sadd.s32 $0x8F2B, s0  }
0xcb: {  	[sflag:s0] =	ssyncadd.remote.s32 $0x1  }
0xcc: {  	_ =	sfence.sel $0xFFFF  }
0xcd: {  	[dreg:$0x0] =	wrdreg $0xFFFFFFFF;
	(pc) =	sbr.abs _section_cstart, $3  }
0xce: {  	[dreg:$0x1] =	wrdreg $0xFFFFFFFF  }
0xcf: {  	_ =	task.clear_ibuf [dreg:s22], $0x2FFFF;
	_ =	strace $0x9FFFFFFF  }
0xd0: {  	(tm) =	ssettm $0x7FFFFFFF  }
0xd1: {  	_ =	shalt  }
tec
execute0_lowered:
.L_overlay_start_1:
0x0: {  	(tag) =	ssettag $0x1  }
0x1: {  	s0 =	srdreg.scid;
	s5 =	rddreg [dreg:$0x0]  }
0x2: {  	s1 =	stileid.u32;
	s6 =	simm.s32 $0x1;
	s9 =	simm.s32 $0x1  }
0x3: {  	s10 =	simm.s32 $0x3;
	s13 =	simm.s32 $0x0;
	s2 =	sshll.u32 s0, $0x6  }
0x4: {  	s12 =	simm.s32 $0x0;
	s3 =	sshll.u32 s1, $0x7;
	s4 =	sand.u32 $0x40, s2  }
0x5: {  	s0 =	rddreg [dreg:$0x1];
	_ =	strace $0x8000004A;
	s3 =	sor.u32 s3, s4  }
0x6: {  	s2 =	sadd.s32 $0x102600, s5;
	[sflag:s6] =	ssyncpa.u1 $0x0;
	s8 =	ssub.s32 $0x1000, s3  }
.Ltmp0:
0x7: {  	s4 =	sadd.s32 $0x1C2A00, s5;
	s7 =	sand.u32 $0x7C0, s8;
	(pc) =	sbr.rel .LBB2_1-.Ltmp0, $4  }
0x8: {  	s5 =	sadd.s32 $0x1C2E00, s5;
	s11 =	smov.u32 s3;
	p0 =	sne.s32 s7, $0x0  }
0x9: {  	s8 =	sshrl.u32 s8, $0xB;
	s7 =	simm.s32 $0x2;
	s9 =	simm.s32 @!p0 $0x0  }
0xa: {  	[sflag:s7] =	ssyncpa.u1 $0x0;
	p0 =	por $0x0, $0x0;
	s8 =	sadd.s32 s9, s8  }
0xb: {  	vm0 =	vmmov $0xffff;
	[sflag:s10] =	ssyncpa.u1 $0x0;
	s10 =	simm.s32 $0x0;
	s9 =	sadd.s32 $0x1, s8  }
.LBB2_4:
0xc: {  	vm1 =	veq.s32 v1, $0x80000000;
	v5 =	vand.u32 $0x7F, v1;
	v60 =	vand.u32 $0x1FFF80, v1  }
0xd: {  	v5 =	vsel vm1, $0xFFFFFFFF, v5;
	v1 =	vsel vm1, $0xFFFFFF80, v60  }
0xe: {  	v3 =	vor.u32 v4, v3;
	v61 =	vand.u32 $0xFFFFFC00, v1;
	v6 =	vand.u32 $0xFFFFFC00, v5  }
0xf: {  	v2 =	vor.u32 v2, v3;
	v1 =	vand.u32 $0x380, v1;
	v62 =	vadd.s32 v6, v61  }
0x10: {  	v63 =	vand.u32 $0x7F, v5;
	v1 =	vor.u32 v1, v62  }
0x11: {  	v1 =	vor.u32 v63, v1  }
0x12: {  	[tilespmem:s16], [sflag:$0x1] =	stream.indirect_vreg.gather [hbm4b:s2+s10], $0x1, v0, vm0, $0x4038;
	[tilespmem:$0x100] =	vst v63  }
0x13: {  	(ifvalue) =	ssetifvalue $0x7FFFFFFF  }
0x14: {  	[tilespmem:s15], [sflag:$0x1] =	stream.indirect_vreg.gather [hbm4b:s2+s10], $0x1, v2, vm0, $0x4038;
	[tilespmem:$0x100] =	vst v63  }
0x15: {  	s29 =	sadd.s32 $0x10, s15;
	(ifvalue) =	ssetifvalue $0x7FFFFFFF  }
0x16: {  	[tilespmem:s29], [sflag:$0x1] =	stream.indirect_vreg.gather [hbm4b:s2+s10], $0x1, v1, vm0, $0x4038;
	[tilespmem:$0x100] =	vst v63  }
0x17: {  	_ =	swait.ge [sflag:s6], $0x40  }
0x18: {  	s30 =	sshrl.u32 s13, $0x3;
	[sflag:s6] =	ssyncset.done $0x0  }
0x19: {  	s31 =	sand.u32 $0x7, s13;
	s15 =	sadd.s32 s5, s30;
	[sflag:s6] =	ssyncadd.s32 $0xFFFFFFC0  }
0x1a: {  	[hbm4b:s15+s31] =	stream.linear.scatter [tilespmem:s14], [sflag:$0x3], $0x40, $0x38;
	[tilespmem:$0x100] =	vst v63  }
.LBB2_5:
0x1b: {  	s15 =	sadd.s32 $0x800, s11  }
0x1c: {  	p2 =	sgt.s32 s15, $0xFFF  }
0x1d: {  	s15 =	smov.u32 @p2 s3;
	p2 =	sne.s32 s12, s9  }
.Ltmp1:
0x1e: {  	p1 =	slt.u32 s12, $0x2;
	(pc) =	sbr.rel @!p2 .LBB2_6-.Ltmp1, $4  }
0x1f: {  	s14 =	simm.s32 @!p1 $0x3  }
0x20: {  	s16 =	sadd.s32 $0x1, s12;
	_ =	swait.ge @!p1 [sflag:s14], $0x40  }
0x21: {  	s13 =	smov.u32 s11;
	p0 =	por !p0, !p0;
	[sflag:s14] =	ssyncset.done @!p1 $0x0  }
0x22: {  	s12 =	smov.u32 s16;
	s11 =	smov.u32 s15;
	[sflag:s14] =	ssyncadd.s32 @!p1 $0xFFFFFFC0  }
.LBB2_1:
0x23: {  	p1 =	sge.u32 s12, s8  }
0x24: {  	s14 =	sxor.u32 @!p1 $0xFFFFFFFF, s12  }
0x25: {  	s31 =	sadd.s32 $0xFFFFFFFF, s12;
	s15 =	sshrl.u32 @!p1 s11, $0x3;
	s14 =	sshll.u32 @!p1 s14, $0x6  }
0x26: {  	s16 =	sand.u32 @!p1 $0x7, s11;
	s15 =	sadd.s32 @!p1 s4, s15;
	s14 =	sand.u32 @!p1 $0x40, s14  }
0x27: {  	[tilespmem:s14], [sflag:$0x2] =	stream.linear.gather @!p1 [hbm4b:s15+s16], $0x40, $0x38;
	[tilespmem:$0x100] =	vst v63  }
0x28: {  	p1 =	sge.u32 s31, s8  }
.Ltmp2:
0x29: {  	_ = 	snop;
	(pc) =	sbr.rel @p1 .LBB2_5-.Ltmp2, $1  }
0x2a: {  	_ =	sdelay $0x3  }
0x2b: {  	s14 =	simm.s32 $0x1  }
0x2c: {  	_ =	swait.ge [sflag:s7], $0x40;
	s14 =	simm.s32 @!p0 $0x0  }
0x2d: {  	[sflag:s7] =	ssyncset.done $0x0;
	s14 =	sshll.u32 s14, $0x6  }
0x2e: {  	[sflag:s7] =	ssyncadd.s32 $0xFFFFFFC0;
	(ifvalue) =	ssetifvalue $0x7FFFFFFF;
	v0 =	vld.msk [tilespmem:s14+$0x0 ss:$0x1], $0xffff;
	_ =	sdelay $0x4  }
0x2f: {  	s15 =	sadd.s32 $0x10, s14;
	vm1 =	veq.s32 v0, $0x80000000;
	v2 =	vand.u32 $0x7F, v0;
	v0 =	vand.u32 $0x1FFF80, v0  }
0x30: {  	v1 =	vld.msk [tilespmem:s15+$0x0 ss:$0x1], $0xffff;
	v2 =	vsel vm1, $0xFFFFFFFF, v2;
	v0 =	vsel vm1, $0xFFFFFF80, v0  }
0x31: {  	v3 =	vand.u32 $0xFFFFFC00, v0;
	v4 =	vand.u32 $0xFFFFFC00, v2  }
0x32: {  	v0 =	vand.u32 $0x380, v0;
	v3 =	vadd.s32 v4, v3  }
0x33: {  	v2 =	vand.u32 $0x7F, v2;
	v0 =	vor.u32 v0, v3  }
0x34: {  	v0 =	vor.u32 v2, v0  }
0x35: {  	s16 =	sshll.u32 s12, $0x6;
	vm1 =	veq.s32 v1, $0x80000000;
	v4 =	vand.u32 $0x7F, v1;
	v1 =	vand.u32 $0x1FFF80, v1  }
0x36: {  	s18 =	sand.u32 $0x40, s16;
	v3 =	vsel vm1, $0xFFFFFFFF, v4;
	v4 =	vsel vm1, $0xFFFFFF80, v1  }
0x37: {  	s16 =	sor.u32 $0x80, s14;
	s14 =	sor.u32 $0x80, s18;
	s17 =	sadd.s32 $0x10, s15;
	v5 =	vand.u32 $0xFFFFFC00, v4;
	v6 =	vand.u32 $0xFFFFFC00, v3  }
0x38: {  	s18 =	simm.s32 $0x20;
	s15 =	sadd.s32 $0x10, s16;
	v1 =	vld.msk [tilespmem:s17+$0x0 ss:$0x1], $0xffff;
	(ifvalue) =	ssetifvalue $0x7FFFFFFF;
	v2 =	vand.u32 $0x7F, v3;
	v4 =	vand.u32 $0x380, v4;
	v3 =	vadd.s32 v6, v5  }
.LBB2_3:
0x39: {  	[tilespmem:s16], [sflag:$0x1] =	stream.indirect_vreg.gather [hbm4b:s2+s10], $0x1, v0, vm0, $0x4038;
	[tilespmem:$0x100] =	vst v63  }
0x3a: {  	s18 =	sadd.s32 $0x10, s18  }
0x3b: {  	v3 =	vor.u32 v4, v3;
	p1 =	slt.u32 s18, $0x30  }
.Ltmp3:
0x3c: {  	s17 =	sadd.s32 $0x10, s17;
	v0 =	vor.u32 v2, v3;
	(pc) =	sbr.rel @p1 .LBB2_3-.Ltmp3, $4  }
0x3d: {  	vm1 =	veq.s32 v1, $0x80000000;
	s16 =	smov.u32 s15;
	v2 =	vand.u32 $0x7F, v1;
	v3 =	vand.u32 $0x1FFF80, v1;
	v1 =	vld.msk [tilespmem:s17+$0x0 ss:$0x1], $0xffff  }
0x3e: {  	v4 =	vsel vm1, $0xFFFFFFFF, v2;
	v5 =	vsel vm1, $0xFFFFFF80, v3  }
0x3f: {  	v2 =	vand.u32 $0x7F, v4;
	v3 =	vand.u32 $0xFFFFFC00, v5;
	v4 =	vand.u32 $0xFFFFFC00, v4  }
0x40: {  	s15 =	sadd.s32 $0x10, s15;
	v3 =	vadd.s32 v4, v3;
	v4 =	vand.u32 $0x380, v5;
	(ifvalue) =	ssetifvalue $0x7FFFFFFF  }
.Ltmp4:
0x41: {  	_ = 	snop;
	(pc) =	sbr.rel .LBB2_4-.Ltmp4, $1  }
0x42: {  	_ =	sdelay $0x3  }
.LBB2_6:
0x43: {  	_ =	sfence.sel $0x180000  }
0x44: {  	s2 =	simm.s32 $0x2;
	[bflag:$0x0] =	sbarrier.arrive $0xFFFF  }
0x45: {  	s30 =	simm.s32 $0x3;
	[sflag:s2] =	ssyncpa.u1 $0x1  }
0x46: {  	s31 =	simm.s32 $0x1;
	[sflag:s30] =	ssyncpa.u1 $0x1  }
0x47: {  	[sflag:s31] =	ssyncpa.u1 $0x1  }
0x48: {  	p0 =	sne.s32 s1, $0x0;
	_ =	strace $0x9000004A  }
0x49: {  	s0 =	sadd.s32 @!p0 $0x100000, s0;
	[bflag:$0x2] =	sbarrier.arrive $0xFFFF  }
0x4a: {  	[sflag:s0] =	ssyncadd.tile.s32 @!p0 $0x1;
	_ =	shalt  }
.Lfunc_end2:
_tile_overlayer_lowered:
.L_overlay_start_2:
0x4b: {  	(tag) =	ssettag $0x2  }
0x4c: {  	s0 =	rddreg [dreg:$0x0];
	s2 =	stileid.u32  }
0x4d: {  	s1 =	rddreg [dreg:$0x1];
	p0 =	sne.s32 s2, $0x0  }
0x4e: {  	s3 =	rddreg [dreg:$0x2];
	[bflag:$0x3] =	sbarrier.arrive $0xFFFF;
	s2 =	simm.s32 @!p0 $0x1C01  }
0x4f: {  	[timem:s3], [sflag:s2] =	dma.local @!p0 [hbm:s0], s1  }
0x50: {  	s0 =	simm.s32 @!p0 $0x1  }
0x51: {  	_ =	swait.ge @!p0 [sflag:s0], s1  }
0x52: {  	s1 =	ssub.s32 @!p0 $0x0, s1;
	[sflag:s0] =	ssyncset.done @!p0 $0x0  }
0x53: {  	[sflag:s0] =	ssyncadd.s32 @!p0 s1  }
0x54: {  	[bflag:$0x3] =	sbarrier.arrive $0xFFFF  }
0x55: {  	_ =	shalt  }

// kernel: sparse-core-data-format-call.1.cloned.1.call-start
scs
called_computation.1_lowered:
.L_overlay_start_0:
0x0: {  	s1 =	sld [smem:$0x3FD9]  }
0x1: {  	s2 =	sld [smem:$0x3FFE];
	_ =	sdelay $0x1  }
0x2: {  	s3 =	srdreg.scid  }
0x3: {  	s0 =	sand.u32 $0x1, s3  }
0x4: {  	s17 =	sshll.u32 s0, $0xA;
	s1 =	sadd.s32 s2, s1  }
0x5: {  	s1 =	sadd.s32 s1, s17  }
0x6: {  	[smem:$0x3FB0] =	sst s1  }
0x7: {  	_ = 	snop  }
0x8: {  	(tm) =	ssettm $0x1  }
0x9: {  	s18 =	sld [smem:$0x3FFB];
	_ =	sdelay $0x3  }
0xa: {  	_ =	strace s18  }
0xb: {  	s1 =	sld [smem:$0x3FFC];
	_ =	sdelay $0x3  }
0xc: {  	_ =	strace s1  }
0xd: {  	s1 =	sld [smem:$0x3FFD];
	_ =	sdelay $0x3  }
0xe: {  	_ =	strace s1  }
0xf: {  	_ =	strace $0x8FFFFFFF  }
0x10: {  	s19 =	sld [smem:$0x3FDB];
	_ =	sdelay $0x1  }
0x11: {  	s20 =	simm.s32 $_scs_section_size  }
0x12: {  	s4 =	simm.s32 $_size__tile_overlayer_lowered;
	s5 =	simm.s32 $_tile_overlayer_lowered  }
0x13: {  	s23 =	simm.s32 $0x1BFF;
	s22 =	sshll.u32 s5, $0x1;
	s1 =	sadd.s32 s20, s19  }
0x14: {  	s6 =	simm.s32 $0x0;
	s21 =	sshll.u32 s4, $0x1;
	s4 =	sadd.s32 s22, s1  }
0x15: {  	[timem:s6], [sflag:s23] =	dma.local [hbm:s4], s21  }
0x16: {  	_ =	swait.ge [sflag:s23], s21  }
0x17: {  	s2 =	ssub.s32 $0x0, s21;
	[sflag:s23] =	ssyncset.done $0x0  }
0x18: {  	[sflag:s23] =	ssyncadd.s32 s2;
	_ =	sdelay $0x1  }
0x19: {  	s24 =	simm.s32 $0x1B8B  }
0x1a: {  	_ =	swait.ge [sflag:s24], $0x1  }
0x1b: {  	[sflag:s24] =	ssyncset.done $0x0  }
0x1c: {  	s26 =	simm.s32 $0x1B8E;
	s25 =	sld [smem:$0x3FFE];
	[sflag:s24] =	ssyncadd.s32 $0xFFFFFFFF  }
0x1d: {  	s27 =	simm.s32 $execute0_lowered;
	[smem:$0x3FD2] =	sst s26  }
0x1e: {  	s4 =	sshll.u32 s27, $0x1;
	_ =	strace $0x80000046;
	[dreg:$0x1] =	wrdreg $0xFFFFFFFF  }
0x1f: {  	s28 =	simm.s32 $_size_execute0_lowered;
	s1 =	sadd.s32 s1, s4;
	[dreg:$0x0] =	wrdreg $0x0  }
0x20: {  	s4 =	sshll.u32 s28, $0x1;
	[dreg:$0x2] =	wrdreg s1  }
0x21: {  	[dreg:$0x3] =	wrdreg s4  }
0x22: {  	[dreg:$0x4] =	wrdreg $0xC0  }
0x23: {  	_ =	task [dreg:s6], $0x5FFFF  }
0x24: {  	[dreg:$0x1] =	wrdreg $0xFFFFFFFF  }
0x25: {  	[dreg:$0x0] =	wrdreg $0x60  }
0x26: {  	[dreg:$0x2] =	wrdreg s25  }
0x27: {  	[dreg:$0x3] =	wrdreg $0xB  }
0x28: {  	_ =	task.clear_ibuf [dreg:s6], $0x4FFFF;
	_ =	strace $0x90000046  }
0x29: {  	s29 =	simm.s32 $0xB;
	_ =	strace $0x80000048  }
0x2a: {  	_ =	swait.ge [sflag:s29], $0x1  }
0x2b: {  	[sflag:s29] =	ssyncadd.s32 $0xFFFFFFFF  }
0x2c: {  	_ =	strace $0x90000048  }
0x2d: {  	_ =	sfence  }
0x2e: {  	s30 =	sld [smem:$0x0];
	_ =	sdelay $0x2  }
0x2f: {  	s31 =	sshll.u32 s3, $0xD;
	s3 =	sshrl.u32 s3, $0x2  }
0x30: {  	s2 =	sand.u32 $0x4000, s31;
	s1 =	sadd.s32 s3, s30  }
0x31: {  	s0 =	sor.u32 s2, s0;
	s1 =	sshll.u32 s1, $0x11  }
0x32: {  	s0 =	sor.u32 s1, s0  }
0x33: {  	s0 =	sadd.s32 $0x8F2B, s0  }
0x34: {  	[sflag:s0] =	ssyncadd.remote.s32 $0x1  }
0x35: {  	_ =	sfence.sel $0xFFFF  }
0x36: {  	[dreg:$0x0] =	wrdreg $0xFFFFFFFF;
	(pc) =	sbr.abs _section_cstart, $3  }
0x37: {  	[dreg:$0x1] =	wrdreg $0xFFFFFFFF  }
0x38: {  	_ =	task.clear_ibuf [dreg:s6], $0x2FFFF;
	_ =	strace $0x9FFFFFFF  }
0x39: {  	(tm) =	ssettm $0x7FFFFFFF  }
tec
execute0_lowered:
.L_overlay_start_1:
0x0: {  	(tag) =	ssettag $0x1  }
0x1: {  	s0 =	stileid.u32;
	s1 =	srdreg.scid  }
0x2: {  	s4 =	rddreg [dreg:$0x0];
	s5 =	simm.s32 $0x1;
	s8 =	simm.s32 $0x2  }
0x3: {  	s13 =	simm.s32 $0x0;
	s2 =	sshll.u32 s0, $0x5;
	s3 =	sshll.u32 s1, $0x9  }
0x4: {  	s1 =	rddreg [dreg:$0x1];
	_ =	strace $0x80000047;
	s2 =	sor.u32 s2, s3  }
0x5: {  	s14 =	simm.s32 $0x0;
	s3 =	sadd.s32 $0x302600, s4;
	s2 =	sand.u32 $0x380, s2  }
0x6: {  	s12 =	simm.s32 $0x0;
	s4 =	sadd.s32 $0x402600, s4;
	s6 =	ssub.s32 $0x4000, s2  }
.Ltmp0:
0x7: {  	[sflag:s5] =	ssyncpa.u1 $0x0;
	s7 =	sand.u32 $0x380, s6;
	(pc) =	sbr.rel .LBB1_1-.Ltmp0, $4  }
0x8: {  	[sflag:s8] =	ssyncpa.u1 $0x0;
	p0 =	sne.s32 s7, $0x0;
	s7 =	simm.s32 $0x1  }
0x9: {  	s9 =	sshrl.u32 s6, $0xA;
	s6 =	sand.u32 $0x3, s0;
	s7 =	simm.s32 @!p0 $0x0  }
0xa: {  	s10 =	smov.u32 s2;
	s11 =	smov.u32 s6;
	s7 =	sadd.s32 s7, s9  }
0xb: {  	p0 =	por $0x0, $0x0;
	s9 =	simm.s32 $0x10000;
	s8 =	sadd.s32 $0x1, s7  }
.LBB1_4:
0xc: {  	v5 =	vld [tilespmem:s18+$0xFFFFFFD0];
	[tilespmem:s17+$0x2040 ss:$0x81] =	vst.msk $0xffff, v1  }
0xd: {  	v58 =	vld [tilespmem:s18+$0xFFFFFFE0];
	[tilespmem:s17+$0x2850 ss:$0x81] =	vst.msk $0xffff, v2  }
0xe: {  	s19 =	sshra.s32 s19, $0x2;
	v59 =	vld [tilespmem:s18+$0xFFFFFFF0];
	[tilespmem:s17+$0x3060 ss:$0x81] =	vst.msk $0xffff, v3  }
0xf: {  	v60 =	vld [tilespmem:s18+$0x0];
	[tilespmem:s17+$0x0 ss:$0x81] =	vst.msk $0xffff, v0;
	s16 =	sadd.s32 s19, s16  }
0x10: {  	v61 =	vld [tilespmem:s18+$0x10];
	[tilespmem:s16+$0x3870 ss:$0x81] =	vst.msk $0xffff, v4  }
0x11: {  	v62 =	vld [tilespmem:s18+$0x20];
	[tilespmem:s16+$0x810 ss:$0x81] =	vst.msk $0xffff, v5  }
0x12: {  	v63 =	vld [tilespmem:s18+$0xFFFFFFC0];
	s14 =	sshll.u32 s14, $0x7;
	[tilespmem:s16+$0x1020 ss:$0x81] =	vst.msk $0xffff, v58  }
0x13: {  	s29 =	sand.u32 $0x78, s13;
	s30 =	sshll.u32 s13, $0x2;
	s14 =	sand.u32 $0x180, s14;
	[tilespmem:s16+$0x1830 ss:$0x81] =	vst.msk $0xffff, v59  }
0x14: {  	s18 =	sand.u32 $0xFE00, s30;
	s14 =	sor.u32 s14, s29;
	[tilespmem:s16+$0x2040 ss:$0x81] =	vst.msk $0xffff, v60  }
0x15: {  	s31 =	sand.u32 $0x7, s13;
	s14 =	sor.u32 s18, s14;
	[tilespmem:s16+$0x2850 ss:$0x81] =	vst.msk $0xffff, v61  }
0x16: {  	s13 =	sshll.u32 s31, $0x12;
	s14 =	sshrl.u32 s14, $0x3;
	[tilespmem:s16+$0x3060 ss:$0x81] =	vst.msk $0xffff, v62  }
0x17: {  	s13 =	sor.u32 $0x80, s13;
	[tilespmem:s16+$0x0 ss:$0x81] =	vst.msk $0xffff, v63;
	s14 =	sadd.s32 s4, s14  }
0x18: {  	[hbm4b:s14+s13] =	stream.strided.scatter [tilespmem:s15], [sflag:$0x2], $0x4000, s9, s13, $0x20;
	[tilespmem:$0x10100] =	vst v63  }
.LBB1_5:
0x19: {  	s15 =	sadd.s32 $0x400, s10  }
0x1a: {  	s13 =	sadd.s32 $0x4, s11;
	s17 =	smov.u32 s11;
	p2 =	sgt.s32 s15, $0x3FFF  }
0x1b: {  	s17 =	smov.u32 @p2 s13  }
0x1c: {  	s15 =	smov.u32 @p2 s2;
	p2 =	sgt.s32 s17, $0x3  }
0x1d: {  	s17 =	smov.u32 @p2 s6;
	p2 =	sne.s32 s12, s8  }
.Ltmp1:
0x1e: {  	p1 =	slt.u32 s12, $0x2;
	(pc) =	sbr.rel @!p2 .LBB1_6-.Ltmp1, $4  }
0x1f: {  	s16 =	simm.s32 @!p1 $0x2  }
0x20: {  	s14 =	smov.u32 s11;
	p0 =	por !p0, !p0;
	_ =	swait.ge @!p1 [sflag:s16], $0x4000  }
0x21: {  	s13 =	smov.u32 s10;
	[sflag:s16] =	ssyncset.done @!p1 $0x0;
	s10 =	smov.u32 s15  }
0x22: {  	s12 =	sadd.s32 $0x1, s12;
	[sflag:s16] =	ssyncadd.s32 @!p1 $0xFFFFC000;
	s11 =	smov.u32 s17  }
.LBB1_1:
0x23: {  	p1 =	sge.u32 s12, s7;
	s31 =	sadd.s32 $0xFFFFFFFF, s12  }
0x24: {  	s15 =	sxor.u32 @!p1 $0xFFFFFFFF, s12;
	s16 =	sshll.u32 @!p1 s11, $0x12;
	s17 =	sshll.u32 @!p1 s10, $0x4  }
0x25: {  	s15 =	sshll.u32 @!p1 s15, $0xE;
	s17 =	sand.u32 @!p1 $0x3FFF0, s17;
	s16 =	sadd.s32 @!p1 s3, s16  }
0x26: {  	s15 =	sand.u32 @!p1 $0x4000, s15;
	s16 =	sadd.s32 @!p1 s17, s16;
	s17 =	simm.s32 @!p1 $0x0  }
0x27: {  	[tilespmem:s15], [sflag:$0x1] =	stream.linear.gather @!p1 [hbm4b:s16+s17], $0x4000, $0x38;
	[tilespmem:$0x10100] =	vst v63  }
0x28: {  	p1 =	sge.u32 s31, s7  }
.Ltmp2:
0x29: {  	_ = 	snop;
	(pc) =	sbr.rel @p1 .LBB1_5-.Ltmp2, $1  }
0x2a: {  	_ =	sdelay $0x3  }
0x2b: {  	s15 =	simm.s32 $0x1  }
0x2c: {  	_ =	swait.ge [sflag:s5], $0x4000;
	s15 =	simm.s32 @!p0 $0x0  }
0x2d: {  	[sflag:s5] =	ssyncset.done $0x0;
	s16 =	sshll.u32 s15, $0xE  }
0x2e: {  	[sflag:s5] =	ssyncadd.s32 $0xFFFFC000;
	s18 =	sor.u32 $0x40, s16  }
0x2f: {  	s15 =	smul.u32 $0x10200, s15;
	v0 =	vld [tilespmem:s18+$0x30]  }
0x30: {  	v3 =	vld [tilespmem:s18+$0xFFFFFFD0]  }
0x31: {  	s15 =	sshrl.u32 s15, $0x2;
	v4 =	vld [tilespmem:s18+$0xFFFFFFE0]  }
0x32: {  	v5 =	vld [tilespmem:s18+$0xFFFFFFF0];
	s16 =	sor.u32 $0x8000, s15  }
0x33: {  	s31 =	sand.u32 $0x1, s12;
	v1 =	vld [tilespmem:s18+$0x0];
	s17 =	sadd.s32 $0x0, s16  }
0x34: {  	v2 =	vld [tilespmem:s18+$0x10];
	s15 =	smul.u32 $0x10200, s31;
	[tilespmem:s17+$0x3870 ss:$0x81] =	vst.msk $0xffff, v0  }
0x35: {  	[tilespmem:s17+$0x810 ss:$0x81] =	vst.msk $0xffff, v3;
	v3 =	vld [tilespmem:s18+$0x20]  }
0x36: {  	s15 =	sshrl.u32 s15, $0x2;
	v0 =	vld [tilespmem:s18+$0xFFFFFFC0];
	[tilespmem:s17+$0x1020 ss:$0x81] =	vst.msk $0xffff, v4;
	s18 =	sadd.s32 $0x80, s18  }
0x37: {  	s19 =	simm.s32 $0x4;
	s20 =	simm.s32 $0x8;
	s15 =	sor.u32 $0x8000, s15;
	[tilespmem:s17+$0x1830 ss:$0x81] =	vst.msk $0xffff, v5;
	v4 =	vld [tilespmem:s18+$0x30]  }
.LBB1_3:
0x38: {  	p1 =	sne.s32 s20, $0x1FC;
	v5 =	vld [tilespmem:s18+$0xFFFFFFD0];
	[tilespmem:s17+$0x2040 ss:$0x81] =	vst.msk $0xffff, v1  }
0x39: {  	v6 =	vld [tilespmem:s18+$0xFFFFFFE0];
	[tilespmem:s17+$0x2850 ss:$0x81] =	vst.msk $0xffff, v2  }
0x3a: {  	s21 =	sshra.s32 s19, $0x2;
	s19 =	smov.u32 s20;
	v7 =	vld [tilespmem:s18+$0xFFFFFFF0];
	[tilespmem:s17+$0x3060 ss:$0x81] =	vst.msk $0xffff, v3  }
.Ltmp3:
0x3b: {  	v1 =	vld [tilespmem:s18+$0x0];
	[tilespmem:s17+$0x0 ss:$0x81] =	vst.msk $0xffff, v0;
	s17 =	sadd.s32 s21, s16;
	(pc) =	sbr.rel @p1 .LBB1_3-.Ltmp3, $4  }
0x3c: {  	v2 =	vld [tilespmem:s18+$0x10];
	[tilespmem:s17+$0x3870 ss:$0x81] =	vst.msk $0xffff, v4  }
0x3d: {  	[tilespmem:s17+$0x810 ss:$0x81] =	vst.msk $0xffff, v5;
	v3 =	vld [tilespmem:s18+$0x20]  }
0x3e: {  	v0 =	vld [tilespmem:s18+$0xFFFFFFC0];
	[tilespmem:s17+$0x1020 ss:$0x81] =	vst.msk $0xffff, v6;
	s18 =	sadd.s32 $0x80, s18  }
0x3f: {  	s20 =	sadd.s32 $0x4, s20;
	v4 =	vld [tilespmem:s18+$0x30];
	[tilespmem:s17+$0x1830 ss:$0x81] =	vst.msk $0xffff, v7  }
.Ltmp4:
0x40: {  	_ = 	snop;
	(pc) =	sbr.rel .LBB1_4-.Ltmp4, $1  }
0x41: {  	_ =	sdelay $0x3  }
.LBB1_6:
0x42: {  	_ =	sfence.sel $0x180000  }
0x43: {  	s2 =	simm.s32 $0x1;
	[bflag:$0x0] =	sbarrier.arrive $0xFFFF  }
0x44: {  	s31 =	simm.s32 $0x2;
	[sflag:s2] =	ssyncpa.u1 $0x1  }
0x45: {  	[sflag:s31] =	ssyncpa.u1 $0x1  }
0x46: {  	p0 =	sne.s32 s0, $0x0;
	_ =	strace $0x90000047  }
0x47: {  	s0 =	sadd.s32 @!p0 $0x100000, s1;
	[bflag:$0x2] =	sbarrier.arrive $0xFFFF  }
0x48: {  	[sflag:s0] =	ssyncadd.tile.s32 @!p0 $0x1;
	_ =	shalt  }
.Lfunc_end1:
_tile_overlayer_lowered:
.L_overlay_start_2:
0x49: {  	(tag) =	ssettag $0x2  }
0x4a: {  	s0 =	rddreg [dreg:$0x0];
	s2 =	stileid.u32  }
0x4b: {  	s1 =	rddreg [dreg:$0x1];
	p0 =	sne.s32 s2, $0x0  }
0x4c: {  	s3 =	rddreg [dreg:$0x2];
	[bflag:$0x3] =	sbarrier.arrive $0xFFFF;
	s2 =	simm.s32 @!p0 $0x1C01  }
0x4d: {  	[timem:s3], [sflag:s2] =	dma.local @!p0 [hbm:s0], s1  }
0x4e: {  	s0 =	simm.s32 @!p0 $0x1  }
0x4f: {  	_ =	swait.ge @!p0 [sflag:s0], s1  }
0x50: {  	s1 =	ssub.s32 @!p0 $0x0, s1;
	[sflag:s0] =	ssyncset.done @!p0 $0x0  }
0x51: {  	[sflag:s0] =	ssyncadd.s32 @!p0 s1  }
0x52: {  	[bflag:$0x3] =	sbarrier.arrive $0xFFFF  }
0x53: {  	_ =	shalt  }

// kernel: sparse-core-data-format-call.cloned.1.call-start
scs
called_computation_lowered:
.L_overlay_start_0:
0x0: {  	s1 =	sld [smem:$0x3FD9]  }
0x1: {  	s2 =	sld [smem:$0x3FFE];
	_ =	sdelay $0x1  }
0x2: {  	s3 =	srdreg.scid  }
0x3: {  	s0 =	sand.u32 $0x1, s3  }
0x4: {  	s17 =	sshll.u32 s0, $0xA;
	s1 =	sadd.s32 s2, s1  }
0x5: {  	s1 =	sadd.s32 s1, s17  }
0x6: {  	[smem:$0x3FB0] =	sst s1  }
0x7: {  	_ = 	snop  }
0x8: {  	(tm) =	ssettm $0x1  }
0x9: {  	s18 =	sld [smem:$0x3FFB];
	_ =	sdelay $0x3  }
0xa: {  	_ =	strace s18  }
0xb: {  	s1 =	sld [smem:$0x3FFC];
	_ =	sdelay $0x3  }
0xc: {  	_ =	strace s1  }
0xd: {  	s1 =	sld [smem:$0x3FFD];
	_ =	sdelay $0x3  }
0xe: {  	_ =	strace s1  }
0xf: {  	_ =	strace $0x8FFFFFFF  }
0x10: {  	s19 =	sld [smem:$0x3FDB];
	_ =	sdelay $0x1  }
0x11: {  	s20 =	simm.s32 $_scs_section_size  }
0x12: {  	s4 =	simm.s32 $_size__tile_overlayer_lowered;
	s5 =	simm.s32 $_tile_overlayer_lowered  }
0x13: {  	s23 =	simm.s32 $0x1BFF;
	s22 =	sshll.u32 s5, $0x1;
	s1 =	sadd.s32 s20, s19  }
0x14: {  	s6 =	simm.s32 $0x0;
	s21 =	sshll.u32 s4, $0x1;
	s4 =	sadd.s32 s22, s1  }
0x15: {  	[timem:s6], [sflag:s23] =	dma.local [hbm:s4], s21  }
0x16: {  	_ =	swait.ge [sflag:s23], s21  }
0x17: {  	s2 =	ssub.s32 $0x0, s21;
	[sflag:s23] =	ssyncset.done $0x0  }
0x18: {  	[sflag:s23] =	ssyncadd.s32 s2;
	_ =	sdelay $0x1  }
0x19: {  	s24 =	simm.s32 $0x1B8B  }
0x1a: {  	_ =	swait.ge [sflag:s24], $0x1  }
0x1b: {  	[sflag:s24] =	ssyncset.done $0x0  }
0x1c: {  	s26 =	simm.s32 $0x1B8E;
	s25 =	sld [smem:$0x3FFE];
	[sflag:s24] =	ssyncadd.s32 $0xFFFFFFFF  }
0x1d: {  	s27 =	simm.s32 $execute0_lowered;
	[smem:$0x3FD2] =	sst s26  }
0x1e: {  	s4 =	sshll.u32 s27, $0x1;
	_ =	strace $0x80000055;
	[dreg:$0x1] =	wrdreg $0xFFFFFFFF  }
0x1f: {  	s28 =	simm.s32 $_size_execute0_lowered;
	s1 =	sadd.s32 s1, s4;
	[dreg:$0x0] =	wrdreg $0x0  }
0x20: {  	s4 =	sshll.u32 s28, $0x1;
	[dreg:$0x2] =	wrdreg s1  }
0x21: {  	[dreg:$0x3] =	wrdreg s4  }
0x22: {  	[dreg:$0x4] =	wrdreg $0xC0  }
0x23: {  	_ =	task [dreg:s6], $0x5FFFF  }
0x24: {  	[dreg:$0x1] =	wrdreg $0xFFFFFFFF  }
0x25: {  	[dreg:$0x0] =	wrdreg $0x60  }
0x26: {  	[dreg:$0x2] =	wrdreg s25  }
0x27: {  	[dreg:$0x3] =	wrdreg $0xB  }
0x28: {  	_ =	task.clear_ibuf [dreg:s6], $0x4FFFF;
	_ =	strace $0x90000055  }
0x29: {  	s29 =	simm.s32 $0xB;
	_ =	strace $0x80000057  }
0x2a: {  	_ =	swait.ge [sflag:s29], $0x1  }
0x2b: {  	[sflag:s29] =	ssyncadd.s32 $0xFFFFFFFF  }
0x2c: {  	_ =	strace $0x90000057  }
0x2d: {  	_ =	sfence  }
0x2e: {  	s30 =	sld [smem:$0x0];
	_ =	sdelay $0x2  }
0x2f: {  	s31 =	sshll.u32 s3, $0xD;
	s3 =	sshrl.u32 s3, $0x2  }
0x30: {  	s2 =	sand.u32 $0x4000, s31;
	s1 =	sadd.s32 s3, s30  }
0x31: {  	s0 =	sor.u32 s2, s0;
	s1 =	sshll.u32 s1, $0x11  }
0x32: {  	s0 =	sor.u32 s1, s0  }
0x33: {  	s0 =	sadd.s32 $0x8F2B, s0  }
0x34: {  	[sflag:s0] =	ssyncadd.remote.s32 $0x1  }
0x35: {  	_ =	sfence.sel $0xFFFF  }
0x36: {  	[dreg:$0x0] =	wrdreg $0xFFFFFFFF;
	(pc) =	sbr.abs _section_cstart, $3  }
0x37: {  	[dreg:$0x1] =	wrdreg $0xFFFFFFFF  }
0x38: {  	_ =	task.clear_ibuf [dreg:s6], $0x2FFFF;
	_ =	strace $0x9FFFFFFF  }
0x39: {  	(tm) =	ssettm $0x7FFFFFFF  }
tec
execute0_lowered:
.L_overlay_start_1:
0x0: {  	(tag) =	ssettag $0x1  }
0x1: {  	s0 =	stileid.u32;
	s1 =	srdreg.scid  }
0x2: {  	s4 =	rddreg [dreg:$0x0];
	s5 =	simm.s32 $0x1;
	s8 =	simm.s32 $0x2  }
0x3: {  	s13 =	simm.s32 $0x0;
	s2 =	sshll.u32 s0, $0x5;
	s1 =	sshll.u32 s1, $0x9  }
0x4: {  	s14 =	simm.s32 $0x0;
	s12 =	simm.s32 $0x0;
	s2 =	sor.u32 s2, s1  }
0x5: {  	s3 =	sadd.s32 $0x2600, s4;
	s4 =	sadd.s32 $0x333E00, s4;
	s2 =	sand.u32 $0x380, s2  }
0x6: {  	s1 =	rddreg [dreg:$0x1];
	_ =	strace $0x80000056;
	s6 =	ssub.s32 $0x4000, s2  }
.Ltmp0:
0x7: {  	[sflag:s5] =	ssyncpa.u1 $0x0;
	s7 =	sand.u32 $0x380, s6;
	(pc) =	sbr.rel .LBB1_1-.Ltmp0, $4  }
0x8: {  	[sflag:s8] =	ssyncpa.u1 $0x0;
	p0 =	sne.s32 s7, $0x0;
	s7 =	simm.s32 $0x1  }
0x9: {  	s9 =	sshrl.u32 s6, $0xA;
	s6 =	sand.u32 $0x3, s0;
	s7 =	simm.s32 @!p0 $0x0  }
0xa: {  	s10 =	smov.u32 s2;
	s11 =	smov.u32 s6;
	s7 =	sadd.s32 s7, s9  }
0xb: {  	p0 =	por $0x0, $0x0;
	s9 =	simm.s32 $0x10000;
	s8 =	sadd.s32 $0x1, s7  }
.LBB1_4:
0xc: {  	v5 =	vld [tilespmem:s18+$0xFFFFFFD0];
	[tilespmem:s17+$0x2040 ss:$0x81] =	vst.msk $0xffff, v1  }
0xd: {  	v58 =	vld [tilespmem:s18+$0xFFFFFFE0];
	[tilespmem:s17+$0x2850 ss:$0x81] =	vst.msk $0xffff, v2  }
0xe: {  	s19 =	sshra.s32 s19, $0x2;
	v59 =	vld [tilespmem:s18+$0xFFFFFFF0];
	[tilespmem:s17+$0x3060 ss:$0x81] =	vst.msk $0xffff, v3  }
0xf: {  	v60 =	vld [tilespmem:s18+$0x0];
	[tilespmem:s17+$0x0 ss:$0x81] =	vst.msk $0xffff, v0;
	s16 =	sadd.s32 s19, s16  }
0x10: {  	v61 =	vld [tilespmem:s18+$0x10];
	[tilespmem:s16+$0x3870 ss:$0x81] =	vst.msk $0xffff, v4  }
0x11: {  	v62 =	vld [tilespmem:s18+$0x20];
	[tilespmem:s16+$0x810 ss:$0x81] =	vst.msk $0xffff, v5  }
0x12: {  	v63 =	vld [tilespmem:s18+$0xFFFFFFC0];
	s14 =	sshll.u32 s14, $0x7;
	[tilespmem:s16+$0x1020 ss:$0x81] =	vst.msk $0xffff, v58  }
0x13: {  	s29 =	sand.u32 $0x78, s13;
	s30 =	sshll.u32 s13, $0x2;
	s14 =	sand.u32 $0x180, s14;
	[tilespmem:s16+$0x1830 ss:$0x81] =	vst.msk $0xffff, v59  }
0x14: {  	s18 =	sand.u32 $0xFE00, s30;
	s14 =	sor.u32 s14, s29;
	[tilespmem:s16+$0x2040 ss:$0x81] =	vst.msk $0xffff, v60  }
0x15: {  	s31 =	sand.u32 $0x7, s13;
	s14 =	sor.u32 s18, s14;
	[tilespmem:s16+$0x2850 ss:$0x81] =	vst.msk $0xffff, v61  }
0x16: {  	s13 =	sshll.u32 s31, $0x12;
	s14 =	sshrl.u32 s14, $0x3;
	[tilespmem:s16+$0x3060 ss:$0x81] =	vst.msk $0xffff, v62  }
0x17: {  	s13 =	sor.u32 $0x80, s13;
	[tilespmem:s16+$0x0 ss:$0x81] =	vst.msk $0xffff, v63;
	s14 =	sadd.s32 s4, s14  }
0x18: {  	[hbm4b:s14+s13] =	stream.strided.scatter [tilespmem:s15], [sflag:$0x2], $0x4000, s9, s13, $0x20;
	[tilespmem:$0x10100] =	vst v63  }
.LBB1_5:
0x19: {  	s15 =	sadd.s32 $0x400, s10  }
0x1a: {  	s13 =	sadd.s32 $0x4, s11;
	s17 =	smov.u32 s11;
	p2 =	sgt.s32 s15, $0x3FFF  }
0x1b: {  	s17 =	smov.u32 @p2 s13  }
0x1c: {  	s15 =	smov.u32 @p2 s2;
	p2 =	sgt.s32 s17, $0x3  }
0x1d: {  	s17 =	smov.u32 @p2 s6;
	p2 =	sne.s32 s12, s8  }
.Ltmp1:
0x1e: {  	p1 =	slt.u32 s12, $0x2;
	(pc) =	sbr.rel @!p2 .LBB1_6-.Ltmp1, $4  }
0x1f: {  	s16 =	simm.s32 @!p1 $0x2  }
0x20: {  	s14 =	smov.u32 s11;
	p0 =	por !p0, !p0;
	_ =	swait.ge @!p1 [sflag:s16], $0x4000  }
0x21: {  	s13 =	smov.u32 s10;
	[sflag:s16] =	ssyncset.done @!p1 $0x0;
	s10 =	smov.u32 s15  }
0x22: {  	s12 =	sadd.s32 $0x1, s12;
	[sflag:s16] =	ssyncadd.s32 @!p1 $0xFFFFC000;
	s11 =	smov.u32 s17  }
.LBB1_1:
0x23: {  	p1 =	sge.u32 s12, s7;
	s31 =	sadd.s32 $0xFFFFFFFF, s12  }
0x24: {  	s15 =	sxor.u32 @!p1 $0xFFFFFFFF, s12;
	s16 =	sshll.u32 @!p1 s11, $0x12;
	s17 =	sshll.u32 @!p1 s10, $0x4  }
0x25: {  	s15 =	sshll.u32 @!p1 s15, $0xE;
	s17 =	sand.u32 @!p1 $0x3FFF0, s17;
	s16 =	sadd.s32 @!p1 s3, s16  }
0x26: {  	s15 =	sand.u32 @!p1 $0x4000, s15;
	s16 =	sadd.s32 @!p1 s17, s16;
	s17 =	simm.s32 @!p1 $0x0  }
0x27: {  	[tilespmem:s15], [sflag:$0x1] =	stream.linear.gather @!p1 [hbm4b:s16+s17], $0x4000, $0x38;
	[tilespmem:$0x10100] =	vst v63  }
0x28: {  	p1 =	sge.u32 s31, s7  }
.Ltmp2:
0x29: {  	_ = 	snop;
	(pc) =	sbr.rel @p1 .LBB1_5-.Ltmp2, $1  }
0x2a: {  	_ =	sdelay $0x3  }
0x2b: {  	s15 =	simm.s32 $0x1  }
0x2c: {  	_ =	swait.ge [sflag:s5], $0x4000;
	s15 =	simm.s32 @!p0 $0x0  }
0x2d: {  	[sflag:s5] =	ssyncset.done $0x0;
	s16 =	sshll.u32 s15, $0xE  }
0x2e: {  	[sflag:s5] =	ssyncadd.s32 $0xFFFFC000;
	s18 =	sor.u32 $0x40, s16  }
0x2f: {  	s15 =	smul.u32 $0x10200, s15;
	v0 =	vld [tilespmem:s18+$0x30]  }
0x30: {  	v3 =	vld [tilespmem:s18+$0xFFFFFFD0]  }
0x31: {  	s15 =	sshrl.u32 s15, $0x2;
	v4 =	vld [tilespmem:s18+$0xFFFFFFE0]  }
0x32: {  	v5 =	vld [tilespmem:s18+$0xFFFFFFF0];
	s16 =	sor.u32 $0x8000, s15  }
0x33: {  	s31 =	sand.u32 $0x1, s12;
	v1 =	vld [tilespmem:s18+$0x0];
	s17 =	sadd.s32 $0x0, s16  }
0x34: {  	v2 =	vld [tilespmem:s18+$0x10];
	s15 =	smul.u32 $0x10200, s31;
	[tilespmem:s17+$0x3870 ss:$0x81] =	vst.msk $0xffff, v0  }
0x35: {  	[tilespmem:s17+$0x810 ss:$0x81] =	vst.msk $0xffff, v3;
	v3 =	vld [tilespmem:s18+$0x20]  }
0x36: {  	s15 =	sshrl.u32 s15, $0x2;
	v0 =	vld [tilespmem:s18+$0xFFFFFFC0];
	[tilespmem:s17+$0x1020 ss:$0x81] =	vst.msk $0xffff, v4;
	s18 =	sadd.s32 $0x80, s18  }
0x37: {  	s19 =	simm.s32 $0x4;
	s20 =	simm.s32 $0x8;
	s15 =	sor.u32 $0x8000, s15;
	[tilespmem:s17+$0x1830 ss:$0x81] =	vst.msk $0xffff, v5;
	v4 =	vld [tilespmem:s18+$0x30]  }
.LBB1_3:
0x38: {  	p1 =	sne.s32 s20, $0x1FC;
	v5 =	vld [tilespmem:s18+$0xFFFFFFD0];
	[tilespmem:s17+$0x2040 ss:$0x81] =	vst.msk $0xffff, v1  }
0x39: {  	v6 =	vld [tilespmem:s18+$0xFFFFFFE0];
	[tilespmem:s17+$0x2850 ss:$0x81] =	vst.msk $0xffff, v2  }
0x3a: {  	s21 =	sshra.s32 s19, $0x2;
	s19 =	smov.u32 s20;
	v7 =	vld [tilespmem:s18+$0xFFFFFFF0];
	[tilespmem:s17+$0x3060 ss:$0x81] =	vst.msk $0xffff, v3  }
.Ltmp3:
0x3b: {  	v1 =	vld [tilespmem:s18+$0x0];
	[tilespmem:s17+$0x0 ss:$0x81] =	vst.msk $0xffff, v0;
	s17 =	sadd.s32 s21, s16;
	(pc) =	sbr.rel @p1 .LBB1_3-.Ltmp3, $4  }
0x3c: {  	v2 =	vld [tilespmem:s18+$0x10];
	[tilespmem:s17+$0x3870 ss:$0x81] =	vst.msk $0xffff, v4  }
0x3d: {  	[tilespmem:s17+$0x810 ss:$0x81] =	vst.msk $0xffff, v5;
	v3 =	vld [tilespmem:s18+$0x20]  }
0x3e: {  	v0 =	vld [tilespmem:s18+$0xFFFFFFC0];
	[tilespmem:s17+$0x1020 ss:$0x81] =	vst.msk $0xffff, v6;
	s18 =	sadd.s32 $0x80, s18  }
0x3f: {  	s20 =	sadd.s32 $0x4, s20;
	v4 =	vld [tilespmem:s18+$0x30];
	[tilespmem:s17+$0x1830 ss:$0x81] =	vst.msk $0xffff, v7  }
.Ltmp4:
0x40: {  	_ = 	snop;
	(pc) =	sbr.rel .LBB1_4-.Ltmp4, $1  }
0x41: {  	_ =	sdelay $0x3  }
.LBB1_6:
0x42: {  	_ =	sfence.sel $0x180000  }
0x43: {  	s2 =	simm.s32 $0x1;
	[bflag:$0x0] =	sbarrier.arrive $0xFFFF  }
0x44: {  	s31 =	simm.s32 $0x2;
	[sflag:s2] =	ssyncpa.u1 $0x1  }
0x45: {  	[sflag:s31] =	ssyncpa.u1 $0x1  }
0x46: {  	p0 =	sne.s32 s0, $0x0;
	_ =	strace $0x90000056  }
0x47: {  	s0 =	sadd.s32 @!p0 $0x100000, s1;
	[bflag:$0x2] =	sbarrier.arrive $0xFFFF  }
0x48: {  	[sflag:s0] =	ssyncadd.tile.s32 @!p0 $0x1;
	_ =	shalt  }
.Lfunc_end1:
_tile_overlayer_lowered:
.L_overlay_start_2:
0x49: {  	(tag) =	ssettag $0x2  }
0x4a: {  	s0 =	rddreg [dreg:$0x0];
	s2 =	stileid.u32  }
0x4b: {  	s1 =	rddreg [dreg:$0x1];
	p0 =	sne.s32 s2, $0x0  }
0x4c: {  	s3 =	rddreg [dreg:$0x2];
	[bflag:$0x3] =	sbarrier.arrive $0xFFFF;
	s2 =	simm.s32 @!p0 $0x1C01  }
0x4d: {  	[timem:s3], [sflag:s2] =	dma.local @!p0 [hbm:s0], s1  }
0x4e: {  	s0 =	simm.s32 @!p0 $0x1  }
0x4f: {  	_ =	swait.ge @!p0 [sflag:s0], s1  }
0x50: {  	s1 =	ssub.s32 @!p0 $0x0, s1;
	[sflag:s0] =	ssyncset.done @!p0 $0x0  }
0x51: {  	[sflag:s0] =	ssyncadd.s32 @!p0 s1  }
0x52: {  	[bflag:$0x3] =	sbarrier.arrive $0xFFFF  }
0x53: {  	_ =	shalt  }

</sc_bundles>
